<compile_context>
chip_gen: v7x
topology: tpu7x:2x2x1
jax: 0.10.2.dev20260603
libtpu: 0.0.44.dev20260713+nightly
codegen_flags: <defaults>
</compile_context>

<pallas_src>
import functools

import jax
import jax.numpy as jnp
from jax import lax
from jax.experimental import pallas as pl
from jax.experimental.pallas import tpu as pltpu
from jax.experimental.pallas import tpu_sc as plsc

N = 10000
E = 320000
F1 = 128
F2 = 40
F2P = 128
LANES = 16
NC, NS = 2, 16
NW = NC * NS
CHUNK = 128
EROWS = 2560
EPAD = EROWS * CHUNK - E
RPW = EROWS // NW
HRP = RPW // 2
RT = 632
RTL = N - (NS - 1) * RT
DEGS = 640
DEGP = NS * DEGS
ACCP = N + CHUNK

_mesh = plsc.VectorSubcoreMesh(core_axis_name="c", subcore_axis_name="s")


def _deg_body(dst_hbm, out_hbm, deg_sp, dst_blk, zb, ones_v):
    c = lax.axis_index("c")
    s = lax.axis_index("s")
    w = s * NC + c

    def fill(i, _):
        zb[pl.ds(i * LANES, LANES)] = jnp.zeros((LANES,), jnp.float32)
        return 0

    lax.fori_loop(0, DEGS // LANES, fill, 0)

    def fill1(i, _):
        ones_v[pl.ds(i * LANES, LANES)] = jnp.ones((LANES,), jnp.float32)
        return 0

    lax.fori_loop(0, CHUNK // LANES, fill1, 0)

    pltpu.sync_copy(zb, deg_sp.at[pl.ds(s * DEGS, DEGS)])
    pltpu.sync_copy(dst_hbm.at[pl.ds(w * RPW, RPW)], dst_blk)
    plsc.subcore_barrier()

    def body(j, _):
        pltpu.sync_copy(ones_v, deg_sp.at[dst_blk.at[j]], add=True)
        return 0

    lax.fori_loop(0, RPW, body, 0)
    plsc.subcore_barrier()
    pltpu.sync_copy(deg_sp.at[pl.ds(s * DEGS, DEGS)],
                    out_hbm.at[c, 0, pl.ds(s * DEGS, DEGS)])


_deg_call = pl.kernel(
    _deg_body,
    out_type=jax.ShapeDtypeStruct((NC, 1, DEGP), jnp.float32),
    mesh=_mesh,
    scratch_types=[
        pltpu.VMEM_SHARED((DEGP,), jnp.float32),
        pltpu.VMEM((RPW, CHUNK), jnp.int32),
        pltpu.VMEM((DEGS,), jnp.float32),
        pltpu.VMEM((CHUNK,), jnp.float32),
    ],
)


def _acc_body(y_hbm, src_hbm, dst_hbm, out_hbm,
              acc_sp, src_blk, dst_blk, rows_v0, rows_v1,
              gsem0, gsem1, ssem0, ssem1):
    c = lax.axis_index("c")
    s = lax.axis_index("s")
    w = s * NC + c
    d = rows_v0.shape[1]

    @pl.when(jnp.logical_and(c == 0, s < NS - 1))
    def _():
        pltpu.sync_copy(y_hbm.at[pl.ds(s * RT, RT)],
                        acc_sp.at[pl.ds(s * RT, RT)])

    @pl.when(jnp.logical_and(c == 0, s == NS - 1))
    def _():
        pltpu.sync_copy(y_hbm.at[pl.ds((NS - 1) * RT, RTL)],
                        acc_sp.at[pl.ds((NS - 1) * RT, RTL)])

    @pl.when(c != 0)
    def _():
        def zf(r, _):
            for kk in range(d // LANES):
                rows_v0[r, pl.ds(kk * LANES, LANES)] = (
                    jnp.zeros((LANES,), jnp.float32))
            return 0

        lax.fori_loop(0, CHUNK, zf, 0)
        start = s * RT
        end = jnp.minimum(start + RT, N)
        for k in range(RT // CHUNK + 1):
            base = jnp.minimum(start + k * CHUNK, end - CHUNK)
            pltpu.sync_copy(rows_v0, acc_sp.at[pl.ds(base, CHUNK)])


    gat = y_hbm
    plsc.subcore_barrier()

    rows = (rows_v0, rows_v1)
    gsem = (gsem0, gsem1)
    ssem = (ssem0, ssem1)

    def drain(buf, sem_):
        pltpu.make_async_copy(y_hbm.at[pl.ds(0, CHUNK)], buf, sem_).wait()

    def half(j, b, first, last):
        o = 1 - b
        if first is None:
            drain(rows[o], ssem[o])
        else:
            @pl.when(jnp.logical_not(first))
            def _():
                drain(rows[o], ssem[o])
        if last is None:
            pltpu.async_copy(gat.at[src_blk.at[j + 1]], rows[o], gsem[o])
        else:
            @pl.when(jnp.logical_not(last))
            def _():
                pltpu.async_copy(gat.at[src_blk.at[j + 1]], rows[o], gsem[o])
        drain(rows[b], gsem[b])
        pltpu.async_copy(rows[b], acc_sp.at[dst_blk.at[j]], ssem[b], add=True)

    for p in range(RPW // HRP):
        pltpu.sync_copy(src_hbm.at[pl.ds(w * RPW + p * HRP, HRP)], src_blk)
        pltpu.sync_copy(dst_hbm.at[pl.ds(w * RPW + p * HRP, HRP)], dst_blk)
        pltpu.async_copy(gat.at[src_blk.at[0]], rows[0], gsem[0])

        def body(j0, _):
            half(2 * j0, 0, j0 == 0, None)
            half(2 * j0 + 1, 1, None, j0 == HRP // 2 - 1)
            return 0

        lax.fori_loop(0, HRP // 2, body, 0)
        drain(rows[1], ssem[1])
    plsc.subcore_barrier()

    @pl.when(s < NS - 1)
    def _():
        pltpu.sync_copy(acc_sp.at[pl.ds(s * RT, RT)],
                        out_hbm.at[c, pl.ds(s * RT, RT)])

    @pl.when(s == NS - 1)
    def _():
        pltpu.sync_copy(acc_sp.at[pl.ds((NS - 1) * RT, RTL)],
                        out_hbm.at[c, pl.ds((NS - 1) * RT, RTL)])


def _make_acc_call(d):
    return pl.kernel(
        _acc_body,
        out_type=jax.ShapeDtypeStruct((NC, N, d), jnp.float32),
        mesh=_mesh,
        scratch_types=[
            pltpu.VMEM_SHARED((ACCP, d), jnp.float32),
            pltpu.VMEM((HRP, CHUNK), jnp.int32),
            pltpu.VMEM((HRP, CHUNK), jnp.int32),
            pltpu.VMEM((CHUNK, d), jnp.float32),
            pltpu.VMEM((CHUNK, d), jnp.float32),
            pltpu.SemaphoreType.DMA,
            pltpu.SemaphoreType.DMA,
            pltpu.SemaphoreType.DMA,
            pltpu.SemaphoreType.DMA,
        ],
    )


_acc_call_128 = _make_acc_call(F1)
_acc_call_p2 = _make_acc_call(F2P)

_MB = 1000
_GRID = N // _MB


def _dinv(degt):
    return lax.rsqrt(degt[:, 0:1] + degt[:, 1:2] + 1.0)


def _tc1a_body(x_ref, w_ref, xw_ref):
    xw_ref[...] = jnp.dot(x_ref[...], w_ref[...],
                          preferred_element_type=jnp.float32)


_tc1a = pl.pallas_call(
    _tc1a_body,
    grid=(_GRID,),
    in_specs=[
        pl.BlockSpec((_MB, F1), lambda i: (i, 0)),
        pl.BlockSpec((F1, F1), lambda i: (0, 0)),
    ],
    out_specs=pl.BlockSpec((_MB, F1), lambda i: (i, 0)),
    out_shape=jax.ShapeDtypeStruct((N, F1), jnp.float32),
)


def _tc1b_body(xw_ref, degt_ref, y1_ref):
    y1_ref[...] = xw_ref[...] * _dinv(degt_ref[...])


_tc1b = pl.pallas_call(
    _tc1b_body,
    grid=(_GRID,),
    in_specs=[
        pl.BlockSpec((_MB, F1), lambda i: (i, 0)),
        pl.BlockSpec((_MB, NC), lambda i: (i, 0)),
    ],
    out_specs=pl.BlockSpec((_MB, F1), lambda i: (i, 0)),
    out_shape=jax.ShapeDtypeStruct((N, F1), jnp.float32),
)


def _tc2_body(p0_ref, p1_ref, degt_ref, b1_ref, w2_ref, h_ref, y2_ref):
    dinv = _dinv(degt_ref[...])
    h = jnp.maximum((p0_ref[...] + p1_ref[...]) * dinv + b1_ref[...], 0.0)
    h_ref[...] = h
    y2_ref[...] = jnp.dot(h, w2_ref[...],
                          preferred_element_type=jnp.float32) * dinv


_tc2 = pl.pallas_call(
    _tc2_body,
    grid=(_GRID,),
    in_specs=[
        pl.BlockSpec((_MB, F1), lambda i: (i, 0)),
        pl.BlockSpec((_MB, F1), lambda i: (i, 0)),
        pl.BlockSpec((_MB, NC), lambda i: (i, 0)),
        pl.BlockSpec((1, F1), lambda i: (0, 0)),
        pl.BlockSpec((F1, F2P), lambda i: (0, 0)),
    ],
    out_specs=[
        pl.BlockSpec((_MB, F1), lambda i: (i, 0)),
        pl.BlockSpec((_MB, F2P), lambda i: (i, 0)),
    ],
    out_shape=[
        jax.ShapeDtypeStruct((N, F1), jnp.float32),
        jax.ShapeDtypeStruct((N, F2P), jnp.float32),
    ],
)


def _tc3_body(p0_ref, p1_ref, degt_ref, b2_ref, o_ref):
    o = (p0_ref[...] + p1_ref[...]) * _dinv(degt_ref[...])
    o_ref[...] = o[:, :F2] + b2_ref[...]


_tc3 = pl.pallas_call(
    _tc3_body,
    grid=(_GRID,),
    in_specs=[
        pl.BlockSpec((_MB, F2P), lambda i: (i, 0)),
        pl.BlockSpec((_MB, F2P), lambda i: (i, 0)),
        pl.BlockSpec((_MB, NC), lambda i: (i, 0)),
        pl.BlockSpec((1, F2), lambda i: (0, 0)),
    ],
    out_specs=pl.BlockSpec((_MB, F2), lambda i: (i, 0)),
    out_shape=jax.ShapeDtypeStruct((N, F2), jnp.float32),
)


def kernel(x, edge_index, W1, b1, W2, b2):
    ei = edge_index.astype(jnp.int32)
    pr = jnp.arange(EPAD, dtype=jnp.int32)
    srcp = jnp.concatenate([ei[0], pr % CHUNK]).reshape(EROWS, CHUNK)
    dstp = jnp.concatenate([ei[1], pr % CHUNK + N]).reshape(EROWS, CHUNK)

    xw = _tc1a(x, W1)
    deg_p = _deg_call(dstp).reshape(NC, DEGP)
    degt = deg_p[:, :N].T

    y1 = _tc1b(xw, degt)
    acc1 = _acc_call_128(y1, srcp, dstp)
    h, y2 = _tc2(acc1[0], acc1[1], degt, b1.reshape(1, F1),
                 jnp.pad(W2, ((0, 0), (0, F2P - F2))))
    acc2 = _acc_call_p2(y2, srcp, dstp)
    out = _tc3(acc2[0], acc2[1], degt, b2.reshape(1, F2))
    return h, out

# --- scband reference (transcript-rebuilt; emitter-appended) ---
"""Pipeline reference for scband-gcn-64836826300546 (READ-ONLY COPY).

The authoritative reference and input builder live on the scoring server;
editing this copy changes nothing except your own understanding.
"""

import jax, jax.numpy as jnp
import numpy as np

N_NODES = 10000

def gcn_conv(x, edge_index, W, b):
    # PyG-style GCNConv: add self-loops, symmetric normalization, then propagate
    num_nodes = x.shape[0]
    loop = jnp.arange(num_nodes, dtype=edge_index.dtype)
    src = jnp.concatenate([edge_index[0], loop])
    dst = jnp.concatenate([edge_index[1], loop])
    ew = jnp.ones(src.shape[0], dtype=x.dtype)
    deg = jnp.zeros(num_nodes, dtype=x.dtype).at[dst].add(ew)
    deg_inv_sqrt = jnp.where(deg > 0, jax.lax.rsqrt(jnp.maximum(deg, 1e-12)), 0.0)
    norm = deg_inv_sqrt[src] * deg_inv_sqrt[dst]
    xw = x @ W
    msg = jnp.take(xw, src, axis=0) * norm[:, None]
    out = jnp.zeros((num_nodes, W.shape[1]), dtype=x.dtype).at[dst].add(msg)
    return out + b

def setup_inputs(seed: int = 0) -> dict:
    key = jax.random.key(seed)
    k1, k2, k3, k4, k5, k6 = jax.random.split(key, 6)
    x = jax.random.normal(k1, (N_NODES, 128), dtype=jnp.float32)
    edge_index = jax.random.randint(k2, (2, 320000), 0, N_NODES, dtype=jnp.int64)
    s1 = 1.0 / np.sqrt(128.0)
    W1 = jax.random.uniform(k3, (128, 128), dtype=jnp.float32, minval=-s1, maxval=s1)
    b1 = jnp.zeros((128,), dtype=jnp.float32)
    W2 = jax.random.uniform(k4, (128, 40), dtype=jnp.float32, minval=-s1, maxval=s1)
    b2 = jnp.zeros((40,), dtype=jnp.float32)
    return {"x": x, "edge_index": edge_index, "W1": W1, "b1": b1, "W2": W2, "b2": b2}

def reference(x, edge_index, W1, b1, W2, b2):
    # layer 1 -> relu -> dropout (eval mode: identity)
    h = gcn_conv(x, edge_index, W1, b1)
    h = jax.nn.relu(h)
    embedding = h
    out = gcn_conv(h, edge_index, W2, b2)
    return (embedding, out)

if __name__ == "__main__":
    import jax
    _d = setup_inputs()
    print(jax.jit(kernel)(*tuple(_d.values())))

</pallas_src>

<mosaic_0001>
#map = affine_map<(d0, d1) -> (0, 0)>
#map1 = affine_map<(d0, d1) -> (0, 0, 0)>
module attributes {stable_mosaic.version = 14 : i64} {
  func.func @_acc_body(%arg0: i32, %arg1: i32, %arg2: memref<10000x128xf32, #tpu.memory_space<hbm>>, %arg3: memref<2560x128xi32, #tpu.memory_space<hbm>>, %arg4: memref<2560x128xi32, #tpu.memory_space<hbm>>, %arg5: memref<2x10000x128xf32, #tpu.memory_space<hbm>>, %arg6: memref<10128x128xf32, #tpu.memory_space<vmem_shared>>, %arg7: memref<40x128xi32, #tpu.memory_space<vmem>>, %arg8: memref<40x128xi32, #tpu.memory_space<vmem>>, %arg9: memref<128x128xf32, #tpu.memory_space<vmem>>, %arg10: memref<128x128xf32, #tpu.memory_space<vmem>>, %arg11: memref<!tpu.dma_semaphore, #tpu.memory_space<semaphore_mem>>, %arg12: memref<!tpu.dma_semaphore, #tpu.memory_space<semaphore_mem>>, %arg13: memref<!tpu.dma_semaphore, #tpu.memory_space<semaphore_mem>>, %arg14: memref<!tpu.dma_semaphore, #tpu.memory_space<semaphore_mem>>) attributes {dimension_semantics = [#tpu.dimension_semantics<core_parallel>, #tpu.dimension_semantics<subcore_parallel>], iteration_bounds = array<i64: 2, 16>, scalar_prefetch = 0 : i64, scratch_operands = 9 : i64, tpu.core_type = #tpu.core_type<sc_vector_subcore>, window_params = [{transform_indices = #map}, {transform_indices = #map}, {transform_indices = #map}, {transform_indices = #map1}]} {
    %mul3A = arith.constant 2 : i32
    %mul3A_0 = arith.muli %arg1, %mul3A : i32
    %add3A = arith.addi %mul3A_0, %arg0 : i32
    %eq3A = arith.constant 0 : i32
    %eq3A_1 = arith.cmpi eq, %arg0, %eq3A : i32
    %lt3A = arith.constant 15 : i32
    %lt3A_2 = arith.cmpi slt, %arg1, %lt3A : i32
    %and3A = arith.andi %eq3A_1, %lt3A_2 : i1
    %convert_element_type3A = arith.extui %and3A : i1 to i32
    %cond3A = arith.constant 0 : i32
    %cond3A_3 = arith.cmpi ne, %convert_element_type3A, %cond3A : i32
    scf.if %cond3A_3 {
      %mul3A_80 = arith.constant 632 : i32
      %mul3A_81 = arith.muli %arg1, %mul3A_80 : i32
      %mul3A_82 = arith.constant 632 : i32
      %mul3A_83 = arith.muli %arg1, %mul3A_82 : i32
      "tpu.region"() ({
        %run_scoped3A = tpu.sem_alloc : memref<!tpu.dma_semaphore, #tpu.memory_space<semaphore_mem>>
        %dma_start3A_84 = arith.constant 0 : i32
        %dma_start3A_85 = tpu.memref_slice %arg6[%mul3A_83, %dma_start3A_84] : memref<10128x128xf32, #tpu.memory_space<vmem_shared>> -> memref<632x128xf32, #tpu.memory_space<vmem_shared>>
        %dma_start3A_86 = arith.constant 0 : i32
        %dma_start3A_87 = tpu.memref_slice %arg2[%mul3A_81, %dma_start3A_86] : memref<10000x128xf32, #tpu.memory_space<hbm>> -> memref<632x128xf32, #tpu.memory_space<hbm>>
        tpu.enqueue_dma source(%dma_start3A_87 : memref<632x128xf32, #tpu.memory_space<hbm>>) target(%dma_start3A_85 : memref<632x128xf32, #tpu.memory_space<vmem_shared>>) target_semaphore(%run_scoped3A : memref<!tpu.dma_semaphore, #tpu.memory_space<semaphore_mem>>)
        %dma_wait3A_88 = arith.constant 0 : i32
        %dma_wait3A_89 = tpu.memref_slice %arg6[%mul3A_83, %dma_wait3A_88] : memref<10128x128xf32, #tpu.memory_space<vmem_shared>> -> memref<632x128xf32, #tpu.memory_space<vmem_shared>>
        %dma_wait3A_90 = arith.constant 0 : i32
        %dma_wait3A_91 = tpu.memref_slice %arg2[%mul3A_81, %dma_wait3A_90] : memref<10000x128xf32, #tpu.memory_space<hbm>> -> memref<632x128xf32, #tpu.memory_space<hbm>>
        tpu.wait_dma2 semaphore(%run_scoped3A : memref<!tpu.dma_semaphore, #tpu.memory_space<semaphore_mem>>) src(%dma_wait3A_91 : memref<632x128xf32, #tpu.memory_space<hbm>>) dst(%dma_wait3A_89 : memref<632x128xf32, #tpu.memory_space<vmem_shared>>)
        tpu.yield
      }) : () -> ()
    } else {
    }
    %eq3A_4 = arith.constant 0 : i32
    %eq3A_5 = arith.cmpi eq, %arg0, %eq3A_4 : i32
    %eq3A_6 = arith.constant 15 : i32
    %eq3A_7 = arith.cmpi eq, %arg1, %eq3A_6 : i32
    %and3A_8 = arith.andi %eq3A_5, %eq3A_7 : i1
    %convert_element_type3A_9 = arith.extui %and3A_8 : i1 to i32
    %cond3A_10 = arith.constant 0 : i32
    %cond3A_11 = arith.cmpi ne, %convert_element_type3A_9, %cond3A_10 : i32
    scf.if %cond3A_11 {
      "tpu.region"() ({
        %run_scoped3A = tpu.sem_alloc : memref<!tpu.dma_semaphore, #tpu.memory_space<semaphore_mem>>
        %dma_start3A_80 = arith.constant 9480 : i32
        %dma_start3A_81 = arith.constant 0 : i32
        %dma_start3A_82 = tpu.memref_slice %arg6[%dma_start3A_80, %dma_start3A_81] : memref<10128x128xf32, #tpu.memory_space<vmem_shared>> -> memref<520x128xf32, #tpu.memory_space<vmem_shared>>
        %dma_start3A_83 = arith.constant 9480 : i32
        %dma_start3A_84 = arith.constant 0 : i32
        %dma_start3A_85 = tpu.memref_slice %arg2[%dma_start3A_83, %dma_start3A_84] : memref<10000x128xf32, #tpu.memory_space<hbm>> -> memref<520x128xf32, #tpu.memory_space<hbm>>
        tpu.enqueue_dma source(%dma_start3A_85 : memref<520x128xf32, #tpu.memory_space<hbm>>) target(%dma_start3A_82 : memref<520x128xf32, #tpu.memory_space<vmem_shared>>) target_semaphore(%run_scoped3A : memref<!tpu.dma_semaphore, #tpu.memory_space<semaphore_mem>>)
        %dma_wait3A_86 = arith.constant 9480 : i32
        %dma_wait3A_87 = arith.constant 0 : i32
        %dma_wait3A_88 = tpu.memref_slice %arg6[%dma_wait3A_86, %dma_wait3A_87] : memref<10128x128xf32, #tpu.memory_space<vmem_shared>> -> memref<520x128xf32, #tpu.memory_space<vmem_shared>>
        %dma_wait3A_89 = arith.constant 9480 : i32
        %dma_wait3A_90 = arith.constant 0 : i32
        %dma_wait3A_91 = tpu.memref_slice %arg2[%dma_wait3A_89, %dma_wait3A_90] : memref<10000x128xf32, #tpu.memory_space<hbm>> -> memref<520x128xf32, #tpu.memory_space<hbm>>
        tpu.wait_dma2 semaphore(%run_scoped3A : memref<!tpu.dma_semaphore, #tpu.memory_space<semaphore_mem>>) src(%dma_wait3A_91 : memref<520x128xf32, #tpu.memory_space<hbm>>) dst(%dma_wait3A_88 : memref<520x128xf32, #tpu.memory_space<vmem_shared>>)
        tpu.yield
      }) : () -> ()
    } else {
    }
    %ne3A = arith.constant 0 : i32
    %ne3A_12 = arith.cmpi ne, %arg0, %ne3A : i32
    %convert_element_type3A_13 = arith.extui %ne3A_12 : i1 to i32
    %cond3A_14 = arith.constant 0 : i32
    %cond3A_15 = arith.cmpi ne, %convert_element_type3A_13, %cond3A_14 : i32
    scf.if %cond3A_15 {
      %scan3A_80 = arith.constant 0 : i32
      %scan3A_81 = arith.constant 0 : i32
      %scan3A_82 = arith.constant 128 : i32
      %scan3A_83 = arith.addi %scan3A_81, %scan3A_82 : i32
      %scan3A_84 = arith.constant 1 : i32
      %scan3A_85 = scf.for %scan3A_116 = %scan3A_81 to %scan3A_83 step %scan3A_84 iter_args(%scan3A_117 = %scan3A_80) -> (i32)  : i32 {
        %broadcast_in_dim3A = arith.constant 0.000000e+00 : f32
        %broadcast_in_dim3A_118 = vector.broadcast %broadcast_in_dim3A : f32 to vector<16xf32>
        %swap3A = arith.index_cast %scan3A_116 : i32 to index
        %swap3A_119 = arith.constant 0 : index
        %swap3A_120 = tpu.vector_load %arg9[%swap3A, %swap3A_119] {strides = array<i32>} : memref<128x128xf32, #tpu.memory_space<vmem>>, vector<1x16xf32>,
        %swap3A_121 = vector.shape_cast %swap3A_120 : vector<1x16xf32> to vector<16xf32>
        %swap3A_122 = vector.shape_cast %broadcast_in_dim3A_118 : vector<16xf32> to vector<1x16xf32>
        tpu.vector_store %arg9[%swap3A, %swap3A_119], %swap3A_122 {strides = array<i32>} : memref<128x128xf32, #tpu.memory_space<vmem>>, vector<1x16xf32>,
        %broadcast_in_dim3A_123 = arith.constant 0.000000e+00 : f32
        %broadcast_in_dim3A_124 = vector.broadcast %broadcast_in_dim3A_123 : f32 to vector<16xf32>
        %swap3A_125 = arith.index_cast %scan3A_116 : i32 to index
        %swap3A_126 = arith.constant 16 : index
        %swap3A_127 = tpu.vector_load %arg9[%swap3A_125, %swap3A_126] {strides = array<i32>} : memref<128x128xf32, #tpu.memory_space<vmem>>, vector<1x16xf32>,
        %swap3A_128 = vector.shape_cast %swap3A_127 : vector<1x16xf32> to vector<16xf32>
        %swap3A_129 = vector.shape_cast %broadcast_in_dim3A_124 : vector<16xf32> to vector<1x16xf32>
        tpu.vector_store %arg9[%swap3A_125, %swap3A_126], %swap3A_129 {strides = array<i32>} : memref<128x128xf32, #tpu.memory_space<vmem>>, vector<1x16xf32>,
        %broadcast_in_dim3A_130 = arith.constant 0.000000e+00 : f32
        %broadcast_in_dim3A_131 = vector.broadcast %broadcast_in_dim3A_130 : f32 to vector<16xf32>
        %swap3A_132 = arith.index_cast %scan3A_116 : i32 to index
        %swap3A_133 = arith.constant 32 : index
        %swap3A_134 = tpu.vector_load %arg9[%swap3A_132, %swap3A_133] {strides = array<i32>} : memref<128x128xf32, #tpu.memory_space<vmem>>, vector<1x16xf32>,
        %swap3A_135 = vector.shape_cast %swap3A_134 : vector<1x16xf32> to vector<16xf32>
        %swap3A_136 = vector.shape_cast %broadcast_in_dim3A_131 : vector<16xf32> to vector<1x16xf32>
        tpu.vector_store %arg9[%swap3A_132, %swap3A_133], %swap3A_136 {strides = array<i32>} : memref<128x128xf32, #tpu.memory_space<vmem>>, vector<1x16xf32>,
        %broadcast_in_dim3A_137 = arith.constant 0.000000e+00 : f32
        %broadcast_in_dim3A_138 = vector.broadcast %broadcast_in_dim3A_137 : f32 to vector<16xf32>
        %swap3A_139 = arith.index_cast %scan3A_116 : i32 to index
        %swap3A_140 = arith.constant 48 : index
        %swap3A_141 = tpu.vector_load %arg9[%swap3A_139, %swap3A_140] {strides = array<i32>} : memref<128x128xf32, #tpu.memory_space<vmem>>, vector<1x16xf32>,
        %swap3A_142 = vector.shape_cast %swap3A_141 : vector<1x16xf32> to vector<16xf32>
        %swap3A_143 = vector.shape_cast %broadcast_in_dim3A_138 : vector<16xf32> to vector<1x16xf32>
        tpu.vector_store %arg9[%swap3A_139, %swap3A_140], %swap3A_143 {strides = array<i32>} : memref<128x128xf32, #tpu.memory_space<vmem>>, vector<1x16xf32>,
        %broadcast_in_dim3A_144 = arith.constant 0.000000e+00 : f32
        %broadcast_in_dim3A_145 = vector.broadcast %broadcast_in_dim3A_144 : f32 to vector<16xf32>
        %swap3A_146 = arith.index_cast %scan3A_116 : i32 to index
        %swap3A_147 = arith.constant 64 : index
        %swap3A_148 = tpu.vector_load %arg9[%swap3A_146, %swap3A_147] {strides = array<i32>} : memref<128x128xf32, #tpu.memory_space<vmem>>, vector<1x16xf32>,
        %swap3A_149 = vector.shape_cast %swap3A_148 : vector<1x16xf32> to vector<16xf32>
        %swap3A_150 = vector.shape_cast %broadcast_in_dim3A_145 : vector<16xf32> to vector<1x16xf32>
        tpu.vector_store %arg9[%swap3A_146, %swap3A_147], %swap3A_150 {strides = array<i32>} : memref<128x128xf32, #tpu.memory_space<vmem>>, vector<1x16xf32>,
        %broadcast_in_dim3A_151 = arith.constant 0.000000e+00 : f32
        %broadcast_in_dim3A_152 = vector.broadcast %broadcast_in_dim3A_151 : f32 to vector<16xf32>
        %swap3A_153 = arith.index_cast %scan3A_116 : i32 to index
        %swap3A_154 = arith.constant 80 : index
        %swap3A_155 = tpu.vector_load %arg9[%swap3A_153, %swap3A_154] {strides = array<i32>} : memref<128x128xf32, #tpu.memory_space<vmem>>, vector<1x16xf32>,
        %swap3A_156 = vector.shape_cast %swap3A_155 : vector<1x16xf32> to vector<16xf32>
        %swap3A_157 = vector.shape_cast %broadcast_in_dim3A_152 : vector<16xf32> to vector<1x16xf32>
        tpu.vector_store %arg9[%swap3A_153, %swap3A_154], %swap3A_157 {strides = array<i32>} : memref<128x128xf32, #tpu.memory_space<vmem>>, vector<1x16xf32>,
        %broadcast_in_dim3A_158 = arith.constant 0.000000e+00 : f32
        %broadcast_in_dim3A_159 = vector.broadcast %broadcast_in_dim3A_158 : f32 to vector<16xf32>
        %swap3A_160 = arith.index_cast %scan3A_116 : i32 to index
        %swap3A_161 = arith.constant 96 : index
        %swap3A_162 = tpu.vector_load %arg9[%swap3A_160, %swap3A_161] {strides = array<i32>} : memref<128x128xf32, #tpu.memory_space<vmem>>, vector<1x16xf32>,
        %swap3A_163 = vector.shape_cast %swap3A_162 : vector<1x16xf32> to vector<16xf32>
        %swap3A_164 = vector.shape_cast %broadcast_in_dim3A_159 : vector<16xf32> to vector<1x16xf32>
        tpu.vector_store %arg9[%swap3A_160, %swap3A_161], %swap3A_164 {strides = array<i32>} : memref<128x128xf32, #tpu.memory_space<vmem>>, vector<1x16xf32>,
        %broadcast_in_dim3A_165 = arith.constant 0.000000e+00 : f32
        %broadcast_in_dim3A_166 = vector.broadcast %broadcast_in_dim3A_165 : f32 to vector<16xf32>
        %swap3A_167 = arith.index_cast %scan3A_116 : i32 to index
        %swap3A_168 = arith.constant 112 : index
        %swap3A_169 = tpu.vector_load %arg9[%swap3A_167, %swap3A_168] {strides = array<i32>} : memref<128x128xf32, #tpu.memory_space<vmem>>, vector<1x16xf32>,
        %swap3A_170 = vector.shape_cast %swap3A_169 : vector<1x16xf32> to vector<16xf32>
        %swap3A_171 = vector.shape_cast %broadcast_in_dim3A_166 : vector<16xf32> to vector<1x16xf32>
        tpu.vector_store %arg9[%swap3A_167, %swap3A_168], %swap3A_171 {strides = array<i32>} : memref<128x128xf32, #tpu.memory_space<vmem>>, vector<1x16xf32>,
        %scan3A_172 = arith.constant 0 : i32
        scf.yield %scan3A_172 : i32
      }
      %scan3A_86 = arith.constant 128 : i32
      %mul3A_87 = arith.constant 632 : i32
      %mul3A_88 = arith.muli %arg1, %mul3A_87 : i32
      %add3A_89 = arith.constant 632 : i32
      %add3A_90 = arith.addi %mul3A_88, %add3A_89 : i32
      %min3A = arith.constant 10000 : i32
      %min3A_91 = arith.minsi %add3A_90, %min3A : i32
      %add3A_92 = arith.constant 0 : i32
      %add3A_93 = arith.addi %mul3A_88, %add3A_92 : i32
      %sub3A = arith.constant 128 : i32
      %sub3A_94 = arith.subi %min3A_91, %sub3A : i32
      %min3A_95 = arith.minsi %add3A_93, %sub3A_94 : i32
      "tpu.region"() ({
        %run_scoped3A = tpu.sem_alloc : memref<!tpu.dma_semaphore, #tpu.memory_space<semaphore_mem>>
        %dma_start3A_116 = arith.constant 0 : i32
        %dma_start3A_117 = tpu.memref_slice %arg6[%min3A_95, %dma_start3A_116] : memref<10128x128xf32, #tpu.memory_space<vmem_shared>> -> memref<128x128xf32, #tpu.memory_space<vmem_shared>>
        %dma_start3A_118 = arith.constant 0 : i32
        %dma_start3A_119 = tpu.memref_slice %arg6[%min3A_95, %dma_start3A_118] : memref<10128x128xf32, #tpu.memory_space<vmem_shared>> -> memref<128x128xf32, #tpu.memory_space<vmem_shared>>
        tpu.enqueue_dma source(%arg9 : memref<128x128xf32, #tpu.memory_space<vmem>>) target(%dma_start3A_119 : memref<128x128xf32, #tpu.memory_space<vmem_shared>>) target_semaphore(%run_scoped3A : memref<!tpu.dma_semaphore, #tpu.memory_space<semaphore_mem>>)
        %dma_wait3A_120 = arith.constant 0 : i32
        %dma_wait3A_121 = tpu.memref_slice %arg6[%min3A_95, %dma_wait3A_120] : memref<10128x128xf32, #tpu.memory_space<vmem_shared>> -> memref<128x128xf32, #tpu.memory_space<vmem_shared>>
        %dma_wait3A_122 = arith.constant 0 : i32
        %dma_wait3A_123 = tpu.memref_slice %arg6[%min3A_95, %dma_wait3A_122] : memref<10128x128xf32, #tpu.memory_space<vmem_shared>> -> memref<128x128xf32, #tpu.memory_space<vmem_shared>>
        tpu.wait_dma2 semaphore(%run_scoped3A : memref<!tpu.dma_semaphore, #tpu.memory_space<semaphore_mem>>) src(%arg9 : memref<128x128xf32, #tpu.memory_space<vmem>>) dst(%dma_wait3A_123 : memref<128x128xf32, #tpu.memory_space<vmem_shared>>)
        tpu.yield
      }) : () -> ()
      %add3A_96 = arith.constant 128 : i32
      %add3A_97 = arith.addi %mul3A_88, %add3A_96 : i32
      %sub3A_98 = arith.constant 128 : i32
      %sub3A_99 = arith.subi %min3A_91, %sub3A_98 : i32
      %min3A_100 = arith.minsi %add3A_97, %sub3A_99 : i32
      "tpu.region"() ({
        %run_scoped3A = tpu.sem_alloc : memref<!tpu.dma_semaphore, #tpu.memory_space<semaphore_mem>>
        %dma_start3A_116 = arith.constant 0 : i32
        %dma_start3A_117 = tpu.memref_slice %arg6[%min3A_100, %dma_start3A_116] : memref<10128x128xf32, #tpu.memory_space<vmem_shared>> -> memref<128x128xf32, #tpu.memory_space<vmem_shared>>
        %dma_start3A_118 = arith.constant 0 : i32
        %dma_start3A_119 = tpu.memref_slice %arg6[%min3A_100, %dma_start3A_118] : memref<10128x128xf32, #tpu.memory_space<vmem_shared>> -> memref<128x128xf32, #tpu.memory_space<vmem_shared>>
        tpu.enqueue_dma source(%arg9 : memref<128x128xf32, #tpu.memory_space<vmem>>) target(%dma_start3A_119 : memref<128x128xf32, #tpu.memory_space<vmem_shared>>) target_semaphore(%run_scoped3A : memref<!tpu.dma_semaphore, #tpu.memory_space<semaphore_mem>>)
        %dma_wait3A_120 = arith.constant 0 : i32
        %dma_wait3A_121 = tpu.memref_slice %arg6[%min3A_100, %dma_wait3A_120] : memref<10128x128xf32, #tpu.memory_space<vmem_shared>> -> memref<128x128xf32, #tpu.memory_space<vmem_shared>>
        %dma_wait3A_122 = arith.constant 0 : i32
        %dma_wait3A_123 = tpu.memref_slice %arg6[%min3A_100, %dma_wait3A_122] : memref<10128x128xf32, #tpu.memory_space<vmem_shared>> -> memref<128x128xf32, #tpu.memory_space<vmem_shared>>
        tpu.wait_dma2 semaphore(%run_scoped3A : memref<!tpu.dma_semaphore, #tpu.memory_space<semaphore_mem>>) src(%arg9 : memref<128x128xf32, #tpu.memory_space<vmem>>) dst(%dma_wait3A_123 : memref<128x128xf32, #tpu.memory_space<vmem_shared>>)
        tpu.yield
      }) : () -> ()
      %add3A_101 = arith.constant 256 : i32
      %add3A_102 = arith.addi %mul3A_88, %add3A_101 : i32
      %sub3A_103 = arith.constant 128 : i32
      %sub3A_104 = arith.subi %min3A_91, %sub3A_103 : i32
      %min3A_105 = arith.minsi %add3A_102, %sub3A_104 : i32
      "tpu.region"() ({
        %run_scoped3A = tpu.sem_alloc : memref<!tpu.dma_semaphore, #tpu.memory_space<semaphore_mem>>
        %dma_start3A_116 = arith.constant 0 : i32
        %dma_start3A_117 = tpu.memref_slice %arg6[%min3A_105, %dma_start3A_116] : memref<10128x128xf32, #tpu.memory_space<vmem_shared>> -> memref<128x128xf32, #tpu.memory_space<vmem_shared>>
        %dma_start3A_118 = arith.constant 0 : i32
        %dma_start3A_119 = tpu.memref_slice %arg6[%min3A_105, %dma_start3A_118] : memref<10128x128xf32, #tpu.memory_space<vmem_shared>> -> memref<128x128xf32, #tpu.memory_space<vmem_shared>>
        tpu.enqueue_dma source(%arg9 : memref<128x128xf32, #tpu.memory_space<vmem>>) target(%dma_start3A_119 : memref<128x128xf32, #tpu.memory_space<vmem_shared>>) target_semaphore(%run_scoped3A : memref<!tpu.dma_semaphore, #tpu.memory_space<semaphore_mem>>)
        %dma_wait3A_120 = arith.constant 0 : i32
        %dma_wait3A_121 = tpu.memref_slice %arg6[%min3A_105, %dma_wait3A_120] : memref<10128x128xf32, #tpu.memory_space<vmem_shared>> -> memref<128x128xf32, #tpu.memory_space<vmem_shared>>
        %dma_wait3A_122 = arith.constant 0 : i32
        %dma_wait3A_123 = tpu.memref_slice %arg6[%min3A_105, %dma_wait3A_122] : memref<10128x128xf32, #tpu.memory_space<vmem_shared>> -> memref<128x128xf32, #tpu.memory_space<vmem_shared>>
        tpu.wait_dma2 semaphore(%run_scoped3A : memref<!tpu.dma_semaphore, #tpu.memory_space<semaphore_mem>>) src(%arg9 : memref<128x128xf32, #tpu.memory_space<vmem>>) dst(%dma_wait3A_123 : memref<128x128xf32, #tpu.memory_space<vmem_shared>>)
        tpu.yield
      }) : () -> ()
      %add3A_106 = arith.constant 384 : i32
      %add3A_107 = arith.addi %mul3A_88, %add3A_106 : i32
      %sub3A_108 = arith.constant 128 : i32
      %sub3A_109 = arith.subi %min3A_91, %sub3A_108 : i32
      %min3A_110 = arith.minsi %add3A_107, %sub3A_109 : i32
      "tpu.region"() ({
        %run_scoped3A = tpu.sem_alloc : memref<!tpu.dma_semaphore, #tpu.memory_space<semaphore_mem>>
        %dma_start3A_116 = arith.constant 0 : i32
        %dma_start3A_117 = tpu.memref_slice %arg6[%min3A_110, %dma_start3A_116] : memref<10128x128xf32, #tpu.memory_space<vmem_shared>> -> memref<128x128xf32, #tpu.memory_space<vmem_shared>>
        %dma_start3A_118 = arith.constant 0 : i32
        %dma_start3A_119 = tpu.memref_slice %arg6[%min3A_110, %dma_start3A_118] : memref<10128x128xf32, #tpu.memory_space<vmem_shared>> -> memref<128x128xf32, #tpu.memory_space<vmem_shared>>
        tpu.enqueue_dma source(%arg9 : memref<128x128xf32, #tpu.memory_space<vmem>>) target(%dma_start3A_119 : memref<128x128xf32, #tpu.memory_space<vmem_shared>>) target_semaphore(%run_scoped3A : memref<!tpu.dma_semaphore, #tpu.memory_space<semaphore_mem>>)
        %dma_wait3A_120 = arith.constant 0 : i32
        %dma_wait3A_121 = tpu.memref_slice %arg6[%min3A_110, %dma_wait3A_120] : memref<10128x128xf32, #tpu.memory_space<vmem_shared>> -> memref<128x128xf32, #tpu.memory_space<vmem_shared>>
        %dma_wait3A_122 = arith.constant 0 : i32
        %dma_wait3A_123 = tpu.memref_slice %arg6[%min3A_110, %dma_wait3A_122] : memref<10128x128xf32, #tpu.memory_space<vmem_shared>> -> memref<128x128xf32, #tpu.memory_space<vmem_shared>>
        tpu.wait_dma2 semaphore(%run_scoped3A : memref<!tpu.dma_semaphore, #tpu.memory_space<semaphore_mem>>) src(%arg9 : memref<128x128xf32, #tpu.memory_space<vmem>>) dst(%dma_wait3A_123 : memref<128x128xf32, #tpu.memory_space<vmem_shared>>)
        tpu.yield
      }) : () -> ()
      %add3A_111 = arith.constant 512 : i32
      %add3A_112 = arith.addi %mul3A_88, %add3A_111 : i32
      %sub3A_113 = arith.constant 128 : i32
      %sub3A_114 = arith.subi %min3A_91, %sub3A_113 : i32
      %min3A_115 = arith.minsi %add3A_112, %sub3A_114 : i32
      "tpu.region"() ({
        %run_scoped3A = tpu.sem_alloc : memref<!tpu.dma_semaphore, #tpu.memory_space<semaphore_mem>>
        %dma_start3A_116 = arith.constant 0 : i32
        %dma_start3A_117 = tpu.memref_slice %arg6[%min3A_115, %dma_start3A_116] : memref<10128x128xf32, #tpu.memory_space<vmem_shared>> -> memref<128x128xf32, #tpu.memory_space<vmem_shared>>
        %dma_start3A_118 = arith.constant 0 : i32
        %dma_start3A_119 = tpu.memref_slice %arg6[%min3A_115, %dma_start3A_118] : memref<10128x128xf32, #tpu.memory_space<vmem_shared>> -> memref<128x128xf32, #tpu.memory_space<vmem_shared>>
        tpu.enqueue_dma source(%arg9 : memref<128x128xf32, #tpu.memory_space<vmem>>) target(%dma_start3A_119 : memref<128x128xf32, #tpu.memory_space<vmem_shared>>) target_semaphore(%run_scoped3A : memref<!tpu.dma_semaphore, #tpu.memory_space<semaphore_mem>>)
        %dma_wait3A_120 = arith.constant 0 : i32
        %dma_wait3A_121 = tpu.memref_slice %arg6[%min3A_115, %dma_wait3A_120] : memref<10128x128xf32, #tpu.memory_space<vmem_shared>> -> memref<128x128xf32, #tpu.memory_space<vmem_shared>>
        %dma_wait3A_122 = arith.constant 0 : i32
        %dma_wait3A_123 = tpu.memref_slice %arg6[%min3A_115, %dma_wait3A_122] : memref<10128x128xf32, #tpu.memory_space<vmem_shared>> -> memref<128x128xf32, #tpu.memory_space<vmem_shared>>
        tpu.wait_dma2 semaphore(%run_scoped3A : memref<!tpu.dma_semaphore, #tpu.memory_space<semaphore_mem>>) src(%arg9 : memref<128x128xf32, #tpu.memory_space<vmem>>) dst(%dma_wait3A_123 : memref<128x128xf32, #tpu.memory_space<vmem_shared>>)
        tpu.yield
      }) : () -> ()
    } else {
    }
    %barrier3A = arith.constant 0 : index
    tpu.barrier barrier_id(%barrier3A)
    %mul3A_16 = arith.constant 80 : i32
    %mul3A_17 = arith.muli %add3A, %mul3A_16 : i32
    %add3A_18 = arith.constant 0 : i32
    %add3A_19 = arith.addi %mul3A_17, %add3A_18 : i32
    "tpu.region"() ({
      %run_scoped3A = tpu.sem_alloc : memref<!tpu.dma_semaphore, #tpu.memory_space<semaphore_mem>>
      %dma_start3A_80 = arith.constant 0 : i32
      %dma_start3A_81 = tpu.memref_slice %arg3[%add3A_19, %dma_start3A_80] : memref<2560x128xi32, #tpu.memory_space<hbm>> -> memref<40x128xi32, #tpu.memory_space<hbm>>
      %dma_start3A_82 = arith.constant 0 : i32
      %dma_start3A_83 = tpu.memref_slice %arg3[%add3A_19, %dma_start3A_82] : memref<2560x128xi32, #tpu.memory_space<hbm>> -> memref<40x128xi32, #tpu.memory_space<hbm>>
      tpu.enqueue_dma source(%dma_start3A_83 : memref<40x128xi32, #tpu.memory_space<hbm>>) target(%arg7 : memref<40x128xi32, #tpu.memory_space<vmem>>) target_semaphore(%run_scoped3A : memref<!tpu.dma_semaphore, #tpu.memory_space<semaphore_mem>>)
      %dma_wait3A_84 = arith.constant 0 : i32
      %dma_wait3A_85 = tpu.memref_slice %arg3[%add3A_19, %dma_wait3A_84] : memref<2560x128xi32, #tpu.memory_space<hbm>> -> memref<40x128xi32, #tpu.memory_space<hbm>>
      %dma_wait3A_86 = arith.constant 0 : i32
      %dma_wait3A_87 = tpu.memref_slice %arg3[%add3A_19, %dma_wait3A_86] : memref<2560x128xi32, #tpu.memory_space<hbm>> -> memref<40x128xi32, #tpu.memory_space<hbm>>
      tpu.wait_dma2 semaphore(%run_scoped3A : memref<!tpu.dma_semaphore, #tpu.memory_space<semaphore_mem>>) src(%dma_wait3A_87 : memref<40x128xi32, #tpu.memory_space<hbm>>) dst(%arg7 : memref<40x128xi32, #tpu.memory_space<vmem>>)
      tpu.yield
    }) : () -> ()
    %mul3A_20 = arith.constant 80 : i32
    %mul3A_21 = arith.muli %add3A, %mul3A_20 : i32
    %add3A_22 = arith.constant 0 : i32
    %add3A_23 = arith.addi %mul3A_21, %add3A_22 : i32
    "tpu.region"() ({
      %run_scoped3A = tpu.sem_alloc : memref<!tpu.dma_semaphore, #tpu.memory_space<semaphore_mem>>
      %dma_start3A_80 = arith.constant 0 : i32
      %dma_start3A_81 = tpu.memref_slice %arg4[%add3A_23, %dma_start3A_80] : memref<2560x128xi32, #tpu.memory_space<hbm>> -> memref<40x128xi32, #tpu.memory_space<hbm>>
      %dma_start3A_82 = arith.constant 0 : i32
      %dma_start3A_83 = tpu.memref_slice %arg4[%add3A_23, %dma_start3A_82] : memref<2560x128xi32, #tpu.memory_space<hbm>> -> memref<40x128xi32, #tpu.memory_space<hbm>>
      tpu.enqueue_dma source(%dma_start3A_83 : memref<40x128xi32, #tpu.memory_space<hbm>>) target(%arg8 : memref<40x128xi32, #tpu.memory_space<vmem>>) target_semaphore(%run_scoped3A : memref<!tpu.dma_semaphore, #tpu.memory_space<semaphore_mem>>)
      %dma_wait3A_84 = arith.constant 0 : i32
      %dma_wait3A_85 = tpu.memref_slice %arg4[%add3A_23, %dma_wait3A_84] : memref<2560x128xi32, #tpu.memory_space<hbm>> -> memref<40x128xi32, #tpu.memory_space<hbm>>
      %dma_wait3A_86 = arith.constant 0 : i32
      %dma_wait3A_87 = tpu.memref_slice %arg4[%add3A_23, %dma_wait3A_86] : memref<2560x128xi32, #tpu.memory_space<hbm>> -> memref<40x128xi32, #tpu.memory_space<hbm>>
      tpu.wait_dma2 semaphore(%run_scoped3A : memref<!tpu.dma_semaphore, #tpu.memory_space<semaphore_mem>>) src(%dma_wait3A_87 : memref<40x128xi32, #tpu.memory_space<hbm>>) dst(%arg8 : memref<40x128xi32, #tpu.memory_space<vmem>>)
      tpu.yield
    }) : () -> ()
    %dma_start3A = arith.constant 0 : i32
    %dma_start3A_24 = arith.constant 0 : i32
    %dma_start3A_25 = tpu.memref_slice %arg7[%dma_start3A, %dma_start3A_24] : memref<40x128xi32, #tpu.memory_space<vmem>> -> memref<1x128xi32, #tpu.memory_space<vmem>>
    %dma_start3A_26 = tpu.memref_squeeze %dma_start3A_25 : memref<1x128xi32, #tpu.memory_space<vmem>> -> memref<128xi32, #tpu.memory_space<vmem>>
    %dma_start3A_27 = arith.constant 0 : i32
    %dma_start3A_28 = arith.constant 0 : i32
    %dma_start3A_29 = tpu.memref_slice %arg2[%dma_start3A_27, %dma_start3A_28] : memref<10000x128xf32, #tpu.memory_space<hbm>> -> memref<10000x128xf32, #tpu.memory_space<hbm>>
    tpu.enqueue_indirect_dma source(%dma_start3A_29 : memref<10000x128xf32, #tpu.memory_space<hbm>>) target(%arg9 : memref<128x128xf32, #tpu.memory_space<vmem>>) offsets(%dma_start3A_26 : memref<128xi32, #tpu.memory_space<vmem>>) semaphore(%arg11 : memref<!tpu.dma_semaphore, #tpu.memory_space<semaphore_mem>>)
    %scan3A = arith.constant 0 : i32
    %scan3A_30 = arith.constant 0 : i32
    %scan3A_31 = arith.constant 20 : i32
    %scan3A_32 = arith.addi %scan3A_30, %scan3A_31 : i32
    %scan3A_33 = arith.constant 1 : i32
    %scan3A_34 = scf.for %scan3A_80 = %scan3A_30 to %scan3A_32 step %scan3A_33 iter_args(%scan3A_81 = %scan3A) -> (i32)  : i32 {
      %mul3A_82 = arith.constant 2 : i32
      %mul3A_83 = arith.muli %mul3A_82, %scan3A_80 : i32
      %eq3A_84 = arith.constant 0 : i32
      %eq3A_85 = arith.cmpi eq, %scan3A_80, %eq3A_84 : i32
      %not3A = arith.constant true
      %not3A_86 = arith.xori %eq3A_85, %not3A : i1
      %convert_element_type3A_87 = arith.extui %not3A_86 : i1 to i32
      %cond3A_88 = arith.constant 0 : i32
      %cond3A_89 = arith.cmpi ne, %convert_element_type3A_87, %cond3A_88 : i32
      scf.if %cond3A_89 {
        %dma_wait3A_140 = arith.constant 0 : i32
        %dma_wait3A_141 = arith.constant 0 : i32
        %dma_wait3A_142 = tpu.memref_slice %arg2[%dma_wait3A_140, %dma_wait3A_141] : memref<10000x128xf32, #tpu.memory_space<hbm>> -> memref<128x128xf32, #tpu.memory_space<hbm>>
        %dma_wait3A_143 = arith.constant 0 : i32
        %dma_wait3A_144 = arith.constant 0 : i32
        %dma_wait3A_145 = tpu.memref_slice %arg2[%dma_wait3A_143, %dma_wait3A_144] : memref<10000x128xf32, #tpu.memory_space<hbm>> -> memref<128x128xf32, #tpu.memory_space<hbm>>
        tpu.wait_dma2 semaphore(%arg14 : memref<!tpu.dma_semaphore, #tpu.memory_space<semaphore_mem>>) src(%dma_wait3A_145 : memref<128x128xf32, #tpu.memory_space<hbm>>) dst(%arg10 : memref<128x128xf32, #tpu.memory_space<vmem>>)
      } else {
      }
      %add3A_90 = arith.constant 1 : i32
      %add3A_91 = arith.addi %mul3A_83, %add3A_90 : i32
      %dma_start3A_92 = arith.constant 0 : i32
      %dma_start3A_93 = tpu.memref_slice %arg7[%add3A_91, %dma_start3A_92] : memref<40x128xi32, #tpu.memory_space<vmem>> -> memref<1x128xi32, #tpu.memory_space<vmem>>
      %dma_start3A_94 = tpu.memref_squeeze %dma_start3A_93 : memref<1x128xi32, #tpu.memory_space<vmem>> -> memref<128xi32, #tpu.memory_space<vmem>>
      %dma_start3A_95 = arith.constant 0 : i32
      %dma_start3A_96 = arith.constant 0 : i32
      %dma_start3A_97 = tpu.memref_slice %arg2[%dma_start3A_95, %dma_start3A_96] : memref<10000x128xf32, #tpu.memory_space<hbm>> -> memref<10000x128xf32, #tpu.memory_space<hbm>>
      tpu.enqueue_indirect_dma source(%dma_start3A_97 : memref<10000x128xf32, #tpu.memory_space<hbm>>) target(%arg10 : memref<128x128xf32, #tpu.memory_space<vmem>>) offsets(%dma_start3A_94 : memref<128xi32, #tpu.memory_space<vmem>>) semaphore(%arg12 : memref<!tpu.dma_semaphore, #tpu.memory_space<semaphore_mem>>)
      %dma_wait3A_98 = arith.constant 0 : i32
      %dma_wait3A_99 = arith.constant 0 : i32
      %dma_wait3A_100 = tpu.memref_slice %arg2[%dma_wait3A_98, %dma_wait3A_99] : memref<10000x128xf32, #tpu.memory_space<hbm>> -> memref<128x128xf32, #tpu.memory_space<hbm>>
      %dma_wait3A_101 = arith.constant 0 : i32
      %dma_wait3A_102 = arith.constant 0 : i32
      %dma_wait3A_103 = tpu.memref_slice %arg2[%dma_wait3A_101, %dma_wait3A_102] : memref<10000x128xf32, #tpu.memory_space<hbm>> -> memref<128x128xf32, #tpu.memory_space<hbm>>
      tpu.wait_dma2 semaphore(%arg11 : memref<!tpu.dma_semaphore, #tpu.memory_space<semaphore_mem>>) src(%dma_wait3A_103 : memref<128x128xf32, #tpu.memory_space<hbm>>) dst(%arg9 : memref<128x128xf32, #tpu.memory_space<vmem>>)
      %dma_start3A_104 = arith.constant 0 : i32
      %dma_start3A_105 = tpu.memref_slice %arg8[%mul3A_83, %dma_start3A_104] : memref<40x128xi32, #tpu.memory_space<vmem>> -> memref<1x128xi32, #tpu.memory_space<vmem>>
      %dma_start3A_106 = tpu.memref_squeeze %dma_start3A_105 : memref<1x128xi32, #tpu.memory_space<vmem>> -> memref<128xi32, #tpu.memory_space<vmem>>
      %dma_start3A_107 = arith.constant 0 : i32
      %dma_start3A_108 = arith.constant 0 : i32
      %dma_start3A_109 = tpu.memref_slice %arg6[%dma_start3A_107, %dma_start3A_108] : memref<10128x128xf32, #tpu.memory_space<vmem_shared>> -> memref<10128x128xf32, #tpu.memory_space<vmem_shared>>
      tpu.enqueue_indirect_dma source(%arg9 : memref<128x128xf32, #tpu.memory_space<vmem>>) target(%dma_start3A_109 : memref<10128x128xf32, #tpu.memory_space<vmem_shared>>) offsets(%dma_start3A_106 : memref<128xi32, #tpu.memory_space<vmem>>) semaphore(%arg13 : memref<!tpu.dma_semaphore, #tpu.memory_space<semaphore_mem>>) {add = true}
      %mul3A_110 = arith.constant 2 : i32
      %mul3A_111 = arith.muli %mul3A_110, %scan3A_80 : i32
      %add3A_112 = arith.constant 1 : i32
      %add3A_113 = arith.addi %mul3A_111, %add3A_112 : i32
      %eq3A_114 = arith.constant 19 : i32
      %eq3A_115 = arith.cmpi eq, %scan3A_80, %eq3A_114 : i32
      %dma_wait3A_116 = arith.constant 0 : i32
      %dma_wait3A_117 = arith.constant 0 : i32
      %dma_wait3A_118 = tpu.memref_slice %arg2[%dma_wait3A_116, %dma_wait3A_117] : memref<10000x128xf32, #tpu.memory_space<hbm>> -> memref<128x128xf32, #tpu.memory_space<hbm>>
      %dma_wait3A_119 = arith.constant 0 : i32
      %dma_wait3A_120 = arith.constant 0 : i32
      %dma_wait3A_121 = tpu.memref_slice %arg2[%dma_wait3A_119, %dma_wait3A_120] : memref<10000x128xf32, #tpu.memory_space<hbm>> -> memref<128x128xf32, #tpu.memory_space<hbm>>
      tpu.wait_dma2 semaphore(%arg13 : memref<!tpu.dma_semaphore, #tpu.memory_space<semaphore_mem>>) src(%dma_wait3A_121 : memref<128x128xf32, #tpu.memory_space<hbm>>) dst(%arg9 : memref<128x128xf32, #tpu.memory_space<vmem>>)
      %not3A_122 = arith.constant true
      %not3A_123 = arith.xori %eq3A_115, %not3A_122 : i1
      %convert_element_type3A_124 = arith.extui %not3A_123 : i1 to i32
      %cond3A_125 = arith.constant 0 : i32
      %cond3A_126 = arith.cmpi ne, %convert_element_type3A_124, %cond3A_125 : i32
      scf.if %cond3A_126 {
        %add3A_140 = arith.constant 1 : i32
        %add3A_141 = arith.addi %add3A_113, %add3A_140 : i32
        %dma_start3A_142 = arith.constant 0 : i32
        %dma_start3A_143 = tpu.memref_slice %arg7[%add3A_141, %dma_start3A_142] : memref<40x128xi32, #tpu.memory_space<vmem>> -> memref<1x128xi32, #tpu.memory_space<vmem>>
        %dma_start3A_144 = tpu.memref_squeeze %dma_start3A_143 : memref<1x128xi32, #tpu.memory_space<vmem>> -> memref<128xi32, #tpu.memory_space<vmem>>
        %dma_start3A_145 = arith.constant 0 : i32
        %dma_start3A_146 = arith.constant 0 : i32
        %dma_start3A_147 = tpu.memref_slice %arg2[%dma_start3A_145, %dma_start3A_146] : memref<10000x128xf32, #tpu.memory_space<hbm>> -> memref<10000x128xf32, #tpu.memory_space<hbm>>
        tpu.enqueue_indirect_dma source(%dma_start3A_147 : memref<10000x128xf32, #tpu.memory_space<hbm>>) target(%arg9 : memref<128x128xf32, #tpu.memory_space<vmem>>) offsets(%dma_start3A_144 : memref<128xi32, #tpu.memory_space<vmem>>) semaphore(%arg11 : memref<!tpu.dma_semaphore, #tpu.memory_space<semaphore_mem>>)
      } else {
      }
      %dma_wait3A_127 = arith.constant 0 : i32
      %dma_wait3A_128 = arith.constant 0 : i32
      %dma_wait3A_129 = tpu.memref_slice %arg2[%dma_wait3A_127, %dma_wait3A_128] : memref<10000x128xf32, #tpu.memory_space<hbm>> -> memref<128x128xf32, #tpu.memory_space<hbm>>
      %dma_wait3A_130 = arith.constant 0 : i32
      %dma_wait3A_131 = arith.constant 0 : i32
      %dma_wait3A_132 = tpu.memref_slice %arg2[%dma_wait3A_130, %dma_wait3A_131] : memref<10000x128xf32, #tpu.memory_space<hbm>> -> memref<128x128xf32, #tpu.memory_space<hbm>>
      tpu.wait_dma2 semaphore(%arg12 : memref<!tpu.dma_semaphore, #tpu.memory_space<semaphore_mem>>) src(%dma_wait3A_132 : memref<128x128xf32, #tpu.memory_space<hbm>>) dst(%arg10 : memref<128x128xf32, #tpu.memory_space<vmem>>)
      %dma_start3A_133 = arith.constant 0 : i32
      %dma_start3A_134 = tpu.memref_slice %arg8[%add3A_113, %dma_start3A_133] : memref<40x128xi32, #tpu.memory_space<vmem>> -> memref<1x128xi32, #tpu.memory_space<vmem>>
      %dma_start3A_135 = tpu.memref_squeeze %dma_start3A_134 : memref<1x128xi32, #tpu.memory_space<vmem>> -> memref<128xi32, #tpu.memory_space<vmem>>
      %dma_start3A_136 = arith.constant 0 : i32
      %dma_start3A_137 = arith.constant 0 : i32
      %dma_start3A_138 = tpu.memref_slice %arg6[%dma_start3A_136, %dma_start3A_137] : memref<10128x128xf32, #tpu.memory_space<vmem_shared>> -> memref<10128x128xf32, #tpu.memory_space<vmem_shared>>
      tpu.enqueue_indirect_dma source(%arg10 : memref<128x128xf32, #tpu.memory_space<vmem>>) target(%dma_start3A_138 : memref<10128x128xf32, #tpu.memory_space<vmem_shared>>) offsets(%dma_start3A_135 : memref<128xi32, #tpu.memory_space<vmem>>) semaphore(%arg14 : memref<!tpu.dma_semaphore, #tpu.memory_space<semaphore_mem>>) {add = true}
      %scan3A_139 = arith.constant 0 : i32
      scf.yield %scan3A_139 : i32
    }
    %scan3A_35 = arith.constant 20 : i32
    %dma_wait3A = arith.constant 0 : i32
    %dma_wait3A_36 = arith.constant 0 : i32
    %dma_wait3A_37 = tpu.memref_slice %arg2[%dma_wait3A, %dma_wait3A_36] : memref<10000x128xf32, #tpu.memory_space<hbm>> -> memref<128x128xf32, #tpu.memory_space<hbm>>
    %dma_wait3A_38 = arith.constant 0 : i32
    %dma_wait3A_39 = arith.constant 0 : i32
    %dma_wait3A_40 = tpu.memref_slice %arg2[%dma_wait3A_38, %dma_wait3A_39] : memref<10000x128xf32, #tpu.memory_space<hbm>> -> memref<128x128xf32, #tpu.memory_space<hbm>>
    tpu.wait_dma2 semaphore(%arg14 : memref<!tpu.dma_semaphore, #tpu.memory_space<semaphore_mem>>) src(%dma_wait3A_40 : memref<128x128xf32, #tpu.memory_space<hbm>>) dst(%arg10 : memref<128x128xf32, #tpu.memory_space<vmem>>)
    %mul3A_41 = arith.constant 80 : i32
    %mul3A_42 = arith.muli %add3A, %mul3A_41 : i32
    %add3A_43 = arith.constant 40 : i32
    %add3A_44 = arith.addi %mul3A_42, %add3A_43 : i32
    "tpu.region"() ({
      %run_scoped3A = tpu.sem_alloc : memref<!tpu.dma_semaphore, #tpu.memory_space<semaphore_mem>>
      %dma_start3A_80 = arith.constant 0 : i32
      %dma_start3A_81 = tpu.memref_slice %arg3[%add3A_44, %dma_start3A_80] : memref<2560x128xi32, #tpu.memory_space<hbm>> -> memref<40x128xi32, #tpu.memory_space<hbm>>
      %dma_start3A_82 = arith.constant 0 : i32
      %dma_start3A_83 = tpu.memref_slice %arg3[%add3A_44, %dma_start3A_82] : memref<2560x128xi32, #tpu.memory_space<hbm>> -> memref<40x128xi32, #tpu.memory_space<hbm>>
      tpu.enqueue_dma source(%dma_start3A_83 : memref<40x128xi32, #tpu.memory_space<hbm>>) target(%arg7 : memref<40x128xi32, #tpu.memory_space<vmem>>) target_semaphore(%run_scoped3A : memref<!tpu.dma_semaphore, #tpu.memory_space<semaphore_mem>>)
      %dma_wait3A_84 = arith.constant 0 : i32
      %dma_wait3A_85 = tpu.memref_slice %arg3[%add3A_44, %dma_wait3A_84] : memref<2560x128xi32, #tpu.memory_space<hbm>> -> memref<40x128xi32, #tpu.memory_space<hbm>>
      %dma_wait3A_86 = arith.constant 0 : i32
      %dma_wait3A_87 = tpu.memref_slice %arg3[%add3A_44, %dma_wait3A_86] : memref<2560x128xi32, #tpu.memory_space<hbm>> -> memref<40x128xi32, #tpu.memory_space<hbm>>
      tpu.wait_dma2 semaphore(%run_scoped3A : memref<!tpu.dma_semaphore, #tpu.memory_space<semaphore_mem>>) src(%dma_wait3A_87 : memref<40x128xi32, #tpu.memory_space<hbm>>) dst(%arg7 : memref<40x128xi32, #tpu.memory_space<vmem>>)
      tpu.yield
    }) : () -> ()
    %mul3A_45 = arith.constant 80 : i32
    %mul3A_46 = arith.muli %add3A, %mul3A_45 : i32
    %add3A_47 = arith.constant 40 : i32
    %add3A_48 = arith.addi %mul3A_46, %add3A_47 : i32
    "tpu.region"() ({
      %run_scoped3A = tpu.sem_alloc : memref<!tpu.dma_semaphore, #tpu.memory_space<semaphore_mem>>
      %dma_start3A_80 = arith.constant 0 : i32
      %dma_start3A_81 = tpu.memref_slice %arg4[%add3A_48, %dma_start3A_80] : memref<2560x128xi32, #tpu.memory_space<hbm>> -> memref<40x128xi32, #tpu.memory_space<hbm>>
      %dma_start3A_82 = arith.constant 0 : i32
      %dma_start3A_83 = tpu.memref_slice %arg4[%add3A_48, %dma_start3A_82] : memref<2560x128xi32, #tpu.memory_space<hbm>> -> memref<40x128xi32, #tpu.memory_space<hbm>>
      tpu.enqueue_dma source(%dma_start3A_83 : memref<40x128xi32, #tpu.memory_space<hbm>>) target(%arg8 : memref<40x128xi32, #tpu.memory_space<vmem>>) target_semaphore(%run_scoped3A : memref<!tpu.dma_semaphore, #tpu.memory_space<semaphore_mem>>)
      %dma_wait3A_84 = arith.constant 0 : i32
      %dma_wait3A_85 = tpu.memref_slice %arg4[%add3A_48, %dma_wait3A_84] : memref<2560x128xi32, #tpu.memory_space<hbm>> -> memref<40x128xi32, #tpu.memory_space<hbm>>
      %dma_wait3A_86 = arith.constant 0 : i32
      %dma_wait3A_87 = tpu.memref_slice %arg4[%add3A_48, %dma_wait3A_86] : memref<2560x128xi32, #tpu.memory_space<hbm>> -> memref<40x128xi32, #tpu.memory_space<hbm>>
      tpu.wait_dma2 semaphore(%run_scoped3A : memref<!tpu.dma_semaphore, #tpu.memory_space<semaphore_mem>>) src(%dma_wait3A_87 : memref<40x128xi32, #tpu.memory_space<hbm>>) dst(%arg8 : memref<40x128xi32, #tpu.memory_space<vmem>>)
      tpu.yield
    }) : () -> ()
    %dma_start3A_49 = arith.constant 0 : i32
    %dma_start3A_50 = arith.constant 0 : i32
    %dma_start3A_51 = tpu.memref_slice %arg7[%dma_start3A_49, %dma_start3A_50] : memref<40x128xi32, #tpu.memory_space<vmem>> -> memref<1x128xi32, #tpu.memory_space<vmem>>
    %dma_start3A_52 = tpu.memref_squeeze %dma_start3A_51 : memref<1x128xi32, #tpu.memory_space<vmem>> -> memref<128xi32, #tpu.memory_space<vmem>>
    %dma_start3A_53 = arith.constant 0 : i32
    %dma_start3A_54 = arith.constant 0 : i32
    %dma_start3A_55 = tpu.memref_slice %arg2[%dma_start3A_53, %dma_start3A_54] : memref<10000x128xf32, #tpu.memory_space<hbm>> -> memref<10000x128xf32, #tpu.memory_space<hbm>>
    tpu.enqueue_indirect_dma source(%dma_start3A_55 : memref<10000x128xf32, #tpu.memory_space<hbm>>) target(%arg9 : memref<128x128xf32, #tpu.memory_space<vmem>>) offsets(%dma_start3A_52 : memref<128xi32, #tpu.memory_space<vmem>>) semaphore(%arg11 : memref<!tpu.dma_semaphore, #tpu.memory_space<semaphore_mem>>)
    %scan3A_56 = arith.constant 0 : i32
    %scan3A_57 = arith.constant 0 : i32
    %scan3A_58 = arith.constant 20 : i32
    %scan3A_59 = arith.addi %scan3A_57, %scan3A_58 : i32
    %scan3A_60 = arith.constant 1 : i32
    %scan3A_61 = scf.for %scan3A_80 = %scan3A_57 to %scan3A_59 step %scan3A_60 iter_args(%scan3A_81 = %scan3A_56) -> (i32)  : i32 {
      %mul3A_82 = arith.constant 2 : i32
      %mul3A_83 = arith.muli %mul3A_82, %scan3A_80 : i32
      %eq3A_84 = arith.constant 0 : i32
      %eq3A_85 = arith.cmpi eq, %scan3A_80, %eq3A_84 : i32
      %not3A = arith.constant true
      %not3A_86 = arith.xori %eq3A_85, %not3A : i1
      %convert_element_type3A_87 = arith.extui %not3A_86 : i1 to i32
      %cond3A_88 = arith.constant 0 : i32
      %cond3A_89 = arith.cmpi ne, %convert_element_type3A_87, %cond3A_88 : i32
      scf.if %cond3A_89 {
        %dma_wait3A_140 = arith.constant 0 : i32
        %dma_wait3A_141 = arith.constant 0 : i32
        %dma_wait3A_142 = tpu.memref_slice %arg2[%dma_wait3A_140, %dma_wait3A_141] : memref<10000x128xf32, #tpu.memory_space<hbm>> -> memref<128x128xf32, #tpu.memory_space<hbm>>
        %dma_wait3A_143 = arith.constant 0 : i32
        %dma_wait3A_144 = arith.constant 0 : i32
        %dma_wait3A_145 = tpu.memref_slice %arg2[%dma_wait3A_143, %dma_wait3A_144] : memref<10000x128xf32, #tpu.memory_space<hbm>> -> memref<128x128xf32, #tpu.memory_space<hbm>>
        tpu.wait_dma2 semaphore(%arg14 : memref<!tpu.dma_semaphore, #tpu.memory_space<semaphore_mem>>) src(%dma_wait3A_145 : memref<128x128xf32, #tpu.memory_space<hbm>>) dst(%arg10 : memref<128x128xf32, #tpu.memory_space<vmem>>)
      } else {
      }
      %add3A_90 = arith.constant 1 : i32
      %add3A_91 = arith.addi %mul3A_83, %add3A_90 : i32
      %dma_start3A_92 = arith.constant 0 : i32
      %dma_start3A_93 = tpu.memref_slice %arg7[%add3A_91, %dma_start3A_92] : memref<40x128xi32, #tpu.memory_space<vmem>> -> memref<1x128xi32, #tpu.memory_space<vmem>>
      %dma_start3A_94 = tpu.memref_squeeze %dma_start3A_93 : memref<1x128xi32, #tpu.memory_space<vmem>> -> memref<128xi32, #tpu.memory_space<vmem>>
      %dma_start3A_95 = arith.constant 0 : i32
      %dma_start3A_96 = arith.constant 0 : i32
      %dma_start3A_97 = tpu.memref_slice %arg2[%dma_start3A_95, %dma_start3A_96] : memref<10000x128xf32, #tpu.memory_space<hbm>> -> memref<10000x128xf32, #tpu.memory_space<hbm>>
      tpu.enqueue_indirect_dma source(%dma_start3A_97 : memref<10000x128xf32, #tpu.memory_space<hbm>>) target(%arg10 : memref<128x128xf32, #tpu.memory_space<vmem>>) offsets(%dma_start3A_94 : memref<128xi32, #tpu.memory_space<vmem>>) semaphore(%arg12 : memref<!tpu.dma_semaphore, #tpu.memory_space<semaphore_mem>>)
      %dma_wait3A_98 = arith.constant 0 : i32
      %dma_wait3A_99 = arith.constant 0 : i32
      %dma_wait3A_100 = tpu.memref_slice %arg2[%dma_wait3A_98, %dma_wait3A_99] : memref<10000x128xf32, #tpu.memory_space<hbm>> -> memref<128x128xf32, #tpu.memory_space<hbm>>
      %dma_wait3A_101 = arith.constant 0 : i32
      %dma_wait3A_102 = arith.constant 0 : i32
      %dma_wait3A_103 = tpu.memref_slice %arg2[%dma_wait3A_101, %dma_wait3A_102] : memref<10000x128xf32, #tpu.memory_space<hbm>> -> memref<128x128xf32, #tpu.memory_space<hbm>>
      tpu.wait_dma2 semaphore(%arg11 : memref<!tpu.dma_semaphore, #tpu.memory_space<semaphore_mem>>) src(%dma_wait3A_103 : memref<128x128xf32, #tpu.memory_space<hbm>>) dst(%arg9 : memref<128x128xf32, #tpu.memory_space<vmem>>)
      %dma_start3A_104 = arith.constant 0 : i32
      %dma_start3A_105 = tpu.memref_slice %arg8[%mul3A_83, %dma_start3A_104] : memref<40x128xi32, #tpu.memory_space<vmem>> -> memref<1x128xi32, #tpu.memory_space<vmem>>
      %dma_start3A_106 = tpu.memref_squeeze %dma_start3A_105 : memref<1x128xi32, #tpu.memory_space<vmem>> -> memref<128xi32, #tpu.memory_space<vmem>>
      %dma_start3A_107 = arith.constant 0 : i32
      %dma_start3A_108 = arith.constant 0 : i32
      %dma_start3A_109 = tpu.memref_slice %arg6[%dma_start3A_107, %dma_start3A_108] : memref<10128x128xf32, #tpu.memory_space<vmem_shared>> -> memref<10128x128xf32, #tpu.memory_space<vmem_shared>>
      tpu.enqueue_indirect_dma source(%arg9 : memref<128x128xf32, #tpu.memory_space<vmem>>) target(%dma_start3A_109 : memref<10128x128xf32, #tpu.memory_space<vmem_shared>>) offsets(%dma_start3A_106 : memref<128xi32, #tpu.memory_space<vmem>>) semaphore(%arg13 : memref<!tpu.dma_semaphore, #tpu.memory_space<semaphore_mem>>) {add = true}
      %mul3A_110 = arith.constant 2 : i32
      %mul3A_111 = arith.muli %mul3A_110, %scan3A_80 : i32
      %add3A_112 = arith.constant 1 : i32
      %add3A_113 = arith.addi %mul3A_111, %add3A_112 : i32
      %eq3A_114 = arith.constant 19 : i32
      %eq3A_115 = arith.cmpi eq, %scan3A_80, %eq3A_114 : i32
      %dma_wait3A_116 = arith.constant 0 : i32
      %dma_wait3A_117 = arith.constant 0 : i32
      %dma_wait3A_118 = tpu.memref_slice %arg2[%dma_wait3A_116, %dma_wait3A_117] : memref<10000x128xf32, #tpu.memory_space<hbm>> -> memref<128x128xf32, #tpu.memory_space<hbm>>
      %dma_wait3A_119 = arith.constant 0 : i32
      %dma_wait3A_120 = arith.constant 0 : i32
      %dma_wait3A_121 = tpu.memref_slice %arg2[%dma_wait3A_119, %dma_wait3A_120] : memref<10000x128xf32, #tpu.memory_space<hbm>> -> memref<128x128xf32, #tpu.memory_space<hbm>>
      tpu.wait_dma2 semaphore(%arg13 : memref<!tpu.dma_semaphore, #tpu.memory_space<semaphore_mem>>) src(%dma_wait3A_121 : memref<128x128xf32, #tpu.memory_space<hbm>>) dst(%arg9 : memref<128x128xf32, #tpu.memory_space<vmem>>)
      %not3A_122 = arith.constant true
      %not3A_123 = arith.xori %eq3A_115, %not3A_122 : i1
      %convert_element_type3A_124 = arith.extui %not3A_123 : i1 to i32
      %cond3A_125 = arith.constant 0 : i32
      %cond3A_126 = arith.cmpi ne, %convert_element_type3A_124, %cond3A_125 : i32
      scf.if %cond3A_126 {
        %add3A_140 = arith.constant 1 : i32
        %add3A_141 = arith.addi %add3A_113, %add3A_140 : i32
        %dma_start3A_142 = arith.constant 0 : i32
        %dma_start3A_143 = tpu.memref_slice %arg7[%add3A_141, %dma_start3A_142] : memref<40x128xi32, #tpu.memory_space<vmem>> -> memref<1x128xi32, #tpu.memory_space<vmem>>
        %dma_start3A_144 = tpu.memref_squeeze %dma_start3A_143 : memref<1x128xi32, #tpu.memory_space<vmem>> -> memref<128xi32, #tpu.memory_space<vmem>>
        %dma_start3A_145 = arith.constant 0 : i32
        %dma_start3A_146 = arith.constant 0 : i32
        %dma_start3A_147 = tpu.memref_slice %arg2[%dma_start3A_145, %dma_start3A_146] : memref<10000x128xf32, #tpu.memory_space<hbm>> -> memref<10000x128xf32, #tpu.memory_space<hbm>>
        tpu.enqueue_indirect_dma source(%dma_start3A_147 : memref<10000x128xf32, #tpu.memory_space<hbm>>) target(%arg9 : memref<128x128xf32, #tpu.memory_space<vmem>>) offsets(%dma_start3A_144 : memref<128xi32, #tpu.memory_space<vmem>>) semaphore(%arg11 : memref<!tpu.dma_semaphore, #tpu.memory_space<semaphore_mem>>)
      } else {
      }
      %dma_wait3A_127 = arith.constant 0 : i32
      %dma_wait3A_128 = arith.constant 0 : i32
      %dma_wait3A_129 = tpu.memref_slice %arg2[%dma_wait3A_127, %dma_wait3A_128] : memref<10000x128xf32, #tpu.memory_space<hbm>> -> memref<128x128xf32, #tpu.memory_space<hbm>>
      %dma_wait3A_130 = arith.constant 0 : i32
      %dma_wait3A_131 = arith.constant 0 : i32
      %dma_wait3A_132 = tpu.memref_slice %arg2[%dma_wait3A_130, %dma_wait3A_131] : memref<10000x128xf32, #tpu.memory_space<hbm>> -> memref<128x128xf32, #tpu.memory_space<hbm>>
      tpu.wait_dma2 semaphore(%arg12 : memref<!tpu.dma_semaphore, #tpu.memory_space<semaphore_mem>>) src(%dma_wait3A_132 : memref<128x128xf32, #tpu.memory_space<hbm>>) dst(%arg10 : memref<128x128xf32, #tpu.memory_space<vmem>>)
      %dma_start3A_133 = arith.constant 0 : i32
      %dma_start3A_134 = tpu.memref_slice %arg8[%add3A_113, %dma_start3A_133] : memref<40x128xi32, #tpu.memory_space<vmem>> -> memref<1x128xi32, #tpu.memory_space<vmem>>
      %dma_start3A_135 = tpu.memref_squeeze %dma_start3A_134 : memref<1x128xi32, #tpu.memory_space<vmem>> -> memref<128xi32, #tpu.memory_space<vmem>>
      %dma_start3A_136 = arith.constant 0 : i32
      %dma_start3A_137 = arith.constant 0 : i32
      %dma_start3A_138 = tpu.memref_slice %arg6[%dma_start3A_136, %dma_start3A_137] : memref<10128x128xf32, #tpu.memory_space<vmem_shared>> -> memref<10128x128xf32, #tpu.memory_space<vmem_shared>>
      tpu.enqueue_indirect_dma source(%arg10 : memref<128x128xf32, #tpu.memory_space<vmem>>) target(%dma_start3A_138 : memref<10128x128xf32, #tpu.memory_space<vmem_shared>>) offsets(%dma_start3A_135 : memref<128xi32, #tpu.memory_space<vmem>>) semaphore(%arg14 : memref<!tpu.dma_semaphore, #tpu.memory_space<semaphore_mem>>) {add = true}
      %scan3A_139 = arith.constant 0 : i32
      scf.yield %scan3A_139 : i32
    }
    %scan3A_62 = arith.constant 20 : i32
    %dma_wait3A_63 = arith.constant 0 : i32
    %dma_wait3A_64 = arith.constant 0 : i32
    %dma_wait3A_65 = tpu.memref_slice %arg2[%dma_wait3A_63, %dma_wait3A_64] : memref<10000x128xf32, #tpu.memory_space<hbm>> -> memref<128x128xf32, #tpu.memory_space<hbm>>
    %dma_wait3A_66 = arith.constant 0 : i32
    %dma_wait3A_67 = arith.constant 0 : i32
    %dma_wait3A_68 = tpu.memref_slice %arg2[%dma_wait3A_66, %dma_wait3A_67] : memref<10000x128xf32, #tpu.memory_space<hbm>> -> memref<128x128xf32, #tpu.memory_space<hbm>>
    tpu.wait_dma2 semaphore(%arg14 : memref<!tpu.dma_semaphore, #tpu.memory_space<semaphore_mem>>) src(%dma_wait3A_68 : memref<128x128xf32, #tpu.memory_space<hbm>>) dst(%arg10 : memref<128x128xf32, #tpu.memory_space<vmem>>)
    %barrier3A_69 = arith.constant 0 : index
    tpu.barrier barrier_id(%barrier3A_69)
    %lt3A_70 = arith.constant 15 : i32
    %lt3A_71 = arith.cmpi slt, %arg1, %lt3A_70 : i32
    %convert_element_type3A_72 = arith.extui %lt3A_71 : i1 to i32
    %cond3A_73 = arith.constant 0 : i32
    %cond3A_74 = arith.cmpi ne, %convert_element_type3A_72, %cond3A_73 : i32
    scf.if %cond3A_74 {
      %mul3A_80 = arith.constant 632 : i32
      %mul3A_81 = arith.muli %arg1, %mul3A_80 : i32
      %mul3A_82 = arith.constant 632 : i32
      %mul3A_83 = arith.muli %arg1, %mul3A_82 : i32
      "tpu.region"() ({
        %run_scoped3A = tpu.sem_alloc : memref<!tpu.dma_semaphore, #tpu.memory_space<semaphore_mem>>
        %dma_start3A_84 = arith.constant 0 : i32
        %dma_start3A_85 = tpu.memref_slice %arg5[%arg0, %mul3A_83, %dma_start3A_84] : memref<2x10000x128xf32, #tpu.memory_space<hbm>> -> memref<1x632x128xf32, #tpu.memory_space<hbm>>
        %dma_start3A_86 = tpu.memref_squeeze %dma_start3A_85 : memref<1x632x128xf32, #tpu.memory_space<hbm>> -> memref<632x128xf32, #tpu.memory_space<hbm>>
        %dma_start3A_87 = arith.constant 0 : i32
        %dma_start3A_88 = tpu.memref_slice %arg6[%mul3A_81, %dma_start3A_87] : memref<10128x128xf32, #tpu.memory_space<vmem_shared>> -> memref<632x128xf32, #tpu.memory_space<vmem_shared>>
        tpu.enqueue_dma source(%dma_start3A_88 : memref<632x128xf32, #tpu.memory_space<vmem_shared>>) target(%dma_start3A_86 : memref<632x128xf32, #tpu.memory_space<hbm>>) target_semaphore(%run_scoped3A : memref<!tpu.dma_semaphore, #tpu.memory_space<semaphore_mem>>)
        %dma_wait3A_89 = arith.constant 0 : i32
        %dma_wait3A_90 = tpu.memref_slice %arg5[%arg0, %mul3A_83, %dma_wait3A_89] : memref<2x10000x128xf32, #tpu.memory_space<hbm>> -> memref<1x632x128xf32, #tpu.memory_space<hbm>>
        %dma_wait3A_91 = tpu.memref_squeeze %dma_wait3A_90 : memref<1x632x128xf32, #tpu.memory_space<hbm>> -> memref<632x128xf32, #tpu.memory_space<hbm>>
        %dma_wait3A_92 = arith.constant 0 : i32
        %dma_wait3A_93 = tpu.memref_slice %arg6[%mul3A_81, %dma_wait3A_92] : memref<10128x128xf32, #tpu.memory_space<vmem_shared>> -> memref<632x128xf32, #tpu.memory_space<vmem_shared>>
        tpu.wait_dma2 semaphore(%run_scoped3A : memref<!tpu.dma_semaphore, #tpu.memory_space<semaphore_mem>>) src(%dma_wait3A_93 : memref<632x128xf32, #tpu.memory_space<vmem_shared>>) dst(%dma_wait3A_91 : memref<632x128xf32, #tpu.memory_space<hbm>>)
        tpu.yield
      }) : () -> ()
    } else {
    }
    %eq3A_75 = arith.constant 15 : i32
    %eq3A_76 = arith.cmpi eq, %arg1, %eq3A_75 : i32
    %convert_element_type3A_77 = arith.extui %eq3A_76 : i1 to i32
    %cond3A_78 = arith.constant 0 : i32
    %cond3A_79 = arith.cmpi ne, %convert_element_type3A_77, %cond3A_78 : i32
    scf.if %cond3A_79 {
      "tpu.region"() ({
        %run_scoped3A = tpu.sem_alloc : memref<!tpu.dma_semaphore, #tpu.memory_space<semaphore_mem>>
        %dma_start3A_80 = arith.constant 9480 : i32
        %dma_start3A_81 = arith.constant 0 : i32
        %dma_start3A_82 = tpu.memref_slice %arg5[%arg0, %dma_start3A_80, %dma_start3A_81] : memref<2x10000x128xf32, #tpu.memory_space<hbm>> -> memref<1x520x128xf32, #tpu.memory_space<hbm>>
        %dma_start3A_83 = tpu.memref_squeeze %dma_start3A_82 : memref<1x520x128xf32, #tpu.memory_space<hbm>> -> memref<520x128xf32, #tpu.memory_space<hbm>>
        %dma_start3A_84 = arith.constant 9480 : i32
        %dma_start3A_85 = arith.constant 0 : i32
        %dma_start3A_86 = tpu.memref_slice %arg6[%dma_start3A_84, %dma_start3A_85] : memref<10128x128xf32, #tpu.memory_space<vmem_shared>> -> memref<520x128xf32, #tpu.memory_space<vmem_shared>>
        tpu.enqueue_dma source(%dma_start3A_86 : memref<520x128xf32, #tpu.memory_space<vmem_shared>>) target(%dma_start3A_83 : memref<520x128xf32, #tpu.memory_space<hbm>>) target_semaphore(%run_scoped3A : memref<!tpu.dma_semaphore, #tpu.memory_space<semaphore_mem>>)
        %dma_wait3A_87 = arith.constant 9480 : i32
        %dma_wait3A_88 = arith.constant 0 : i32
        %dma_wait3A_89 = tpu.memref_slice %arg5[%arg0, %dma_wait3A_87, %dma_wait3A_88] : memref<2x10000x128xf32, #tpu.memory_space<hbm>> -> memref<1x520x128xf32, #tpu.memory_space<hbm>>
        %dma_wait3A_90 = tpu.memref_squeeze %dma_wait3A_89 : memref<1x520x128xf32, #tpu.memory_space<hbm>> -> memref<520x128xf32, #tpu.memory_space<hbm>>
        %dma_wait3A_91 = arith.constant 9480 : i32
        %dma_wait3A_92 = arith.constant 0 : i32
        %dma_wait3A_93 = tpu.memref_slice %arg6[%dma_wait3A_91, %dma_wait3A_92] : memref<10128x128xf32, #tpu.memory_space<vmem_shared>> -> memref<520x128xf32, #tpu.memory_space<vmem_shared>>
        tpu.wait_dma2 semaphore(%run_scoped3A : memref<!tpu.dma_semaphore, #tpu.memory_space<semaphore_mem>>) src(%dma_wait3A_93 : memref<520x128xf32, #tpu.memory_space<vmem_shared>>) dst(%dma_wait3A_90 : memref<520x128xf32, #tpu.memory_space<hbm>>)
        tpu.yield
      }) : () -> ()
    } else {
    }
    return
  }
}

#map = affine_map<(d0, d1) -> (0, 0)>
#map1 = affine_map<(d0, d1) -> (0, 0, 0)>
module attributes {stable_mosaic.version = 14 : i64} {
  func.func @_deg_body(%arg0: i32, %arg1: i32, %arg2: memref<2560x128xi32, #tpu.memory_space<hbm>>, %arg3: memref<2x1x10240xf32, #tpu.memory_space<hbm>>, %arg4: memref<10240xf32, #tpu.memory_space<vmem_shared>>, %arg5: memref<80x128xi32, #tpu.memory_space<vmem>>, %arg6: memref<640xf32, #tpu.memory_space<vmem>>, %arg7: memref<128xf32, #tpu.memory_space<vmem>>) attributes {dimension_semantics = [#tpu.dimension_semantics<core_parallel>, #tpu.dimension_semantics<subcore_parallel>], iteration_bounds = array<i64: 2, 16>, scalar_prefetch = 0 : i64, scratch_operands = 4 : i64, tpu.core_type = #tpu.core_type<sc_vector_subcore>, window_params = [{transform_indices = #map}, {transform_indices = #map1}]} {
    %mul3A = arith.constant 2 : i32
    %mul3A_0 = arith.muli %arg1, %mul3A : i32
    %add3A = arith.addi %mul3A_0, %arg0 : i32
    %scan3A = arith.constant 0 : i32
    %scan3A_1 = arith.constant 0 : i32
    %scan3A_2 = arith.constant 40 : i32
    %scan3A_3 = arith.addi %scan3A_1, %scan3A_2 : i32
    %scan3A_4 = arith.constant 1 : i32
    %scan3A_5 = scf.for %scan3A_30 = %scan3A_1 to %scan3A_3 step %scan3A_4 iter_args(%scan3A_31 = %scan3A) -> (i32)  : i32 {
      %broadcast_in_dim3A = arith.constant 0.000000e+00 : f32
      %broadcast_in_dim3A_32 = vector.broadcast %broadcast_in_dim3A : f32 to vector<16xf32>
      %mul3A_33 = arith.constant 16 : i32
      %mul3A_34 = arith.muli %scan3A_30, %mul3A_33 : i32
      %swap3A = arith.index_cast %mul3A_34 : i32 to index
      %swap3A_35 = tpu.vector_load %arg6[%swap3A] {strides = array<i32>} : memref<640xf32, #tpu.memory_space<vmem>>, vector<16xf32>,
      %swap3A_36 = vector.shape_cast %swap3A_35 : vector<16xf32> to vector<16xf32>
      %swap3A_37 = vector.shape_cast %broadcast_in_dim3A_32 : vector<16xf32> to vector<16xf32>
      tpu.vector_store %arg6[%swap3A], %swap3A_37 {strides = array<i32>} : memref<640xf32, #tpu.memory_space<vmem>>, vector<16xf32>,
      %scan3A_38 = arith.constant 0 : i32
      scf.yield %scan3A_38 : i32
    }
    %scan3A_6 = arith.constant 40 : i32
    %scan3A_7 = arith.constant 0 : i32
    %scan3A_8 = arith.constant 0 : i32
    %scan3A_9 = arith.constant 8 : i32
    %scan3A_10 = arith.addi %scan3A_8, %scan3A_9 : i32
    %scan3A_11 = arith.constant 1 : i32
    %scan3A_12 = scf.for %scan3A_30 = %scan3A_8 to %scan3A_10 step %scan3A_11 iter_args(%scan3A_31 = %scan3A_7) -> (i32)  : i32 {
      %broadcast_in_dim3A = arith.constant 1.000000e+00 : f32
      %broadcast_in_dim3A_32 = vector.broadcast %broadcast_in_dim3A : f32 to vector<16xf32>
      %mul3A_33 = arith.constant 16 : i32
      %mul3A_34 = arith.muli %scan3A_30, %mul3A_33 : i32
      %swap3A = arith.index_cast %mul3A_34 : i32 to index
      %swap3A_35 = tpu.vector_load %arg7[%swap3A] {strides = array<i32>} : memref<128xf32, #tpu.memory_space<vmem>>, vector<16xf32>,
      %swap3A_36 = vector.shape_cast %swap3A_35 : vector<16xf32> to vector<16xf32>
      %swap3A_37 = vector.shape_cast %broadcast_in_dim3A_32 : vector<16xf32> to vector<16xf32>
      tpu.vector_store %arg7[%swap3A], %swap3A_37 {strides = array<i32>} : memref<128xf32, #tpu.memory_space<vmem>>, vector<16xf32>,
      %scan3A_38 = arith.constant 0 : i32
      scf.yield %scan3A_38 : i32
    }
    %scan3A_13 = arith.constant 8 : i32
    %mul3A_14 = arith.constant 640 : i32
    %mul3A_15 = arith.muli %arg1, %mul3A_14 : i32
    "tpu.region"() ({
      %run_scoped3A_30 = tpu.sem_alloc : memref<!tpu.dma_semaphore, #tpu.memory_space<semaphore_mem>>
      %dma_start3A = tpu.memref_slice %arg4[%mul3A_15] : memref<10240xf32, #tpu.memory_space<vmem_shared>> -> memref<640xf32, #tpu.memory_space<vmem_shared>>
      %dma_start3A_31 = tpu.memref_slice %arg4[%mul3A_15] : memref<10240xf32, #tpu.memory_space<vmem_shared>> -> memref<640xf32, #tpu.memory_space<vmem_shared>>
      tpu.enqueue_dma source(%arg6 : memref<640xf32, #tpu.memory_space<vmem>>) target(%dma_start3A_31 : memref<640xf32, #tpu.memory_space<vmem_shared>>) target_semaphore(%run_scoped3A_30 : memref<!tpu.dma_semaphore, #tpu.memory_space<semaphore_mem>>)
      %dma_wait3A = tpu.memref_slice %arg4[%mul3A_15] : memref<10240xf32, #tpu.memory_space<vmem_shared>> -> memref<640xf32, #tpu.memory_space<vmem_shared>>
      %dma_wait3A_32 = tpu.memref_slice %arg4[%mul3A_15] : memref<10240xf32, #tpu.memory_space<vmem_shared>> -> memref<640xf32, #tpu.memory_space<vmem_shared>>
      tpu.wait_dma2 semaphore(%run_scoped3A_30 : memref<!tpu.dma_semaphore, #tpu.memory_space<semaphore_mem>>) src(%arg6 : memref<640xf32, #tpu.memory_space<vmem>>) dst(%dma_wait3A_32 : memref<640xf32, #tpu.memory_space<vmem_shared>>)
      tpu.yield
    }) : () -> ()
    %mul3A_16 = arith.constant 80 : i32
    %mul3A_17 = arith.muli %add3A, %mul3A_16 : i32
    "tpu.region"() ({
      %run_scoped3A_30 = tpu.sem_alloc : memref<!tpu.dma_semaphore, #tpu.memory_space<semaphore_mem>>
      %dma_start3A = arith.constant 0 : i32
      %dma_start3A_31 = tpu.memref_slice %arg2[%mul3A_17, %dma_start3A] : memref<2560x128xi32, #tpu.memory_space<hbm>> -> memref<80x128xi32, #tpu.memory_space<hbm>>
      %dma_start3A_32 = arith.constant 0 : i32
      %dma_start3A_33 = tpu.memref_slice %arg2[%mul3A_17, %dma_start3A_32] : memref<2560x128xi32, #tpu.memory_space<hbm>> -> memref<80x128xi32, #tpu.memory_space<hbm>>
      tpu.enqueue_dma source(%dma_start3A_33 : memref<80x128xi32, #tpu.memory_space<hbm>>) target(%arg5 : memref<80x128xi32, #tpu.memory_space<vmem>>) target_semaphore(%run_scoped3A_30 : memref<!tpu.dma_semaphore, #tpu.memory_space<semaphore_mem>>)
      %dma_wait3A = arith.constant 0 : i32
      %dma_wait3A_34 = tpu.memref_slice %arg2[%mul3A_17, %dma_wait3A] : memref<2560x128xi32, #tpu.memory_space<hbm>> -> memref<80x128xi32, #tpu.memory_space<hbm>>
      %dma_wait3A_35 = arith.constant 0 : i32
      %dma_wait3A_36 = tpu.memref_slice %arg2[%mul3A_17, %dma_wait3A_35] : memref<2560x128xi32, #tpu.memory_space<hbm>> -> memref<80x128xi32, #tpu.memory_space<hbm>>
      tpu.wait_dma2 semaphore(%run_scoped3A_30 : memref<!tpu.dma_semaphore, #tpu.memory_space<semaphore_mem>>) src(%dma_wait3A_36 : memref<80x128xi32, #tpu.memory_space<hbm>>) dst(%arg5 : memref<80x128xi32, #tpu.memory_space<vmem>>)
      tpu.yield
    }) : () -> ()
    %barrier3A = arith.constant 0 : index
    tpu.barrier barrier_id(%barrier3A)
    %scan3A_18 = arith.constant 0 : i32
    %scan3A_19 = arith.constant 0 : i32
    %scan3A_20 = arith.constant 80 : i32
    %scan3A_21 = arith.addi %scan3A_19, %scan3A_20 : i32
    %scan3A_22 = arith.constant 1 : i32
    %scan3A_23 = scf.for %scan3A_30 = %scan3A_19 to %scan3A_21 step %scan3A_22 iter_args(%scan3A_31 = %scan3A_18) -> (i32)  : i32 {
      "tpu.region"() ({
        %run_scoped3A_33 = tpu.sem_alloc : memref<!tpu.dma_semaphore, #tpu.memory_space<semaphore_mem>>
        %dma_start3A = arith.constant 0 : i32
        %dma_start3A_34 = tpu.memref_slice %arg5[%scan3A_30, %dma_start3A] : memref<80x128xi32, #tpu.memory_space<vmem>> -> memref<1x128xi32, #tpu.memory_space<vmem>>
        %dma_start3A_35 = tpu.memref_squeeze %dma_start3A_34 : memref<1x128xi32, #tpu.memory_space<vmem>> -> memref<128xi32, #tpu.memory_space<vmem>>
        %dma_start3A_36 = arith.constant 0 : i32
        %dma_start3A_37 = tpu.memref_slice %arg4[%dma_start3A_36] : memref<10240xf32, #tpu.memory_space<vmem_shared>> -> memref<10240xf32, #tpu.memory_space<vmem_shared>>
        tpu.enqueue_indirect_dma source(%arg7 : memref<128xf32, #tpu.memory_space<vmem>>) target(%dma_start3A_37 : memref<10240xf32, #tpu.memory_space<vmem_shared>>) offsets(%dma_start3A_35 : memref<128xi32, #tpu.memory_space<vmem>>) semaphore(%run_scoped3A_33 : memref<!tpu.dma_semaphore, #tpu.memory_space<semaphore_mem>>) {add = true}
        %dma_wait3A = arith.constant 0 : i32
        %dma_wait3A_38 = tpu.memref_slice %arg5[%scan3A_30, %dma_wait3A] : memref<80x128xi32, #tpu.memory_space<vmem>> -> memref<1x128xi32, #tpu.memory_space<vmem>>
        %dma_wait3A_39 = tpu.memref_squeeze %dma_wait3A_38 : memref<1x128xi32, #tpu.memory_space<vmem>> -> memref<128xi32, #tpu.memory_space<vmem>>
        %dma_wait3A_40 = arith.constant 0 : i32
        %dma_wait3A_41 = tpu.memref_slice %arg4[%dma_wait3A_40] : memref<10240xf32, #tpu.memory_space<vmem_shared>> -> memref<10240xf32, #tpu.memory_space<vmem_shared>>
        tpu.wait_indirect_dma semaphore(%run_scoped3A_33 : memref<!tpu.dma_semaphore, #tpu.memory_space<semaphore_mem>>) src(%arg7 : memref<128xf32, #tpu.memory_space<vmem>>) dst(%dma_wait3A_41 : memref<10240xf32, #tpu.memory_space<vmem_shared>>)
        tpu.yield
      }) : () -> ()
      %scan3A_32 = arith.constant 0 : i32
      scf.yield %scan3A_32 : i32
    }
    %scan3A_24 = arith.constant 80 : i32
    %barrier3A_25 = arith.constant 0 : index
    tpu.barrier barrier_id(%barrier3A_25)
    %mul3A_26 = arith.constant 640 : i32
    %mul3A_27 = arith.muli %arg1, %mul3A_26 : i32
    %mul3A_28 = arith.constant 640 : i32
    %mul3A_29 = arith.muli %arg1, %mul3A_28 : i32
    %run_scoped3A = arith.constant 0 : i32
    "tpu.region"() ({
      %run_scoped3A_30 = tpu.sem_alloc : memref<!tpu.dma_semaphore, #tpu.memory_space<semaphore_mem>>
      %dma_start3A = tpu.memref_slice %arg3[%arg0, %run_scoped3A, %mul3A_29] : memref<2x1x10240xf32, #tpu.memory_space<hbm>> -> memref<1x1x640xf32, #tpu.memory_space<hbm>>
      %dma_start3A_31 = tpu.memref_squeeze %dma_start3A : memref<1x1x640xf32, #tpu.memory_space<hbm>> -> memref<640xf32, #tpu.memory_space<hbm>>
      %dma_start3A_32 = tpu.memref_slice %arg4[%mul3A_27] : memref<10240xf32, #tpu.memory_space<vmem_shared>> -> memref<640xf32, #tpu.memory_space<vmem_shared>>
      tpu.enqueue_dma source(%dma_start3A_32 : memref<640xf32, #tpu.memory_space<vmem_shared>>) target(%dma_start3A_31 : memref<640xf32, #tpu.memory_space<hbm>>) target_semaphore(%run_scoped3A_30 : memref<!tpu.dma_semaphore, #tpu.memory_space<semaphore_mem>>)
      %dma_wait3A = tpu.memref_slice %arg3[%arg0, %run_scoped3A, %mul3A_29] : memref<2x1x10240xf32, #tpu.memory_space<hbm>> -> memref<1x1x640xf32, #tpu.memory_space<hbm>>
      %dma_wait3A_33 = tpu.memref_squeeze %dma_wait3A : memref<1x1x640xf32, #tpu.memory_space<hbm>> -> memref<640xf32, #tpu.memory_space<hbm>>
      %dma_wait3A_34 = tpu.memref_slice %arg4[%mul3A_27] : memref<10240xf32, #tpu.memory_space<vmem_shared>> -> memref<640xf32, #tpu.memory_space<vmem_shared>>
      tpu.wait_dma2 semaphore(%run_scoped3A_30 : memref<!tpu.dma_semaphore, #tpu.memory_space<semaphore_mem>>) src(%dma_wait3A_34 : memref<640xf32, #tpu.memory_space<vmem_shared>>) dst(%dma_wait3A_33 : memref<640xf32, #tpu.memory_space<hbm>>)
      tpu.yield
    }) : () -> ()
    return
  }
}

#map = affine_map<(d0, d1) -> (0, 0)>
#map1 = affine_map<(d0, d1) -> (0, 0, 0)>
module attributes {stable_mosaic.version = 14 : i64} {
  func.func @_acc_body(%arg0: i32, %arg1: i32, %arg2: memref<10000x128xf32, #tpu.memory_space<hbm>>, %arg3: memref<2560x128xi32, #tpu.memory_space<hbm>>, %arg4: memref<2560x128xi32, #tpu.memory_space<hbm>>, %arg5: memref<2x10000x128xf32, #tpu.memory_space<hbm>>, %arg6: memref<10128x128xf32, #tpu.memory_space<vmem_shared>>, %arg7: memref<40x128xi32, #tpu.memory_space<vmem>>, %arg8: memref<40x128xi32, #tpu.memory_space<vmem>>, %arg9: memref<128x128xf32, #tpu.memory_space<vmem>>, %arg10: memref<128x128xf32, #tpu.memory_space<vmem>>, %arg11: memref<!tpu.dma_semaphore, #tpu.memory_space<semaphore_mem>>, %arg12: memref<!tpu.dma_semaphore, #tpu.memory_space<semaphore_mem>>, %arg13: memref<!tpu.dma_semaphore, #tpu.memory_space<semaphore_mem>>, %arg14: memref<!tpu.dma_semaphore, #tpu.memory_space<semaphore_mem>>) attributes {dimension_semantics = [#tpu.dimension_semantics<core_parallel>, #tpu.dimension_semantics<subcore_parallel>], iteration_bounds = array<i64: 2, 16>, scalar_prefetch = 0 : i64, scratch_operands = 9 : i64, tpu.core_type = #tpu.core_type<sc_vector_subcore>, window_params = [{transform_indices = #map}, {transform_indices = #map}, {transform_indices = #map}, {transform_indices = #map1}]} {
    %mul3A = arith.constant 2 : i32
    %mul3A_0 = arith.muli %arg1, %mul3A : i32
    %add3A = arith.addi %mul3A_0, %arg0 : i32
    %eq3A = arith.constant 0 : i32
    %eq3A_1 = arith.cmpi eq, %arg0, %eq3A : i32
    %lt3A = arith.constant 15 : i32
    %lt3A_2 = arith.cmpi slt, %arg1, %lt3A : i32
    %and3A = arith.andi %eq3A_1, %lt3A_2 : i1
    %convert_element_type3A = arith.extui %and3A : i1 to i32
    %cond3A = arith.constant 0 : i32
    %cond3A_3 = arith.cmpi ne, %convert_element_type3A, %cond3A : i32
    scf.if %cond3A_3 {
      %mul3A_80 = arith.constant 632 : i32
      %mul3A_81 = arith.muli %arg1, %mul3A_80 : i32
      %mul3A_82 = arith.constant 632 : i32
      %mul3A_83 = arith.muli %arg1, %mul3A_82 : i32
      "tpu.region"() ({
        %run_scoped3A = tpu.sem_alloc : memref<!tpu.dma_semaphore, #tpu.memory_space<semaphore_mem>>
        %dma_start3A_84 = arith.constant 0 : i32
        %dma_start3A_85 = tpu.memref_slice %arg6[%mul3A_83, %dma_start3A_84] : memref<10128x128xf32, #tpu.memory_space<vmem_shared>> -> memref<632x128xf32, #tpu.memory_space<vmem_shared>>
        %dma_start3A_86 = arith.constant 0 : i32
        %dma_start3A_87 = tpu.memref_slice %arg2[%mul3A_81, %dma_start3A_86] : memref<10000x128xf32, #tpu.memory_space<hbm>> -> memref<632x128xf32, #tpu.memory_space<hbm>>
        tpu.enqueue_dma source(%dma_start3A_87 : memref<632x128xf32, #tpu.memory_space<hbm>>) target(%dma_start3A_85 : memref<632x128xf32, #tpu.memory_space<vmem_shared>>) target_semaphore(%run_scoped3A : memref<!tpu.dma_semaphore, #tpu.memory_space<semaphore_mem>>)
        %dma_wait3A_88 = arith.constant 0 : i32
        %dma_wait3A_89 = tpu.memref_slice %arg6[%mul3A_83, %dma_wait3A_88] : memref<10128x128xf32, #tpu.memory_space<vmem_shared>> -> memref<632x128xf32, #tpu.memory_space<vmem_shared>>
        %dma_wait3A_90 = arith.constant 0 : i32
        %dma_wait3A_91 = tpu.memref_slice %arg2[%mul3A_81, %dma_wait3A_90] : memref<10000x128xf32, #tpu.memory_space<hbm>> -> memref<632x128xf32, #tpu.memory_space<hbm>>
        tpu.wait_dma2 semaphore(%run_scoped3A : memref<!tpu.dma_semaphore, #tpu.memory_space<semaphore_mem>>) src(%dma_wait3A_91 : memref<632x128xf32, #tpu.memory_space<hbm>>) dst(%dma_wait3A_89 : memref<632x128xf32, #tpu.memory_space<vmem_shared>>)
        tpu.yield
      }) : () -> ()
    } else {
    }
    %eq3A_4 = arith.constant 0 : i32
    %eq3A_5 = arith.cmpi eq, %arg0, %eq3A_4 : i32
    %eq3A_6 = arith.constant 15 : i32
    %eq3A_7 = arith.cmpi eq, %arg1, %eq3A_6 : i32
    %and3A_8 = arith.andi %eq3A_5, %eq3A_7 : i1
    %convert_element_type3A_9 = arith.extui %and3A_8 : i1 to i32
    %cond3A_10 = arith.constant 0 : i32
    %cond3A_11 = arith.cmpi ne, %convert_element_type3A_9, %cond3A_10 : i32
    scf.if %cond3A_11 {
      "tpu.region"() ({
        %run_scoped3A = tpu.sem_alloc : memref<!tpu.dma_semaphore, #tpu.memory_space<semaphore_mem>>
        %dma_start3A_80 = arith.constant 9480 : i32
        %dma_start3A_81 = arith.constant 0 : i32
        %dma_start3A_82 = tpu.memref_slice %arg6[%dma_start3A_80, %dma_start3A_81] : memref<10128x128xf32, #tpu.memory_space<vmem_shared>> -> memref<520x128xf32, #tpu.memory_space<vmem_shared>>
        %dma_start3A_83 = arith.constant 9480 : i32
        %dma_start3A_84 = arith.constant 0 : i32
        %dma_start3A_85 = tpu.memref_slice %arg2[%dma_start3A_83, %dma_start3A_84] : memref<10000x128xf32, #tpu.memory_space<hbm>> -> memref<520x128xf32, #tpu.memory_space<hbm>>
        tpu.enqueue_dma source(%dma_start3A_85 : memref<520x128xf32, #tpu.memory_space<hbm>>) target(%dma_start3A_82 : memref<520x128xf32, #tpu.memory_space<vmem_shared>>) target_semaphore(%run_scoped3A : memref<!tpu.dma_semaphore, #tpu.memory_space<semaphore_mem>>)
        %dma_wait3A_86 = arith.constant 9480 : i32
        %dma_wait3A_87 = arith.constant 0 : i32
        %dma_wait3A_88 = tpu.memref_slice %arg6[%dma_wait3A_86, %dma_wait3A_87] : memref<10128x128xf32, #tpu.memory_space<vmem_shared>> -> memref<520x128xf32, #tpu.memory_space<vmem_shared>>
        %dma_wait3A_89 = arith.constant 9480 : i32
        %dma_wait3A_90 = arith.constant 0 : i32
        %dma_wait3A_91 = tpu.memref_slice %arg2[%dma_wait3A_89, %dma_wait3A_90] : memref<10000x128xf32, #tpu.memory_space<hbm>> -> memref<520x128xf32, #tpu.memory_space<hbm>>
        tpu.wait_dma2 semaphore(%run_scoped3A : memref<!tpu.dma_semaphore, #tpu.memory_space<semaphore_mem>>) src(%dma_wait3A_91 : memref<520x128xf32, #tpu.memory_space<hbm>>) dst(%dma_wait3A_88 : memref<520x128xf32, #tpu.memory_space<vmem_shared>>)
        tpu.yield
      }) : () -> ()
    } else {
    }
    %ne3A = arith.constant 0 : i32
    %ne3A_12 = arith.cmpi ne, %arg0, %ne3A : i32
    %convert_element_type3A_13 = arith.extui %ne3A_12 : i1 to i32
    %cond3A_14 = arith.constant 0 : i32
    %cond3A_15 = arith.cmpi ne, %convert_element_type3A_13, %cond3A_14 : i32
    scf.if %cond3A_15 {
      %scan3A_80 = arith.constant 0 : i32
      %scan3A_81 = arith.constant 0 : i32
      %scan3A_82 = arith.constant 128 : i32
      %scan3A_83 = arith.addi %scan3A_81, %scan3A_82 : i32
      %scan3A_84 = arith.constant 1 : i32
      %scan3A_85 = scf.for %scan3A_116 = %scan3A_81 to %scan3A_83 step %scan3A_84 iter_args(%scan3A_117 = %scan3A_80) -> (i32)  : i32 {
        %broadcast_in_dim3A = arith.constant 0.000000e+00 : f32
        %broadcast_in_dim3A_118 = vector.broadcast %broadcast_in_dim3A : f32 to vector<16xf32>
        %swap3A = arith.index_cast %scan3A_116 : i32 to index
        %swap3A_119 = arith.constant 0 : index
        %swap3A_120 = tpu.vector_load %arg9[%swap3A, %swap3A_119] {strides = array<i32>} : memref<128x128xf32, #tpu.memory_space<vmem>>, vector<1x16xf32>,
        %swap3A_121 = vector.shape_cast %swap3A_120 : vector<1x16xf32> to vector<16xf32>
        %swap3A_122 = vector.shape_cast %broadcast_in_dim3A_118 : vector<16xf32> to vector<1x16xf32>
        tpu.vector_store %arg9[%swap3A, %swap3A_119], %swap3A_122 {strides = array<i32>} : memref<128x128xf32, #tpu.memory_space<vmem>>, vector<1x16xf32>,
        %broadcast_in_dim3A_123 = arith.constant 0.000000e+00 : f32
        %broadcast_in_dim3A_124 = vector.broadcast %broadcast_in_dim3A_123 : f32 to vector<16xf32>
        %swap3A_125 = arith.index_cast %scan3A_116 : i32 to index
        %swap3A_126 = arith.constant 16 : index
        %swap3A_127 = tpu.vector_load %arg9[%swap3A_125, %swap3A_126] {strides = array<i32>} : memref<128x128xf32, #tpu.memory_space<vmem>>, vector<1x16xf32>,
        %swap3A_128 = vector.shape_cast %swap3A_127 : vector<1x16xf32> to vector<16xf32>
        %swap3A_129 = vector.shape_cast %broadcast_in_dim3A_124 : vector<16xf32> to vector<1x16xf32>
        tpu.vector_store %arg9[%swap3A_125, %swap3A_126], %swap3A_129 {strides = array<i32>} : memref<128x128xf32, #tpu.memory_space<vmem>>, vector<1x16xf32>,
        %broadcast_in_dim3A_130 = arith.constant 0.000000e+00 : f32
        %broadcast_in_dim3A_131 = vector.broadcast %broadcast_in_dim3A_130 : f32 to vector<16xf32>
        %swap3A_132 = arith.index_cast %scan3A_116 : i32 to index
        %swap3A_133 = arith.constant 32 : index
        %swap3A_134 = tpu.vector_load %arg9[%swap3A_132, %swap3A_133] {strides = array<i32>} : memref<128x128xf32, #tpu.memory_space<vmem>>, vector<1x16xf32>,
        %swap3A_135 = vector.shape_cast %swap3A_134 : vector<1x16xf32> to vector<16xf32>
        %swap3A_136 = vector.shape_cast %broadcast_in_dim3A_131 : vector<16xf32> to vector<1x16xf32>
        tpu.vector_store %arg9[%swap3A_132, %swap3A_133], %swap3A_136 {strides = array<i32>} : memref<128x128xf32, #tpu.memory_space<vmem>>, vector<1x16xf32>,
        %broadcast_in_dim3A_137 = arith.constant 0.000000e+00 : f32
        %broadcast_in_dim3A_138 = vector.broadcast %broadcast_in_dim3A_137 : f32 to vector<16xf32>
        %swap3A_139 = arith.index_cast %scan3A_116 : i32 to index
        %swap3A_140 = arith.constant 48 : index
        %swap3A_141 = tpu.vector_load %arg9[%swap3A_139, %swap3A_140] {strides = array<i32>} : memref<128x128xf32, #tpu.memory_space<vmem>>, vector<1x16xf32>,
        %swap3A_142 = vector.shape_cast %swap3A_141 : vector<1x16xf32> to vector<16xf32>
        %swap3A_143 = vector.shape_cast %broadcast_in_dim3A_138 : vector<16xf32> to vector<1x16xf32>
        tpu.vector_store %arg9[%swap3A_139, %swap3A_140], %swap3A_143 {strides = array<i32>} : memref<128x128xf32, #tpu.memory_space<vmem>>, vector<1x16xf32>,
        %broadcast_in_dim3A_144 = arith.constant 0.000000e+00 : f32
        %broadcast_in_dim3A_145 = vector.broadcast %broadcast_in_dim3A_144 : f32 to vector<16xf32>
        %swap3A_146 = arith.index_cast %scan3A_116 : i32 to index
        %swap3A_147 = arith.constant 64 : index
        %swap3A_148 = tpu.vector_load %arg9[%swap3A_146, %swap3A_147] {strides = array<i32>} : memref<128x128xf32, #tpu.memory_space<vmem>>, vector<1x16xf32>,
        %swap3A_149 = vector.shape_cast %swap3A_148 : vector<1x16xf32> to vector<16xf32>
        %swap3A_150 = vector.shape_cast %broadcast_in_dim3A_145 : vector<16xf32> to vector<1x16xf32>
        tpu.vector_store %arg9[%swap3A_146, %swap3A_147], %swap3A_150 {strides = array<i32>} : memref<128x128xf32, #tpu.memory_space<vmem>>, vector<1x16xf32>,
        %broadcast_in_dim3A_151 = arith.constant 0.000000e+00 : f32
        %broadcast_in_dim3A_152 = vector.broadcast %broadcast_in_dim3A_151 : f32 to vector<16xf32>
        %swap3A_153 = arith.index_cast %scan3A_116 : i32 to index
        %swap3A_154 = arith.constant 80 : index
        %swap3A_155 = tpu.vector_load %arg9[%swap3A_153, %swap3A_154] {strides = array<i32>} : memref<128x128xf32, #tpu.memory_space<vmem>>, vector<1x16xf32>,
        %swap3A_156 = vector.shape_cast %swap3A_155 : vector<1x16xf32> to vector<16xf32>
        %swap3A_157 = vector.shape_cast %broadcast_in_dim3A_152 : vector<16xf32> to vector<1x16xf32>
        tpu.vector_store %arg9[%swap3A_153, %swap3A_154], %swap3A_157 {strides = array<i32>} : memref<128x128xf32, #tpu.memory_space<vmem>>, vector<1x16xf32>,
        %broadcast_in_dim3A_158 = arith.constant 0.000000e+00 : f32
        %broadcast_in_dim3A_159 = vector.broadcast %broadcast_in_dim3A_158 : f32 to vector<16xf32>
        %swap3A_160 = arith.index_cast %scan3A_116 : i32 to index
        %swap3A_161 = arith.constant 96 : index
        %swap3A_162 = tpu.vector_load %arg9[%swap3A_160, %swap3A_161] {strides = array<i32>} : memref<128x128xf32, #tpu.memory_space<vmem>>, vector<1x16xf32>,
        %swap3A_163 = vector.shape_cast %swap3A_162 : vector<1x16xf32> to vector<16xf32>
        %swap3A_164 = vector.shape_cast %broadcast_in_dim3A_159 : vector<16xf32> to vector<1x16xf32>
        tpu.vector_store %arg9[%swap3A_160, %swap3A_161], %swap3A_164 {strides = array<i32>} : memref<128x128xf32, #tpu.memory_space<vmem>>, vector<1x16xf32>,
        %broadcast_in_dim3A_165 = arith.constant 0.000000e+00 : f32
        %broadcast_in_dim3A_166 = vector.broadcast %broadcast_in_dim3A_165 : f32 to vector<16xf32>
        %swap3A_167 = arith.index_cast %scan3A_116 : i32 to index
        %swap3A_168 = arith.constant 112 : index
        %swap3A_169 = tpu.vector_load %arg9[%swap3A_167, %swap3A_168] {strides = array<i32>} : memref<128x128xf32, #tpu.memory_space<vmem>>, vector<1x16xf32>,
        %swap3A_170 = vector.shape_cast %swap3A_169 : vector<1x16xf32> to vector<16xf32>
        %swap3A_171 = vector.shape_cast %broadcast_in_dim3A_166 : vector<16xf32> to vector<1x16xf32>
        tpu.vector_store %arg9[%swap3A_167, %swap3A_168], %swap3A_171 {strides = array<i32>} : memref<128x128xf32, #tpu.memory_space<vmem>>, vector<1x16xf32>,
        %scan3A_172 = arith.constant 0 : i32
        scf.yield %scan3A_172 : i32
      }
      %scan3A_86 = arith.constant 128 : i32
      %mul3A_87 = arith.constant 632 : i32
      %mul3A_88 = arith.muli %arg1, %mul3A_87 : i32
      %add3A_89 = arith.constant 632 : i32
      %add3A_90 = arith.addi %mul3A_88, %add3A_89 : i32
      %min3A = arith.constant 10000 : i32
      %min3A_91 = arith.minsi %add3A_90, %min3A : i32
      %add3A_92 = arith.constant 0 : i32
      %add3A_93 = arith.addi %mul3A_88, %add3A_92 : i32
      %sub3A = arith.constant 128 : i32
      %sub3A_94 = arith.subi %min3A_91, %sub3A : i32
      %min3A_95 = arith.minsi %add3A_93, %sub3A_94 : i32
      "tpu.region"() ({
        %run_scoped3A = tpu.sem_alloc : memref<!tpu.dma_semaphore, #tpu.memory_space<semaphore_mem>>
        %dma_start3A_116 = arith.constant 0 : i32
        %dma_start3A_117 = tpu.memref_slice %arg6[%min3A_95, %dma_start3A_116] : memref<10128x128xf32, #tpu.memory_space<vmem_shared>> -> memref<128x128xf32, #tpu.memory_space<vmem_shared>>
        %dma_start3A_118 = arith.constant 0 : i32
        %dma_start3A_119 = tpu.memref_slice %arg6[%min3A_95, %dma_start3A_118] : memref<10128x128xf32, #tpu.memory_space<vmem_shared>> -> memref<128x128xf32, #tpu.memory_space<vmem_shared>>
        tpu.enqueue_dma source(%arg9 : memref<128x128xf32, #tpu.memory_space<vmem>>) target(%dma_start3A_119 : memref<128x128xf32, #tpu.memory_space<vmem_shared>>) target_semaphore(%run_scoped3A : memref<!tpu.dma_semaphore, #tpu.memory_space<semaphore_mem>>)
        %dma_wait3A_120 = arith.constant 0 : i32
        %dma_wait3A_121 = tpu.memref_slice %arg6[%min3A_95, %dma_wait3A_120] : memref<10128x128xf32, #tpu.memory_space<vmem_shared>> -> memref<128x128xf32, #tpu.memory_space<vmem_shared>>
        %dma_wait3A_122 = arith.constant 0 : i32
        %dma_wait3A_123 = tpu.memref_slice %arg6[%min3A_95, %dma_wait3A_122] : memref<10128x128xf32, #tpu.memory_space<vmem_shared>> -> memref<128x128xf32, #tpu.memory_space<vmem_shared>>
        tpu.wait_dma2 semaphore(%run_scoped3A : memref<!tpu.dma_semaphore, #tpu.memory_space<semaphore_mem>>) src(%arg9 : memref<128x128xf32, #tpu.memory_space<vmem>>) dst(%dma_wait3A_123 : memref<128x128xf32, #tpu.memory_space<vmem_shared>>)
        tpu.yield
      }) : () -> ()
      %add3A_96 = arith.constant 128 : i32
      %add3A_97 = arith.addi %mul3A_88, %add3A_96 : i32
      %sub3A_98 = arith.constant 128 : i32
      %sub3A_99 = arith.subi %min3A_91, %sub3A_98 : i32
      %min3A_100 = arith.minsi %add3A_97, %sub3A_99 : i32
      "tpu.region"() ({
        %run_scoped3A = tpu.sem_alloc : memref<!tpu.dma_semaphore, #tpu.memory_space<semaphore_mem>>
        %dma_start3A_116 = arith.constant 0 : i32
        %dma_start3A_117 = tpu.memref_slice %arg6[%min3A_100, %dma_start3A_116] : memref<10128x128xf32, #tpu.memory_space<vmem_shared>> -> memref<128x128xf32, #tpu.memory_space<vmem_shared>>
        %dma_start3A_118 = arith.constant 0 : i32
        %dma_start3A_119 = tpu.memref_slice %arg6[%min3A_100, %dma_start3A_118] : memref<10128x128xf32, #tpu.memory_space<vmem_shared>> -> memref<128x128xf32, #tpu.memory_space<vmem_shared>>
        tpu.enqueue_dma source(%arg9 : memref<128x128xf32, #tpu.memory_space<vmem>>) target(%dma_start3A_119 : memref<128x128xf32, #tpu.memory_space<vmem_shared>>) target_semaphore(%run_scoped3A : memref<!tpu.dma_semaphore, #tpu.memory_space<semaphore_mem>>)
        %dma_wait3A_120 = arith.constant 0 : i32
        %dma_wait3A_121 = tpu.memref_slice %arg6[%min3A_100, %dma_wait3A_120] : memref<10128x128xf32, #tpu.memory_space<vmem_shared>> -> memref<128x128xf32, #tpu.memory_space<vmem_shared>>
        %dma_wait3A_122 = arith.constant 0 : i32
        %dma_wait3A_123 = tpu.memref_slice %arg6[%min3A_100, %dma_wait3A_122] : memref<10128x128xf32, #tpu.memory_space<vmem_shared>> -> memref<128x128xf32, #tpu.memory_space<vmem_shared>>
        tpu.wait_dma2 semaphore(%run_scoped3A : memref<!tpu.dma_semaphore, #tpu.memory_space<semaphore_mem>>) src(%arg9 : memref<128x128xf32, #tpu.memory_space<vmem>>) dst(%dma_wait3A_123 : memref<128x128xf32, #tpu.memory_space<vmem_shared>>)
        tpu.yield
      }) : () -> ()
      %add3A_101 = arith.constant 256 : i32
      %add3A_102 = arith.addi %mul3A_88, %add3A_101 : i32
      %sub3A_103 = arith.constant 128 : i32
      %sub3A_104 = arith.subi %min3A_91, %sub3A_103 : i32
      %min3A_105 = arith.minsi %add3A_102, %sub3A_104 : i32
      "tpu.region"() ({
        %run_scoped3A = tpu.sem_alloc : memref<!tpu.dma_semaphore, #tpu.memory_space<semaphore_mem>>
        %dma_start3A_116 = arith.constant 0 : i32
        %dma_start3A_117 = tpu.memref_slice %arg6[%min3A_105, %dma_start3A_116] : memref<10128x128xf32, #tpu.memory_space<vmem_shared>> -> memref<128x128xf32, #tpu.memory_space<vmem_shared>>
        %dma_start3A_118 = arith.constant 0 : i32
        %dma_start3A_119 = tpu.memref_slice %arg6[%min3A_105, %dma_start3A_118] : memref<10128x128xf32, #tpu.memory_space<vmem_shared>> -> memref<128x128xf32, #tpu.memory_space<vmem_shared>>
        tpu.enqueue_dma source(%arg9 : memref<128x128xf32, #tpu.memory_space<vmem>>) target(%dma_start3A_119 : memref<128x128xf32, #tpu.memory_space<vmem_shared>>) target_semaphore(%run_scoped3A : memref<!tpu.dma_semaphore, #tpu.memory_space<semaphore_mem>>)
        %dma_wait3A_120 = arith.constant 0 : i32
        %dma_wait3A_121 = tpu.memref_slice %arg6[%min3A_105, %dma_wait3A_120] : memref<10128x128xf32, #tpu.memory_space<vmem_shared>> -> memref<128x128xf32, #tpu.memory_space<vmem_shared>>
        %dma_wait3A_122 = arith.constant 0 : i32
        %dma_wait3A_123 = tpu.memref_slice %arg6[%min3A_105, %dma_wait3A_122] : memref<10128x128xf32, #tpu.memory_space<vmem_shared>> -> memref<128x128xf32, #tpu.memory_space<vmem_shared>>
        tpu.wait_dma2 semaphore(%run_scoped3A : memref<!tpu.dma_semaphore, #tpu.memory_space<semaphore_mem>>) src(%arg9 : memref<128x128xf32, #tpu.memory_space<vmem>>) dst(%dma_wait3A_123 : memref<128x128xf32, #tpu.memory_space<vmem_shared>>)
        tpu.yield
      }) : () -> ()
      %add3A_106 = arith.constant 384 : i32
      %add3A_107 = arith.addi %mul3A_88, %add3A_106 : i32
      %sub3A_108 = arith.constant 128 : i32
      %sub3A_109 = arith.subi %min3A_91, %sub3A_108 : i32
      %min3A_110 = arith.minsi %add3A_107, %sub3A_109 : i32
      "tpu.region"() ({
        %run_scoped3A = tpu.sem_alloc : memref<!tpu.dma_semaphore, #tpu.memory_space<semaphore_mem>>
        %dma_start3A_116 = arith.constant 0 : i32
        %dma_start3A_117 = tpu.memref_slice %arg6[%min3A_110, %dma_start3A_116] : memref<10128x128xf32, #tpu.memory_space<vmem_shared>> -> memref<128x128xf32, #tpu.memory_space<vmem_shared>>
        %dma_start3A_118 = arith.constant 0 : i32
        %dma_start3A_119 = tpu.memref_slice %arg6[%min3A_110, %dma_start3A_118] : memref<10128x128xf32, #tpu.memory_space<vmem_shared>> -> memref<128x128xf32, #tpu.memory_space<vmem_shared>>
        tpu.enqueue_dma source(%arg9 : memref<128x128xf32, #tpu.memory_space<vmem>>) target(%dma_start3A_119 : memref<128x128xf32, #tpu.memory_space<vmem_shared>>) target_semaphore(%run_scoped3A : memref<!tpu.dma_semaphore, #tpu.memory_space<semaphore_mem>>)
        %dma_wait3A_120 = arith.constant 0 : i32
        %dma_wait3A_121 = tpu.memref_slice %arg6[%min3A_110, %dma_wait3A_120] : memref<10128x128xf32, #tpu.memory_space<vmem_shared>> -> memref<128x128xf32, #tpu.memory_space<vmem_shared>>
        %dma_wait3A_122 = arith.constant 0 : i32
        %dma_wait3A_123 = tpu.memref_slice %arg6[%min3A_110, %dma_wait3A_122] : memref<10128x128xf32, #tpu.memory_space<vmem_shared>> -> memref<128x128xf32, #tpu.memory_space<vmem_shared>>
        tpu.wait_dma2 semaphore(%run_scoped3A : memref<!tpu.dma_semaphore, #tpu.memory_space<semaphore_mem>>) src(%arg9 : memref<128x128xf32, #tpu.memory_space<vmem>>) dst(%dma_wait3A_123 : memref<128x128xf32, #tpu.memory_space<vmem_shared>>)
        tpu.yield
      }) : () -> ()
      %add3A_111 = arith.constant 512 : i32
      %add3A_112 = arith.addi %mul3A_88, %add3A_111 : i32
      %sub3A_113 = arith.constant 128 : i32
      %sub3A_114 = arith.subi %min3A_91, %sub3A_113 : i32
      %min3A_115 = arith.minsi %add3A_112, %sub3A_114 : i32
      "tpu.region"() ({
        %run_scoped3A = tpu.sem_alloc : memref<!tpu.dma_semaphore, #tpu.memory_space<semaphore_mem>>
        %dma_start3A_116 = arith.constant 0 : i32
        %dma_start3A_117 = tpu.memref_slice %arg6[%min3A_115, %dma_start3A_116] : memref<10128x128xf32, #tpu.memory_space<vmem_shared>> -> memref<128x128xf32, #tpu.memory_space<vmem_shared>>
        %dma_start3A_118 = arith.constant 0 : i32
        %dma_start3A_119 = tpu.memref_slice %arg6[%min3A_115, %dma_start3A_118] : memref<10128x128xf32, #tpu.memory_space<vmem_shared>> -> memref<128x128xf32, #tpu.memory_space<vmem_shared>>
        tpu.enqueue_dma source(%arg9 : memref<128x128xf32, #tpu.memory_space<vmem>>) target(%dma_start3A_119 : memref<128x128xf32, #tpu.memory_space<vmem_shared>>) target_semaphore(%run_scoped3A : memref<!tpu.dma_semaphore, #tpu.memory_space<semaphore_mem>>)
        %dma_wait3A_120 = arith.constant 0 : i32
        %dma_wait3A_121 = tpu.memref_slice %arg6[%min3A_115, %dma_wait3A_120] : memref<10128x128xf32, #tpu.memory_space<vmem_shared>> -> memref<128x128xf32, #tpu.memory_space<vmem_shared>>
        %dma_wait3A_122 = arith.constant 0 : i32
        %dma_wait3A_123 = tpu.memref_slice %arg6[%min3A_115, %dma_wait3A_122] : memref<10128x128xf32, #tpu.memory_space<vmem_shared>> -> memref<128x128xf32, #tpu.memory_space<vmem_shared>>
        tpu.wait_dma2 semaphore(%run_scoped3A : memref<!tpu.dma_semaphore, #tpu.memory_space<semaphore_mem>>) src(%arg9 : memref<128x128xf32, #tpu.memory_space<vmem>>) dst(%dma_wait3A_123 : memref<128x128xf32, #tpu.memory_space<vmem_shared>>)
        tpu.yield
      }) : () -> ()
    } else {
    }
    %barrier3A = arith.constant 0 : index
    tpu.barrier barrier_id(%barrier3A)
    %mul3A_16 = arith.constant 80 : i32
    %mul3A_17 = arith.muli %add3A, %mul3A_16 : i32
    %add3A_18 = arith.constant 0 : i32
    %add3A_19 = arith.addi %mul3A_17, %add3A_18 : i32
    "tpu.region"() ({
      %run_scoped3A = tpu.sem_alloc : memref<!tpu.dma_semaphore, #tpu.memory_space<semaphore_mem>>
      %dma_start3A_80 = arith.constant 0 : i32
      %dma_start3A_81 = tpu.memref_slice %arg3[%add3A_19, %dma_start3A_80] : memref<2560x128xi32, #tpu.memory_space<hbm>> -> memref<40x128xi32, #tpu.memory_space<hbm>>
      %dma_start3A_82 = arith.constant 0 : i32
      %dma_start3A_83 = tpu.memref_slice %arg3[%add3A_19, %dma_start3A_82] : memref<2560x128xi32, #tpu.memory_space<hbm>> -> memref<40x128xi32, #tpu.memory_space<hbm>>
      tpu.enqueue_dma source(%dma_start3A_83 : memref<40x128xi32, #tpu.memory_space<hbm>>) target(%arg7 : memref<40x128xi32, #tpu.memory_space<vmem>>) target_semaphore(%run_scoped3A : memref<!tpu.dma_semaphore, #tpu.memory_space<semaphore_mem>>)
      %dma_wait3A_84 = arith.constant 0 : i32
      %dma_wait3A_85 = tpu.memref_slice %arg3[%add3A_19, %dma_wait3A_84] : memref<2560x128xi32, #tpu.memory_space<hbm>> -> memref<40x128xi32, #tpu.memory_space<hbm>>
      %dma_wait3A_86 = arith.constant 0 : i32
      %dma_wait3A_87 = tpu.memref_slice %arg3[%add3A_19, %dma_wait3A_86] : memref<2560x128xi32, #tpu.memory_space<hbm>> -> memref<40x128xi32, #tpu.memory_space<hbm>>
      tpu.wait_dma2 semaphore(%run_scoped3A : memref<!tpu.dma_semaphore, #tpu.memory_space<semaphore_mem>>) src(%dma_wait3A_87 : memref<40x128xi32, #tpu.memory_space<hbm>>) dst(%arg7 : memref<40x128xi32, #tpu.memory_space<vmem>>)
      tpu.yield
    }) : () -> ()
    %mul3A_20 = arith.constant 80 : i32
    %mul3A_21 = arith.muli %add3A, %mul3A_20 : i32
    %add3A_22 = arith.constant 0 : i32
    %add3A_23 = arith.addi %mul3A_21, %add3A_22 : i32
    "tpu.region"() ({
      %run_scoped3A = tpu.sem_alloc : memref<!tpu.dma_semaphore, #tpu.memory_space<semaphore_mem>>
      %dma_start3A_80 = arith.constant 0 : i32
      %dma_start3A_81 = tpu.memref_slice %arg4[%add3A_23, %dma_start3A_80] : memref<2560x128xi32, #tpu.memory_space<hbm>> -> memref<40x128xi32, #tpu.memory_space<hbm>>
      %dma_start3A_82 = arith.constant 0 : i32
      %dma_start3A_83 = tpu.memref_slice %arg4[%add3A_23, %dma_start3A_82] : memref<2560x128xi32, #tpu.memory_space<hbm>> -> memref<40x128xi32, #tpu.memory_space<hbm>>
      tpu.enqueue_dma source(%dma_start3A_83 : memref<40x128xi32, #tpu.memory_space<hbm>>) target(%arg8 : memref<40x128xi32, #tpu.memory_space<vmem>>) target_semaphore(%run_scoped3A : memref<!tpu.dma_semaphore, #tpu.memory_space<semaphore_mem>>)
      %dma_wait3A_84 = arith.constant 0 : i32
      %dma_wait3A_85 = tpu.memref_slice %arg4[%add3A_23, %dma_wait3A_84] : memref<2560x128xi32, #tpu.memory_space<hbm>> -> memref<40x128xi32, #tpu.memory_space<hbm>>
      %dma_wait3A_86 = arith.constant 0 : i32
      %dma_wait3A_87 = tpu.memref_slice %arg4[%add3A_23, %dma_wait3A_86] : memref<2560x128xi32, #tpu.memory_space<hbm>> -> memref<40x128xi32, #tpu.memory_space<hbm>>
      tpu.wait_dma2 semaphore(%run_scoped3A : memref<!tpu.dma_semaphore, #tpu.memory_space<semaphore_mem>>) src(%dma_wait3A_87 : memref<40x128xi32, #tpu.memory_space<hbm>>) dst(%arg8 : memref<40x128xi32, #tpu.memory_space<vmem>>)
      tpu.yield
    }) : () -> ()
    %dma_start3A = arith.constant 0 : i32
    %dma_start3A_24 = arith.constant 0 : i32
    %dma_start3A_25 = tpu.memref_slice %arg7[%dma_start3A, %dma_start3A_24] : memref<40x128xi32, #tpu.memory_space<vmem>> -> memref<1x128xi32, #tpu.memory_space<vmem>>
    %dma_start3A_26 = tpu.memref_squeeze %dma_start3A_25 : memref<1x128xi32, #tpu.memory_space<vmem>> -> memref<128xi32, #tpu.memory_space<vmem>>
    %dma_start3A_27 = arith.constant 0 : i32
    %dma_start3A_28 = arith.constant 0 : i32
    %dma_start3A_29 = tpu.memref_slice %arg2[%dma_start3A_27, %dma_start3A_28] : memref<10000x128xf32, #tpu.memory_space<hbm>> -> memref<10000x128xf32, #tpu.memory_space<hbm>>
    tpu.enqueue_indirect_dma source(%dma_start3A_29 : memref<10000x128xf32, #tpu.memory_space<hbm>>) target(%arg9 : memref<128x128xf32, #tpu.memory_space<vmem>>) offsets(%dma_start3A_26 : memref<128xi32, #tpu.memory_space<vmem>>) semaphore(%arg11 : memref<!tpu.dma_semaphore, #tpu.memory_space<semaphore_mem>>)
    %scan3A = arith.constant 0 : i32
    %scan3A_30 = arith.constant 0 : i32
    %scan3A_31 = arith.constant 20 : i32
    %scan3A_32 = arith.addi %scan3A_30, %scan3A_31 : i32
    %scan3A_33 = arith.constant 1 : i32
    %scan3A_34 = scf.for %scan3A_80 = %scan3A_30 to %scan3A_32 step %scan3A_33 iter_args(%scan3A_81 = %scan3A) -> (i32)  : i32 {
      %mul3A_82 = arith.constant 2 : i32
      %mul3A_83 = arith.muli %mul3A_82, %scan3A_80 : i32
      %eq3A_84 = arith.constant 0 : i32
      %eq3A_85 = arith.cmpi eq, %scan3A_80, %eq3A_84 : i32
      %not3A = arith.constant true
      %not3A_86 = arith.xori %eq3A_85, %not3A : i1
      %convert_element_type3A_87 = arith.extui %not3A_86 : i1 to i32
      %cond3A_88 = arith.constant 0 : i32
      %cond3A_89 = arith.cmpi ne, %convert_element_type3A_87, %cond3A_88 : i32
      scf.if %cond3A_89 {
        %dma_wait3A_140 = arith.constant 0 : i32
        %dma_wait3A_141 = arith.constant 0 : i32
        %dma_wait3A_142 = tpu.memref_slice %arg2[%dma_wait3A_140, %dma_wait3A_141] : memref<10000x128xf32, #tpu.memory_space<hbm>> -> memref<128x128xf32, #tpu.memory_space<hbm>>
        %dma_wait3A_143 = arith.constant 0 : i32
        %dma_wait3A_144 = arith.constant 0 : i32
        %dma_wait3A_145 = tpu.memref_slice %arg2[%dma_wait3A_143, %dma_wait3A_144] : memref<10000x128xf32, #tpu.memory_space<hbm>> -> memref<128x128xf32, #tpu.memory_space<hbm>>
        tpu.wait_dma2 semaphore(%arg14 : memref<!tpu.dma_semaphore, #tpu.memory_space<semaphore_mem>>) src(%dma_wait3A_145 : memref<128x128xf32, #tpu.memory_space<hbm>>) dst(%arg10 : memref<128x128xf32, #tpu.memory_space<vmem>>)
      } else {
      }
      %add3A_90 = arith.constant 1 : i32
      %add3A_91 = arith.addi %mul3A_83, %add3A_90 : i32
      %dma_start3A_92 = arith.constant 0 : i32
      %dma_start3A_93 = tpu.memref_slice %arg7[%add3A_91, %dma_start3A_92] : memref<40x128xi32, #tpu.memory_space<vmem>> -> memref<1x128xi32, #tpu.memory_space<vmem>>
      %dma_start3A_94 = tpu.memref_squeeze %dma_start3A_93 : memref<1x128xi32, #tpu.memory_space<vmem>> -> memref<128xi32, #tpu.memory_space<vmem>>
      %dma_start3A_95 = arith.constant 0 : i32
      %dma_start3A_96 = arith.constant 0 : i32
      %dma_start3A_97 = tpu.memref_slice %arg2[%dma_start3A_95, %dma_start3A_96] : memref<10000x128xf32, #tpu.memory_space<hbm>> -> memref<10000x128xf32, #tpu.memory_space<hbm>>
      tpu.enqueue_indirect_dma source(%dma_start3A_97 : memref<10000x128xf32, #tpu.memory_space<hbm>>) target(%arg10 : memref<128x128xf32, #tpu.memory_space<vmem>>) offsets(%dma_start3A_94 : memref<128xi32, #tpu.memory_space<vmem>>) semaphore(%arg12 : memref<!tpu.dma_semaphore, #tpu.memory_space<semaphore_mem>>)
      %dma_wait3A_98 = arith.constant 0 : i32
      %dma_wait3A_99 = arith.constant 0 : i32
      %dma_wait3A_100 = tpu.memref_slice %arg2[%dma_wait3A_98, %dma_wait3A_99] : memref<10000x128xf32, #tpu.memory_space<hbm>> -> memref<128x128xf32, #tpu.memory_space<hbm>>
      %dma_wait3A_101 = arith.constant 0 : i32
      %dma_wait3A_102 = arith.constant 0 : i32
      %dma_wait3A_103 = tpu.memref_slice %arg2[%dma_wait3A_101, %dma_wait3A_102] : memref<10000x128xf32, #tpu.memory_space<hbm>> -> memref<128x128xf32, #tpu.memory_space<hbm>>
      tpu.wait_dma2 semaphore(%arg11 : memref<!tpu.dma_semaphore, #tpu.memory_space<semaphore_mem>>) src(%dma_wait3A_103 : memref<128x128xf32, #tpu.memory_space<hbm>>) dst(%arg9 : memref<128x128xf32, #tpu.memory_space<vmem>>)
      %dma_start3A_104 = arith.constant 0 : i32
      %dma_start3A_105 = tpu.memref_slice %arg8[%mul3A_83, %dma_start3A_104] : memref<40x128xi32, #tpu.memory_space<vmem>> -> memref<1x128xi32, #tpu.memory_space<vmem>>
      %dma_start3A_106 = tpu.memref_squeeze %dma_start3A_105 : memref<1x128xi32, #tpu.memory_space<vmem>> -> memref<128xi32, #tpu.memory_space<vmem>>
      %dma_start3A_107 = arith.constant 0 : i32
      %dma_start3A_108 = arith.constant 0 : i32
      %dma_start3A_109 = tpu.memref_slice %arg6[%dma_start3A_107, %dma_start3A_108] : memref<10128x128xf32, #tpu.memory_space<vmem_shared>> -> memref<10128x128xf32, #tpu.memory_space<vmem_shared>>
      tpu.enqueue_indirect_dma source(%arg9 : memref<128x128xf32, #tpu.memory_space<vmem>>) target(%dma_start3A_109 : memref<10128x128xf32, #tpu.memory_space<vmem_shared>>) offsets(%dma_start3A_106 : memref<128xi32, #tpu.memory_space<vmem>>) semaphore(%arg13 : memref<!tpu.dma_semaphore, #tpu.memory_space<semaphore_mem>>) {add = true}
      %mul3A_110 = arith.constant 2 : i32
      %mul3A_111 = arith.muli %mul3A_110, %scan3A_80 : i32
      %add3A_112 = arith.constant 1 : i32
      %add3A_113 = arith.addi %mul3A_111, %add3A_112 : i32
      %eq3A_114 = arith.constant 19 : i32
      %eq3A_115 = arith.cmpi eq, %scan3A_80, %eq3A_114 : i32
      %dma_wait3A_116 = arith.constant 0 : i32
      %dma_wait3A_117 = arith.constant 0 : i32
      %dma_wait3A_118 = tpu.memref_slice %arg2[%dma_wait3A_116, %dma_wait3A_117] : memref<10000x128xf32, #tpu.memory_space<hbm>> -> memref<128x128xf32, #tpu.memory_space<hbm>>
      %dma_wait3A_119 = arith.constant 0 : i32
      %dma_wait3A_120 = arith.constant 0 : i32
      %dma_wait3A_121 = tpu.memref_slice %arg2[%dma_wait3A_119, %dma_wait3A_120] : memref<10000x128xf32, #tpu.memory_space<hbm>> -> memref<128x128xf32, #tpu.memory_space<hbm>>
      tpu.wait_dma2 semaphore(%arg13 : memref<!tpu.dma_semaphore, #tpu.memory_space<semaphore_mem>>) src(%dma_wait3A_121 : memref<128x128xf32, #tpu.memory_space<hbm>>) dst(%arg9 : memref<128x128xf32, #tpu.memory_space<vmem>>)
      %not3A_122 = arith.constant true
      %not3A_123 = arith.xori %eq3A_115, %not3A_122 : i1
      %convert_element_type3A_124 = arith.extui %not3A_123 : i1 to i32
      %cond3A_125 = arith.constant 0 : i32
      %cond3A_126 = arith.cmpi ne, %convert_element_type3A_124, %cond3A_125 : i32
      scf.if %cond3A_126 {
        %add3A_140 = arith.constant 1 : i32
        %add3A_141 = arith.addi %add3A_113, %add3A_140 : i32
        %dma_start3A_142 = arith.constant 0 : i32
        %dma_start3A_143 = tpu.memref_slice %arg7[%add3A_141, %dma_start3A_142] : memref<40x128xi32, #tpu.memory_space<vmem>> -> memref<1x128xi32, #tpu.memory_space<vmem>>
        %dma_start3A_144 = tpu.memref_squeeze %dma_start3A_143 : memref<1x128xi32, #tpu.memory_space<vmem>> -> memref<128xi32, #tpu.memory_space<vmem>>
        %dma_start3A_145 = arith.constant 0 : i32
        %dma_start3A_146 = arith.constant 0 : i32
        %dma_start3A_147 = tpu.memref_slice %arg2[%dma_start3A_145, %dma_start3A_146] : memref<10000x128xf32, #tpu.memory_space<hbm>> -> memref<10000x128xf32, #tpu.memory_space<hbm>>
        tpu.enqueue_indirect_dma source(%dma_start3A_147 : memref<10000x128xf32, #tpu.memory_space<hbm>>) target(%arg9 : memref<128x128xf32, #tpu.memory_space<vmem>>) offsets(%dma_start3A_144 : memref<128xi32, #tpu.memory_space<vmem>>) semaphore(%arg11 : memref<!tpu.dma_semaphore, #tpu.memory_space<semaphore_mem>>)
      } else {
      }
      %dma_wait3A_127 = arith.constant 0 : i32
      %dma_wait3A_128 = arith.constant 0 : i32
      %dma_wait3A_129 = tpu.memref_slice %arg2[%dma_wait3A_127, %dma_wait3A_128] : memref<10000x128xf32, #tpu.memory_space<hbm>> -> memref<128x128xf32, #tpu.memory_space<hbm>>
      %dma_wait3A_130 = arith.constant 0 : i32
      %dma_wait3A_131 = arith.constant 0 : i32
      %dma_wait3A_132 = tpu.memref_slice %arg2[%dma_wait3A_130, %dma_wait3A_131] : memref<10000x128xf32, #tpu.memory_space<hbm>> -> memref<128x128xf32, #tpu.memory_space<hbm>>
      tpu.wait_dma2 semaphore(%arg12 : memref<!tpu.dma_semaphore, #tpu.memory_space<semaphore_mem>>) src(%dma_wait3A_132 : memref<128x128xf32, #tpu.memory_space<hbm>>) dst(%arg10 : memref<128x128xf32, #tpu.memory_space<vmem>>)
      %dma_start3A_133 = arith.constant 0 : i32
      %dma_start3A_134 = tpu.memref_slice %arg8[%add3A_113, %dma_start3A_133] : memref<40x128xi32, #tpu.memory_space<vmem>> -> memref<1x128xi32, #tpu.memory_space<vmem>>
      %dma_start3A_135 = tpu.memref_squeeze %dma_start3A_134 : memref<1x128xi32, #tpu.memory_space<vmem>> -> memref<128xi32, #tpu.memory_space<vmem>>
      %dma_start3A_136 = arith.constant 0 : i32
      %dma_start3A_137 = arith.constant 0 : i32
      %dma_start3A_138 = tpu.memref_slice %arg6[%dma_start3A_136, %dma_start3A_137] : memref<10128x128xf32, #tpu.memory_space<vmem_shared>> -> memref<10128x128xf32, #tpu.memory_space<vmem_shared>>
      tpu.enqueue_indirect_dma source(%arg10 : memref<128x128xf32, #tpu.memory_space<vmem>>) target(%dma_start3A_138 : memref<10128x128xf32, #tpu.memory_space<vmem_shared>>) offsets(%dma_start3A_135 : memref<128xi32, #tpu.memory_space<vmem>>) semaphore(%arg14 : memref<!tpu.dma_semaphore, #tpu.memory_space<semaphore_mem>>) {add = true}
      %scan3A_139 = arith.constant 0 : i32
      scf.yield %scan3A_139 : i32
    }
    %scan3A_35 = arith.constant 20 : i32
    %dma_wait3A = arith.constant 0 : i32
    %dma_wait3A_36 = arith.constant 0 : i32
    %dma_wait3A_37 = tpu.memref_slice %arg2[%dma_wait3A, %dma_wait3A_36] : memref<10000x128xf32, #tpu.memory_space<hbm>> -> memref<128x128xf32, #tpu.memory_space<hbm>>
    %dma_wait3A_38 = arith.constant 0 : i32
    %dma_wait3A_39 = arith.constant 0 : i32
    %dma_wait3A_40 = tpu.memref_slice %arg2[%dma_wait3A_38, %dma_wait3A_39] : memref<10000x128xf32, #tpu.memory_space<hbm>> -> memref<128x128xf32, #tpu.memory_space<hbm>>
    tpu.wait_dma2 semaphore(%arg14 : memref<!tpu.dma_semaphore, #tpu.memory_space<semaphore_mem>>) src(%dma_wait3A_40 : memref<128x128xf32, #tpu.memory_space<hbm>>) dst(%arg10 : memref<128x128xf32, #tpu.memory_space<vmem>>)
    %mul3A_41 = arith.constant 80 : i32
    %mul3A_42 = arith.muli %add3A, %mul3A_41 : i32
    %add3A_43 = arith.constant 40 : i32
    %add3A_44 = arith.addi %mul3A_42, %add3A_43 : i32
    "tpu.region"() ({
      %run_scoped3A = tpu.sem_alloc : memref<!tpu.dma_semaphore, #tpu.memory_space<semaphore_mem>>
      %dma_start3A_80 = arith.constant 0 : i32
      %dma_start3A_81 = tpu.memref_slice %arg3[%add3A_44, %dma_start3A_80] : memref<2560x128xi32, #tpu.memory_space<hbm>> -> memref<40x128xi32, #tpu.memory_space<hbm>>
      %dma_start3A_82 = arith.constant 0 : i32
      %dma_start3A_83 = tpu.memref_slice %arg3[%add3A_44, %dma_start3A_82] : memref<2560x128xi32, #tpu.memory_space<hbm>> -> memref<40x128xi32, #tpu.memory_space<hbm>>
      tpu.enqueue_dma source(%dma_start3A_83 : memref<40x128xi32, #tpu.memory_space<hbm>>) target(%arg7 : memref<40x128xi32, #tpu.memory_space<vmem>>) target_semaphore(%run_scoped3A : memref<!tpu.dma_semaphore, #tpu.memory_space<semaphore_mem>>)
      %dma_wait3A_84 = arith.constant 0 : i32
      %dma_wait3A_85 = tpu.memref_slice %arg3[%add3A_44, %dma_wait3A_84] : memref<2560x128xi32, #tpu.memory_space<hbm>> -> memref<40x128xi32, #tpu.memory_space<hbm>>
      %dma_wait3A_86 = arith.constant 0 : i32
      %dma_wait3A_87 = tpu.memref_slice %arg3[%add3A_44, %dma_wait3A_86] : memref<2560x128xi32, #tpu.memory_space<hbm>> -> memref<40x128xi32, #tpu.memory_space<hbm>>
      tpu.wait_dma2 semaphore(%run_scoped3A : memref<!tpu.dma_semaphore, #tpu.memory_space<semaphore_mem>>) src(%dma_wait3A_87 : memref<40x128xi32, #tpu.memory_space<hbm>>) dst(%arg7 : memref<40x128xi32, #tpu.memory_space<vmem>>)
      tpu.yield
    }) : () -> ()
    %mul3A_45 = arith.constant 80 : i32
    %mul3A_46 = arith.muli %add3A, %mul3A_45 : i32
    %add3A_47 = arith.constant 40 : i32
    %add3A_48 = arith.addi %mul3A_46, %add3A_47 : i32
    "tpu.region"() ({
      %run_scoped3A = tpu.sem_alloc : memref<!tpu.dma_semaphore, #tpu.memory_space<semaphore_mem>>
      %dma_start3A_80 = arith.constant 0 : i32
      %dma_start3A_81 = tpu.memref_slice %arg4[%add3A_48, %dma_start3A_80] : memref<2560x128xi32, #tpu.memory_space<hbm>> -> memref<40x128xi32, #tpu.memory_space<hbm>>
      %dma_start3A_82 = arith.constant 0 : i32
      %dma_start3A_83 = tpu.memref_slice %arg4[%add3A_48, %dma_start3A_82] : memref<2560x128xi32, #tpu.memory_space<hbm>> -> memref<40x128xi32, #tpu.memory_space<hbm>>
      tpu.enqueue_dma source(%dma_start3A_83 : memref<40x128xi32, #tpu.memory_space<hbm>>) target(%arg8 : memref<40x128xi32, #tpu.memory_space<vmem>>) target_semaphore(%run_scoped3A : memref<!tpu.dma_semaphore, #tpu.memory_space<semaphore_mem>>)
      %dma_wait3A_84 = arith.constant 0 : i32
      %dma_wait3A_85 = tpu.memref_slice %arg4[%add3A_48, %dma_wait3A_84] : memref<2560x128xi32, #tpu.memory_space<hbm>> -> memref<40x128xi32, #tpu.memory_space<hbm>>
      %dma_wait3A_86 = arith.constant 0 : i32
      %dma_wait3A_87 = tpu.memref_slice %arg4[%add3A_48, %dma_wait3A_86] : memref<2560x128xi32, #tpu.memory_space<hbm>> -> memref<40x128xi32, #tpu.memory_space<hbm>>
      tpu.wait_dma2 semaphore(%run_scoped3A : memref<!tpu.dma_semaphore, #tpu.memory_space<semaphore_mem>>) src(%dma_wait3A_87 : memref<40x128xi32, #tpu.memory_space<hbm>>) dst(%arg8 : memref<40x128xi32, #tpu.memory_space<vmem>>)
      tpu.yield
    }) : () -> ()
    %dma_start3A_49 = arith.constant 0 : i32
    %dma_start3A_50 = arith.constant 0 : i32
    %dma_start3A_51 = tpu.memref_slice %arg7[%dma_start3A_49, %dma_start3A_50] : memref<40x128xi32, #tpu.memory_space<vmem>> -> memref<1x128xi32, #tpu.memory_space<vmem>>
    %dma_start3A_52 = tpu.memref_squeeze %dma_start3A_51 : memref<1x128xi32, #tpu.memory_space<vmem>> -> memref<128xi32, #tpu.memory_space<vmem>>
    %dma_start3A_53 = arith.constant 0 : i32
    %dma_start3A_54 = arith.constant 0 : i32
    %dma_start3A_55 = tpu.memref_slice %arg2[%dma_start3A_53, %dma_start3A_54] : memref<10000x128xf32, #tpu.memory_space<hbm>> -> memref<10000x128xf32, #tpu.memory_space<hbm>>
    tpu.enqueue_indirect_dma source(%dma_start3A_55 : memref<10000x128xf32, #tpu.memory_space<hbm>>) target(%arg9 : memref<128x128xf32, #tpu.memory_space<vmem>>) offsets(%dma_start3A_52 : memref<128xi32, #tpu.memory_space<vmem>>) semaphore(%arg11 : memref<!tpu.dma_semaphore, #tpu.memory_space<semaphore_mem>>)
    %scan3A_56 = arith.constant 0 : i32
    %scan3A_57 = arith.constant 0 : i32
    %scan3A_58 = arith.constant 20 : i32
    %scan3A_59 = arith.addi %scan3A_57, %scan3A_58 : i32
    %scan3A_60 = arith.constant 1 : i32
    %scan3A_61 = scf.for %scan3A_80 = %scan3A_57 to %scan3A_59 step %scan3A_60 iter_args(%scan3A_81 = %scan3A_56) -> (i32)  : i32 {
      %mul3A_82 = arith.constant 2 : i32
      %mul3A_83 = arith.muli %mul3A_82, %scan3A_80 : i32
      %eq3A_84 = arith.constant 0 : i32
      %eq3A_85 = arith.cmpi eq, %scan3A_80, %eq3A_84 : i32
      %not3A = arith.constant true
      %not3A_86 = arith.xori %eq3A_85, %not3A : i1
      %convert_element_type3A_87 = arith.extui %not3A_86 : i1 to i32
      %cond3A_88 = arith.constant 0 : i32
      %cond3A_89 = arith.cmpi ne, %convert_element_type3A_87, %cond3A_88 : i32
      scf.if %cond3A_89 {
        %dma_wait3A_140 = arith.constant 0 : i32
        %dma_wait3A_141 = arith.constant 0 : i32
        %dma_wait3A_142 = tpu.memref_slice %arg2[%dma_wait3A_140, %dma_wait3A_141] : memref<10000x128xf32, #tpu.memory_space<hbm>> -> memref<128x128xf32, #tpu.memory_space<hbm>>
        %dma_wait3A_143 = arith.constant 0 : i32
        %dma_wait3A_144 = arith.constant 0 : i32
        %dma_wait3A_145 = tpu.memref_slice %arg2[%dma_wait3A_143, %dma_wait3A_144] : memref<10000x128xf32, #tpu.memory_space<hbm>> -> memref<128x128xf32, #tpu.memory_space<hbm>>
        tpu.wait_dma2 semaphore(%arg14 : memref<!tpu.dma_semaphore, #tpu.memory_space<semaphore_mem>>) src(%dma_wait3A_145 : memref<128x128xf32, #tpu.memory_space<hbm>>) dst(%arg10 : memref<128x128xf32, #tpu.memory_space<vmem>>)
      } else {
      }
      %add3A_90 = arith.constant 1 : i32
      %add3A_91 = arith.addi %mul3A_83, %add3A_90 : i32
      %dma_start3A_92 = arith.constant 0 : i32
      %dma_start3A_93 = tpu.memref_slice %arg7[%add3A_91, %dma_start3A_92] : memref<40x128xi32, #tpu.memory_space<vmem>> -> memref<1x128xi32, #tpu.memory_space<vmem>>
      %dma_start3A_94 = tpu.memref_squeeze %dma_start3A_93 : memref<1x128xi32, #tpu.memory_space<vmem>> -> memref<128xi32, #tpu.memory_space<vmem>>
      %dma_start3A_95 = arith.constant 0 : i32
      %dma_start3A_96 = arith.constant 0 : i32
      %dma_start3A_97 = tpu.memref_slice %arg2[%dma_start3A_95, %dma_start3A_96] : memref<10000x128xf32, #tpu.memory_space<hbm>> -> memref<10000x128xf32, #tpu.memory_space<hbm>>
      tpu.enqueue_indirect_dma source(%dma_start3A_97 : memref<10000x128xf32, #tpu.memory_space<hbm>>) target(%arg10 : memref<128x128xf32, #tpu.memory_space<vmem>>) offsets(%dma_start3A_94 : memref<128xi32, #tpu.memory_space<vmem>>) semaphore(%arg12 : memref<!tpu.dma_semaphore, #tpu.memory_space<semaphore_mem>>)
      %dma_wait3A_98 = arith.constant 0 : i32
      %dma_wait3A_99 = arith.constant 0 : i32
      %dma_wait3A_100 = tpu.memref_slice %arg2[%dma_wait3A_98, %dma_wait3A_99] : memref<10000x128xf32, #tpu.memory_space<hbm>> -> memref<128x128xf32, #tpu.memory_space<hbm>>
      %dma_wait3A_101 = arith.constant 0 : i32
      %dma_wait3A_102 = arith.constant 0 : i32
      %dma_wait3A_103 = tpu.memref_slice %arg2[%dma_wait3A_101, %dma_wait3A_102] : memref<10000x128xf32, #tpu.memory_space<hbm>> -> memref<128x128xf32, #tpu.memory_space<hbm>>
      tpu.wait_dma2 semaphore(%arg11 : memref<!tpu.dma_semaphore, #tpu.memory_space<semaphore_mem>>) src(%dma_wait3A_103 : memref<128x128xf32, #tpu.memory_space<hbm>>) dst(%arg9 : memref<128x128xf32, #tpu.memory_space<vmem>>)
      %dma_start3A_104 = arith.constant 0 : i32
      %dma_start3A_105 = tpu.memref_slice %arg8[%mul3A_83, %dma_start3A_104] : memref<40x128xi32, #tpu.memory_space<vmem>> -> memref<1x128xi32, #tpu.memory_space<vmem>>
      %dma_start3A_106 = tpu.memref_squeeze %dma_start3A_105 : memref<1x128xi32, #tpu.memory_space<vmem>> -> memref<128xi32, #tpu.memory_space<vmem>>
      %dma_start3A_107 = arith.constant 0 : i32
      %dma_start3A_108 = arith.constant 0 : i32
      %dma_start3A_109 = tpu.memref_slice %arg6[%dma_start3A_107, %dma_start3A_108] : memref<10128x128xf32, #tpu.memory_space<vmem_shared>> -> memref<10128x128xf32, #tpu.memory_space<vmem_shared>>
      tpu.enqueue_indirect_dma source(%arg9 : memref<128x128xf32, #tpu.memory_space<vmem>>) target(%dma_start3A_109 : memref<10128x128xf32, #tpu.memory_space<vmem_shared>>) offsets(%dma_start3A_106 : memref<128xi32, #tpu.memory_space<vmem>>) semaphore(%arg13 : memref<!tpu.dma_semaphore, #tpu.memory_space<semaphore_mem>>) {add = true}
      %mul3A_110 = arith.constant 2 : i32
      %mul3A_111 = arith.muli %mul3A_110, %scan3A_80 : i32
      %add3A_112 = arith.constant 1 : i32
      %add3A_113 = arith.addi %mul3A_111, %add3A_112 : i32
      %eq3A_114 = arith.constant 19 : i32
      %eq3A_115 = arith.cmpi eq, %scan3A_80, %eq3A_114 : i32
      %dma_wait3A_116 = arith.constant 0 : i32
      %dma_wait3A_117 = arith.constant 0 : i32
      %dma_wait3A_118 = tpu.memref_slice %arg2[%dma_wait3A_116, %dma_wait3A_117] : memref<10000x128xf32, #tpu.memory_space<hbm>> -> memref<128x128xf32, #tpu.memory_space<hbm>>
      %dma_wait3A_119 = arith.constant 0 : i32
      %dma_wait3A_120 = arith.constant 0 : i32
      %dma_wait3A_121 = tpu.memref_slice %arg2[%dma_wait3A_119, %dma_wait3A_120] : memref<10000x128xf32, #tpu.memory_space<hbm>> -> memref<128x128xf32, #tpu.memory_space<hbm>>
      tpu.wait_dma2 semaphore(%arg13 : memref<!tpu.dma_semaphore, #tpu.memory_space<semaphore_mem>>) src(%dma_wait3A_121 : memref<128x128xf32, #tpu.memory_space<hbm>>) dst(%arg9 : memref<128x128xf32, #tpu.memory_space<vmem>>)
      %not3A_122 = arith.constant true
      %not3A_123 = arith.xori %eq3A_115, %not3A_122 : i1
      %convert_element_type3A_124 = arith.extui %not3A_123 : i1 to i32
      %cond3A_125 = arith.constant 0 : i32
      %cond3A_126 = arith.cmpi ne, %convert_element_type3A_124, %cond3A_125 : i32
      scf.if %cond3A_126 {
        %add3A_140 = arith.constant 1 : i32
        %add3A_141 = arith.addi %add3A_113, %add3A_140 : i32
        %dma_start3A_142 = arith.constant 0 : i32
        %dma_start3A_143 = tpu.memref_slice %arg7[%add3A_141, %dma_start3A_142] : memref<40x128xi32, #tpu.memory_space<vmem>> -> memref<1x128xi32, #tpu.memory_space<vmem>>
        %dma_start3A_144 = tpu.memref_squeeze %dma_start3A_143 : memref<1x128xi32, #tpu.memory_space<vmem>> -> memref<128xi32, #tpu.memory_space<vmem>>
        %dma_start3A_145 = arith.constant 0 : i32
        %dma_start3A_146 = arith.constant 0 : i32
        %dma_start3A_147 = tpu.memref_slice %arg2[%dma_start3A_145, %dma_start3A_146] : memref<10000x128xf32, #tpu.memory_space<hbm>> -> memref<10000x128xf32, #tpu.memory_space<hbm>>
        tpu.enqueue_indirect_dma source(%dma_start3A_147 : memref<10000x128xf32, #tpu.memory_space<hbm>>) target(%arg9 : memref<128x128xf32, #tpu.memory_space<vmem>>) offsets(%dma_start3A_144 : memref<128xi32, #tpu.memory_space<vmem>>) semaphore(%arg11 : memref<!tpu.dma_semaphore, #tpu.memory_space<semaphore_mem>>)
      } else {
      }
      %dma_wait3A_127 = arith.constant 0 : i32
      %dma_wait3A_128 = arith.constant 0 : i32
      %dma_wait3A_129 = tpu.memref_slice %arg2[%dma_wait3A_127, %dma_wait3A_128] : memref<10000x128xf32, #tpu.memory_space<hbm>> -> memref<128x128xf32, #tpu.memory_space<hbm>>
      %dma_wait3A_130 = arith.constant 0 : i32
      %dma_wait3A_131 = arith.constant 0 : i32
      %dma_wait3A_132 = tpu.memref_slice %arg2[%dma_wait3A_130, %dma_wait3A_131] : memref<10000x128xf32, #tpu.memory_space<hbm>> -> memref<128x128xf32, #tpu.memory_space<hbm>>
      tpu.wait_dma2 semaphore(%arg12 : memref<!tpu.dma_semaphore, #tpu.memory_space<semaphore_mem>>) src(%dma_wait3A_132 : memref<128x128xf32, #tpu.memory_space<hbm>>) dst(%arg10 : memref<128x128xf32, #tpu.memory_space<vmem>>)
      %dma_start3A_133 = arith.constant 0 : i32
      %dma_start3A_134 = tpu.memref_slice %arg8[%add3A_113, %dma_start3A_133] : memref<40x128xi32, #tpu.memory_space<vmem>> -> memref<1x128xi32, #tpu.memory_space<vmem>>
      %dma_start3A_135 = tpu.memref_squeeze %dma_start3A_134 : memref<1x128xi32, #tpu.memory_space<vmem>> -> memref<128xi32, #tpu.memory_space<vmem>>
      %dma_start3A_136 = arith.constant 0 : i32
      %dma_start3A_137 = arith.constant 0 : i32
      %dma_start3A_138 = tpu.memref_slice %arg6[%dma_start3A_136, %dma_start3A_137] : memref<10128x128xf32, #tpu.memory_space<vmem_shared>> -> memref<10128x128xf32, #tpu.memory_space<vmem_shared>>
      tpu.enqueue_indirect_dma source(%arg10 : memref<128x128xf32, #tpu.memory_space<vmem>>) target(%dma_start3A_138 : memref<10128x128xf32, #tpu.memory_space<vmem_shared>>) offsets(%dma_start3A_135 : memref<128xi32, #tpu.memory_space<vmem>>) semaphore(%arg14 : memref<!tpu.dma_semaphore, #tpu.memory_space<semaphore_mem>>) {add = true}
      %scan3A_139 = arith.constant 0 : i32
      scf.yield %scan3A_139 : i32
    }
    %scan3A_62 = arith.constant 20 : i32
    %dma_wait3A_63 = arith.constant 0 : i32
    %dma_wait3A_64 = arith.constant 0 : i32
    %dma_wait3A_65 = tpu.memref_slice %arg2[%dma_wait3A_63, %dma_wait3A_64] : memref<10000x128xf32, #tpu.memory_space<hbm>> -> memref<128x128xf32, #tpu.memory_space<hbm>>
    %dma_wait3A_66 = arith.constant 0 : i32
    %dma_wait3A_67 = arith.constant 0 : i32
    %dma_wait3A_68 = tpu.memref_slice %arg2[%dma_wait3A_66, %dma_wait3A_67] : memref<10000x128xf32, #tpu.memory_space<hbm>> -> memref<128x128xf32, #tpu.memory_space<hbm>>
    tpu.wait_dma2 semaphore(%arg14 : memref<!tpu.dma_semaphore, #tpu.memory_space<semaphore_mem>>) src(%dma_wait3A_68 : memref<128x128xf32, #tpu.memory_space<hbm>>) dst(%arg10 : memref<128x128xf32, #tpu.memory_space<vmem>>)
    %barrier3A_69 = arith.constant 0 : index
    tpu.barrier barrier_id(%barrier3A_69)
    %lt3A_70 = arith.constant 15 : i32
    %lt3A_71 = arith.cmpi slt, %arg1, %lt3A_70 : i32
    %convert_element_type3A_72 = arith.extui %lt3A_71 : i1 to i32
    %cond3A_73 = arith.constant 0 : i32
    %cond3A_74 = arith.cmpi ne, %convert_element_type3A_72, %cond3A_73 : i32
    scf.if %cond3A_74 {
      %mul3A_80 = arith.constant 632 : i32
      %mul3A_81 = arith.muli %arg1, %mul3A_80 : i32
      %mul3A_82 = arith.constant 632 : i32
      %mul3A_83 = arith.muli %arg1, %mul3A_82 : i32
      "tpu.region"() ({
        %run_scoped3A = tpu.sem_alloc : memref<!tpu.dma_semaphore, #tpu.memory_space<semaphore_mem>>
        %dma_start3A_84 = arith.constant 0 : i32
        %dma_start3A_85 = tpu.memref_slice %arg5[%arg0, %mul3A_83, %dma_start3A_84] : memref<2x10000x128xf32, #tpu.memory_space<hbm>> -> memref<1x632x128xf32, #tpu.memory_space<hbm>>
        %dma_start3A_86 = tpu.memref_squeeze %dma_start3A_85 : memref<1x632x128xf32, #tpu.memory_space<hbm>> -> memref<632x128xf32, #tpu.memory_space<hbm>>
        %dma_start3A_87 = arith.constant 0 : i32
        %dma_start3A_88 = tpu.memref_slice %arg6[%mul3A_81, %dma_start3A_87] : memref<10128x128xf32, #tpu.memory_space<vmem_shared>> -> memref<632x128xf32, #tpu.memory_space<vmem_shared>>
        tpu.enqueue_dma source(%dma_start3A_88 : memref<632x128xf32, #tpu.memory_space<vmem_shared>>) target(%dma_start3A_86 : memref<632x128xf32, #tpu.memory_space<hbm>>) target_semaphore(%run_scoped3A : memref<!tpu.dma_semaphore, #tpu.memory_space<semaphore_mem>>)
        %dma_wait3A_89 = arith.constant 0 : i32
        %dma_wait3A_90 = tpu.memref_slice %arg5[%arg0, %mul3A_83, %dma_wait3A_89] : memref<2x10000x128xf32, #tpu.memory_space<hbm>> -> memref<1x632x128xf32, #tpu.memory_space<hbm>>
        %dma_wait3A_91 = tpu.memref_squeeze %dma_wait3A_90 : memref<1x632x128xf32, #tpu.memory_space<hbm>> -> memref<632x128xf32, #tpu.memory_space<hbm>>
        %dma_wait3A_92 = arith.constant 0 : i32
        %dma_wait3A_93 = tpu.memref_slice %arg6[%mul3A_81, %dma_wait3A_92] : memref<10128x128xf32, #tpu.memory_space<vmem_shared>> -> memref<632x128xf32, #tpu.memory_space<vmem_shared>>
        tpu.wait_dma2 semaphore(%run_scoped3A : memref<!tpu.dma_semaphore, #tpu.memory_space<semaphore_mem>>) src(%dma_wait3A_93 : memref<632x128xf32, #tpu.memory_space<vmem_shared>>) dst(%dma_wait3A_91 : memref<632x128xf32, #tpu.memory_space<hbm>>)
        tpu.yield
      }) : () -> ()
    } else {
    }
    %eq3A_75 = arith.constant 15 : i32
    %eq3A_76 = arith.cmpi eq, %arg1, %eq3A_75 : i32
    %convert_element_type3A_77 = arith.extui %eq3A_76 : i1 to i32
    %cond3A_78 = arith.constant 0 : i32
    %cond3A_79 = arith.cmpi ne, %convert_element_type3A_77, %cond3A_78 : i32
    scf.if %cond3A_79 {
      "tpu.region"() ({
        %run_scoped3A = tpu.sem_alloc : memref<!tpu.dma_semaphore, #tpu.memory_space<semaphore_mem>>
        %dma_start3A_80 = arith.constant 9480 : i32
        %dma_start3A_81 = arith.constant 0 : i32
        %dma_start3A_82 = tpu.memref_slice %arg5[%arg0, %dma_start3A_80, %dma_start3A_81] : memref<2x10000x128xf32, #tpu.memory_space<hbm>> -> memref<1x520x128xf32, #tpu.memory_space<hbm>>
        %dma_start3A_83 = tpu.memref_squeeze %dma_start3A_82 : memref<1x520x128xf32, #tpu.memory_space<hbm>> -> memref<520x128xf32, #tpu.memory_space<hbm>>
        %dma_start3A_84 = arith.constant 9480 : i32
        %dma_start3A_85 = arith.constant 0 : i32
        %dma_start3A_86 = tpu.memref_slice %arg6[%dma_start3A_84, %dma_start3A_85] : memref<10128x128xf32, #tpu.memory_space<vmem_shared>> -> memref<520x128xf32, #tpu.memory_space<vmem_shared>>
        tpu.enqueue_dma source(%dma_start3A_86 : memref<520x128xf32, #tpu.memory_space<vmem_shared>>) target(%dma_start3A_83 : memref<520x128xf32, #tpu.memory_space<hbm>>) target_semaphore(%run_scoped3A : memref<!tpu.dma_semaphore, #tpu.memory_space<semaphore_mem>>)
        %dma_wait3A_87 = arith.constant 9480 : i32
        %dma_wait3A_88 = arith.constant 0 : i32
        %dma_wait3A_89 = tpu.memref_slice %arg5[%arg0, %dma_wait3A_87, %dma_wait3A_88] : memref<2x10000x128xf32, #tpu.memory_space<hbm>> -> memref<1x520x128xf32, #tpu.memory_space<hbm>>
        %dma_wait3A_90 = tpu.memref_squeeze %dma_wait3A_89 : memref<1x520x128xf32, #tpu.memory_space<hbm>> -> memref<520x128xf32, #tpu.memory_space<hbm>>
        %dma_wait3A_91 = arith.constant 9480 : i32
        %dma_wait3A_92 = arith.constant 0 : i32
        %dma_wait3A_93 = tpu.memref_slice %arg6[%dma_wait3A_91, %dma_wait3A_92] : memref<10128x128xf32, #tpu.memory_space<vmem_shared>> -> memref<520x128xf32, #tpu.memory_space<vmem_shared>>
        tpu.wait_dma2 semaphore(%run_scoped3A : memref<!tpu.dma_semaphore, #tpu.memory_space<semaphore_mem>>) src(%dma_wait3A_93 : memref<520x128xf32, #tpu.memory_space<vmem_shared>>) dst(%dma_wait3A_90 : memref<520x128xf32, #tpu.memory_space<hbm>>)
        tpu.yield
      }) : () -> ()
    } else {
    }
    return
  }
}

module attributes {stable_mosaic.version = 14 : i64} {
  func.func @_tc1a_body(%arg0: i32, %arg1: memref<1000x128xf32, #tpu.memory_space<vmem>>, %arg2: memref<128x128xf32, #tpu.memory_space<vmem>>, %arg3: memref<1000x128xf32, #tpu.memory_space<vmem>>) attributes {dimension_semantics = [#tpu.dimension_semantics<arbitrary>], iteration_bounds = array<i64: 10>, scalar_prefetch = 0 : i64, scratch_operands = 0 : i64, tpu.core_type = #tpu.core_type<tc>, window_params = [{transform_indices = @transform_0, window_bounds = array<i64: 1000, 128>}, {pipeline_mode = #tpu.pipeline_mode<synchronous>, transform_indices = @transform_1, window_bounds = array<i64: 128, 128>}, {transform_indices = @transform_2, window_bounds = array<i64: 1000, 128>}]} {
    %get3A = arith.constant 0 : index
    %get3A_0 = arith.constant 0 : index
    %get3A_1 = vector.load %arg1[%get3A, %get3A_0] : memref<1000x128xf32, #tpu.memory_space<vmem>>, vector<1000x128xf32>
    %get3A_2 = arith.constant 0 : index
    %get3A_3 = arith.constant 0 : index
    %get3A_4 = vector.load %arg2[%get3A_2, %get3A_3] : memref<128x128xf32, #tpu.memory_space<vmem>>, vector<128x128xf32>
    %dot_general3A = arith.constant dense<0.000000e+00> : vector<1000x128xf32>
    %dot_general3A_5 = tpu.matmul %get3A_1, %get3A_4, %dot_general3A {dimension_numbers = #tpu.dot_dimension_numbers<[1], [0], [0], [1], [0, 0, 1, 1], [], []>, transpose_lhs_hint = false} : vector<1000x128xf32>, vector<128x128xf32>, vector<1000x128xf32> -> vector<1000x128xf32>
    %swap3A = arith.constant 0 : index
    %swap3A_6 = arith.constant 0 : index
    %swap3A_7 = vector.load %arg3[%swap3A, %swap3A_6] : memref<1000x128xf32, #tpu.memory_space<vmem>>, vector<1000x128xf32>
    tpu.vector_store %arg3[%swap3A, %swap3A_6], %dot_general3A_5 {strides = array<i32>} : memref<1000x128xf32, #tpu.memory_space<vmem>>, vector<1000x128xf32>,
    return
  }
  func.func @transform_0(%arg0: i32) -> (i32, i32) {
    %c0_i32 = arith.constant 0 : i32
    %c0_i32_0 = arith.constant 0 : i32
    return %arg0, %c0_i32 : i32, i32
  }
  func.func @transform_1(%arg0: i32) -> (i32, i32) {
    %c0_i32 = arith.constant 0 : i32
    %c0_i32_0 = arith.constant 0 : i32
    %c0_i32_1 = arith.constant 0 : i32
    return %c0_i32, %c0_i32_0 : i32, i32
  }
  func.func @transform_2(%arg0: i32) -> (i32, i32) {
    %c0_i32 = arith.constant 0 : i32
    %c0_i32_0 = arith.constant 0 : i32
    return %arg0, %c0_i32 : i32, i32
  }
}

module attributes {stable_mosaic.version = 14 : i64} {
  func.func @_tc1b_body(%arg0: i32, %arg1: memref<1000x128xf32, #tpu.memory_space<vmem>>, %arg2: memref<1000x2xf32, #tpu.memory_space<vmem>>, %arg3: memref<1000x128xf32, #tpu.memory_space<vmem>>) attributes {dimension_semantics = [#tpu.dimension_semantics<arbitrary>], iteration_bounds = array<i64: 10>, scalar_prefetch = 0 : i64, scratch_operands = 0 : i64, tpu.core_type = #tpu.core_type<tc>, window_params = [{transform_indices = @transform_0, window_bounds = array<i64: 1000, 128>}, {transform_indices = @transform_1, window_bounds = array<i64: 1000, 2>}, {transform_indices = @transform_2, window_bounds = array<i64: 1000, 128>}]} {
    %get3A = arith.constant 0 : index
    %get3A_0 = arith.constant 0 : index
    %get3A_1 = vector.load %arg1[%get3A, %get3A_0] : memref<1000x128xf32, #tpu.memory_space<vmem>>, vector<1000x128xf32>
    %get3A_2 = arith.constant 0 : index
    %get3A_3 = arith.constant 0 : index
    %get3A_4 = vector.load %arg2[%get3A_2, %get3A_3] : memref<1000x2xf32, #tpu.memory_space<vmem>>, vector<1000x2xf32>
    %slice3A = vector.extract_strided_slice %get3A_4 {offsets = [0, 0], sizes = [1000, 1], strides = [1, 1]} : vector<1000x2xf32> to vector<1000x1xf32>
    %slice3A_5 = vector.extract_strided_slice %get3A_4 {offsets = [0, 1], sizes = [1000, 1], strides = [1, 1]} : vector<1000x2xf32> to vector<1000x1xf32>
    %add3A = arith.addf %slice3A, %slice3A_5 : vector<1000x1xf32>
    %add3A_6 = arith.constant 1.000000e+00 : f32
    %add3A_7 = vector.broadcast %add3A_6 : f32 to vector<1000x1xf32>
    %add3A_8 = arith.addf %add3A, %add3A_7 : vector<1000x1xf32>
    %rsqrt3A = math.rsqrt %add3A_8 : vector<1000x1xf32>
    %mul3A = vector.broadcast %rsqrt3A : vector<1000x1xf32> to vector<1000x128xf32>
    %mul3A_9 = arith.mulf %get3A_1, %mul3A : vector<1000x128xf32>
    %swap3A = arith.constant 0 : index
    %swap3A_10 = arith.constant 0 : index
    %swap3A_11 = vector.load %arg3[%swap3A, %swap3A_10] : memref<1000x128xf32, #tpu.memory_space<vmem>>, vector<1000x128xf32>
    tpu.vector_store %arg3[%swap3A, %swap3A_10], %mul3A_9 {strides = array<i32>} : memref<1000x128xf32, #tpu.memory_space<vmem>>, vector<1000x128xf32>,
    return
  }
  func.func @transform_0(%arg0: i32) -> (i32, i32) {
    %c0_i32 = arith.constant 0 : i32
    %c0_i32_0 = arith.constant 0 : i32
    return %arg0, %c0_i32 : i32, i32
  }
  func.func @transform_1(%arg0: i32) -> (i32, i32) {
    %c0_i32 = arith.constant 0 : i32
    %c0_i32_0 = arith.constant 0 : i32
    return %arg0, %c0_i32 : i32, i32
  }
  func.func @transform_2(%arg0: i32) -> (i32, i32) {
    %c0_i32 = arith.constant 0 : i32
    %c0_i32_0 = arith.constant 0 : i32
    return %arg0, %c0_i32 : i32, i32
  }
}

module attributes {stable_mosaic.version = 14 : i64} {
  func.func @_tc2_body(%arg0: i32, %arg1: memref<1000x128xf32, #tpu.memory_space<vmem>>, %arg2: memref<1000x128xf32, #tpu.memory_space<vmem>>, %arg3: memref<1000x2xf32, #tpu.memory_space<vmem>>, %arg4: memref<1x128xf32, #tpu.memory_space<vmem>>, %arg5: memref<128x128xf32, #tpu.memory_space<vmem>>, %arg6: memref<1000x128xf32, #tpu.memory_space<vmem>>, %arg7: memref<1000x128xf32, #tpu.memory_space<vmem>>) attributes {dimension_semantics = [#tpu.dimension_semantics<arbitrary>], iteration_bounds = array<i64: 10>, scalar_prefetch = 0 : i64, scratch_operands = 0 : i64, tpu.core_type = #tpu.core_type<tc>, window_params = [{transform_indices = @transform_0, window_bounds = array<i64: 1000, 128>}, {transform_indices = @transform_1, window_bounds = array<i64: 1000, 128>}, {transform_indices = @transform_2, window_bounds = array<i64: 1000, 2>}, {pipeline_mode = #tpu.pipeline_mode<synchronous>, transform_indices = @transform_3, window_bounds = array<i64: 1, 128>}, {pipeline_mode = #tpu.pipeline_mode<synchronous>, transform_indices = @transform_4, window_bounds = array<i64: 128, 128>}, {transform_indices = @transform_5, window_bounds = array<i64: 1000, 128>}, {transform_indices = @transform_6, window_bounds = array<i64: 1000, 128>}]} {
    %get3A = arith.constant 0 : index
    %get3A_0 = arith.constant 0 : index
    %get3A_1 = vector.load %arg3[%get3A, %get3A_0] : memref<1000x2xf32, #tpu.memory_space<vmem>>, vector<1000x2xf32>
    %slice3A = vector.extract_strided_slice %get3A_1 {offsets = [0, 0], sizes = [1000, 1], strides = [1, 1]} : vector<1000x2xf32> to vector<1000x1xf32>
    %slice3A_2 = vector.extract_strided_slice %get3A_1 {offsets = [0, 1], sizes = [1000, 1], strides = [1, 1]} : vector<1000x2xf32> to vector<1000x1xf32>
    %add3A = arith.addf %slice3A, %slice3A_2 : vector<1000x1xf32>
    %add3A_3 = arith.constant 1.000000e+00 : f32
    %add3A_4 = vector.broadcast %add3A_3 : f32 to vector<1000x1xf32>
    %add3A_5 = arith.addf %add3A, %add3A_4 : vector<1000x1xf32>
    %rsqrt3A = math.rsqrt %add3A_5 : vector<1000x1xf32>
    %get3A_6 = arith.constant 0 : index
    %get3A_7 = arith.constant 0 : index
    %get3A_8 = vector.load %arg1[%get3A_6, %get3A_7] : memref<1000x128xf32, #tpu.memory_space<vmem>>, vector<1000x128xf32>
    %get3A_9 = arith.constant 0 : index
    %get3A_10 = arith.constant 0 : index
    %get3A_11 = vector.load %arg2[%get3A_9, %get3A_10] : memref<1000x128xf32, #tpu.memory_space<vmem>>, vector<1000x128xf32>
    %add3A_12 = arith.addf %get3A_8, %get3A_11 : vector<1000x128xf32>
    %mul3A = vector.broadcast %rsqrt3A : vector<1000x1xf32> to vector<1000x128xf32>
    %mul3A_13 = arith.mulf %add3A_12, %mul3A : vector<1000x128xf32>
    %get3A_14 = arith.constant 0 : index
    %get3A_15 = arith.constant 0 : index
    %get3A_16 = vector.load %arg4[%get3A_14, %get3A_15] : memref<1x128xf32, #tpu.memory_space<vmem>>, vector<1x128xf32>
    %add3A_17 = vector.broadcast %get3A_16 : vector<1x128xf32> to vector<1000x128xf32>
    %add3A_18 = arith.addf %mul3A_13, %add3A_17 : vector<1000x128xf32>
    %max3A = arith.constant 0.000000e+00 : f32
    %max3A_19 = vector.broadcast %max3A : f32 to vector<1000x128xf32>
    %max3A_20 = arith.maximumf %add3A_18, %max3A_19 : vector<1000x128xf32>
    %swap3A = arith.constant 0 : index
    %swap3A_21 = arith.constant 0 : index
    %swap3A_22 = vector.load %arg6[%swap3A, %swap3A_21] : memref<1000x128xf32, #tpu.memory_space<vmem>>, vector<1000x128xf32>
    tpu.vector_store %arg6[%swap3A, %swap3A_21], %max3A_20 {strides = array<i32>} : memref<1000x128xf32, #tpu.memory_space<vmem>>, vector<1000x128xf32>,
    %get3A_23 = arith.constant 0 : index
    %get3A_24 = arith.constant 0 : index
    %get3A_25 = vector.load %arg5[%get3A_23, %get3A_24] : memref<128x128xf32, #tpu.memory_space<vmem>>, vector<128x128xf32>
    %dot_general3A = arith.constant dense<0.000000e+00> : vector<1000x128xf32>
    %dot_general3A_26 = tpu.matmul %max3A_20, %get3A_25, %dot_general3A {dimension_numbers = #tpu.dot_dimension_numbers<[1], [0], [0], [1], [0, 0, 1, 1], [], []>, transpose_lhs_hint = false} : vector<1000x128xf32>, vector<128x128xf32>, vector<1000x128xf32> -> vector<1000x128xf32>
    %mul3A_27 = vector.broadcast %rsqrt3A : vector<1000x1xf32> to vector<1000x128xf32>
    %mul3A_28 = arith.mulf %dot_general3A_26, %mul3A_27 : vector<1000x128xf32>
    %swap3A_29 = arith.constant 0 : index
    %swap3A_30 = arith.constant 0 : index
    %swap3A_31 = vector.load %arg7[%swap3A_29, %swap3A_30] : memref<1000x128xf32, #tpu.memory_space<vmem>>, vector<1000x128xf32>
    tpu.vector_store %arg7[%swap3A_29, %swap3A_30], %mul3A_28 {strides = array<i32>} : memref<1000x128xf32, #tpu.memory_space<vmem>>, vector<1000x128xf32>,
    return
  }
  func.func @transform_0(%arg0: i32) -> (i32, i32) {
    %c0_i32 = arith.constant 0 : i32
    %c0_i32_0 = arith.constant 0 : i32
    return %arg0, %c0_i32 : i32, i32
  }
  func.func @transform_1(%arg0: i32) -> (i32, i32) {
    %c0_i32 = arith.constant 0 : i32
    %c0_i32_0 = arith.constant 0 : i32
    return %arg0, %c0_i32 : i32, i32
  }
  func.func @transform_2(%arg0: i32) -> (i32, i32) {
    %c0_i32 = arith.constant 0 : i32
    %c0_i32_0 = arith.constant 0 : i32
    return %arg0, %c0_i32 : i32, i32
  }
  func.func @transform_3(%arg0: i32) -> (i32, i32) {
    %c0_i32 = arith.constant 0 : i32
    %c0_i32_0 = arith.constant 0 : i32
    %c0_i32_1 = arith.constant 0 : i32
    return %c0_i32, %c0_i32_0 : i32, i32
  }
  func.func @transform_4(%arg0: i32) -> (i32, i32) {
    %c0_i32 = arith.constant 0 : i32
    %c0_i32_0 = arith.constant 0 : i32
    %c0_i32_1 = arith.constant 0 : i32
    return %c0_i32, %c0_i32_0 : i32, i32
  }
  func.func @transform_5(%arg0: i32) -> (i32, i32) {
    %c0_i32 = arith.constant 0 : i32
    %c0_i32_0 = arith.constant 0 : i32
    return %arg0, %c0_i32 : i32, i32
  }
  func.func @transform_6(%arg0: i32) -> (i32, i32) {
    %c0_i32 = arith.constant 0 : i32
    %c0_i32_0 = arith.constant 0 : i32
    return %arg0, %c0_i32 : i32, i32
  }
}

module attributes {stable_mosaic.version = 14 : i64} {
  func.func @_tc3_body(%arg0: i32, %arg1: memref<1000x128xf32, #tpu.memory_space<vmem>>, %arg2: memref<1000x128xf32, #tpu.memory_space<vmem>>, %arg3: memref<1000x2xf32, #tpu.memory_space<vmem>>, %arg4: memref<1x40xf32, #tpu.memory_space<vmem>>, %arg5: memref<1000x40xf32, #tpu.memory_space<vmem>>) attributes {dimension_semantics = [#tpu.dimension_semantics<arbitrary>], iteration_bounds = array<i64: 10>, scalar_prefetch = 0 : i64, scratch_operands = 0 : i64, tpu.core_type = #tpu.core_type<tc>, window_params = [{transform_indices = @transform_0, window_bounds = array<i64: 1000, 128>}, {transform_indices = @transform_1, window_bounds = array<i64: 1000, 128>}, {transform_indices = @transform_2, window_bounds = array<i64: 1000, 2>}, {pipeline_mode = #tpu.pipeline_mode<synchronous>, transform_indices = @transform_3, window_bounds = array<i64: 1, 40>}, {transform_indices = @transform_4, window_bounds = array<i64: 1000, 40>}]} {
    %get3A = arith.constant 0 : index
    %get3A_0 = arith.constant 0 : index
    %get3A_1 = vector.load %arg1[%get3A, %get3A_0] : memref<1000x128xf32, #tpu.memory_space<vmem>>, vector<1000x128xf32>
    %get3A_2 = arith.constant 0 : index
    %get3A_3 = arith.constant 0 : index
    %get3A_4 = vector.load %arg2[%get3A_2, %get3A_3] : memref<1000x128xf32, #tpu.memory_space<vmem>>, vector<1000x128xf32>
    %add3A = arith.addf %get3A_1, %get3A_4 : vector<1000x128xf32>
    %get3A_5 = arith.constant 0 : index
    %get3A_6 = arith.constant 0 : index
    %get3A_7 = vector.load %arg3[%get3A_5, %get3A_6] : memref<1000x2xf32, #tpu.memory_space<vmem>>, vector<1000x2xf32>
    %slice3A = vector.extract_strided_slice %get3A_7 {offsets = [0, 0], sizes = [1000, 1], strides = [1, 1]} : vector<1000x2xf32> to vector<1000x1xf32>
    %slice3A_8 = vector.extract_strided_slice %get3A_7 {offsets = [0, 1], sizes = [1000, 1], strides = [1, 1]} : vector<1000x2xf32> to vector<1000x1xf32>
    %add3A_9 = arith.addf %slice3A, %slice3A_8 : vector<1000x1xf32>
    %add3A_10 = arith.constant 1.000000e+00 : f32
    %add3A_11 = vector.broadcast %add3A_10 : f32 to vector<1000x1xf32>
    %add3A_12 = arith.addf %add3A_9, %add3A_11 : vector<1000x1xf32>
    %rsqrt3A = math.rsqrt %add3A_12 : vector<1000x1xf32>
    %mul3A = vector.broadcast %rsqrt3A : vector<1000x1xf32> to vector<1000x128xf32>
    %mul3A_13 = arith.mulf %add3A, %mul3A : vector<1000x128xf32>
    %slice3A_14 = vector.extract_strided_slice %mul3A_13 {offsets = [0, 0], sizes = [1000, 40], strides = [1, 1]} : vector<1000x128xf32> to vector<1000x40xf32>
    %get3A_15 = arith.constant 0 : index
    %get3A_16 = arith.constant 0 : index
    %get3A_17 = vector.load %arg4[%get3A_15, %get3A_16] : memref<1x40xf32, #tpu.memory_space<vmem>>, vector<1x40xf32>
    %add3A_18 = vector.broadcast %get3A_17 : vector<1x40xf32> to vector<1000x40xf32>
    %add3A_19 = arith.addf %slice3A_14, %add3A_18 : vector<1000x40xf32>
    %swap3A = arith.constant 0 : index
    %swap3A_20 = arith.constant 0 : index
    %swap3A_21 = vector.load %arg5[%swap3A, %swap3A_20] : memref<1000x40xf32, #tpu.memory_space<vmem>>, vector<1000x40xf32>
    tpu.vector_store %arg5[%swap3A, %swap3A_20], %add3A_19 {strides = array<i32>} : memref<1000x40xf32, #tpu.memory_space<vmem>>, vector<1000x40xf32>,
    return
  }
  func.func @transform_0(%arg0: i32) -> (i32, i32) {
    %c0_i32 = arith.constant 0 : i32
    %c0_i32_0 = arith.constant 0 : i32
    return %arg0, %c0_i32 : i32, i32
  }
  func.func @transform_1(%arg0: i32) -> (i32, i32) {
    %c0_i32 = arith.constant 0 : i32
    %c0_i32_0 = arith.constant 0 : i32
    return %arg0, %c0_i32 : i32, i32
  }
  func.func @transform_2(%arg0: i32) -> (i32, i32) {
    %c0_i32 = arith.constant 0 : i32
    %c0_i32_0 = arith.constant 0 : i32
    return %arg0, %c0_i32 : i32, i32
  }
  func.func @transform_3(%arg0: i32) -> (i32, i32) {
    %c0_i32 = arith.constant 0 : i32
    %c0_i32_0 = arith.constant 0 : i32
    %c0_i32_1 = arith.constant 0 : i32
    return %c0_i32, %c0_i32_0 : i32, i32
  }
  func.func @transform_4(%arg0: i32) -> (i32, i32) {
    %c0_i32 = arith.constant 0 : i32
    %c0_i32_0 = arith.constant 0 : i32
    return %arg0, %c0_i32 : i32, i32
  }
}

</mosaic_0001>

<sc_bundles>
// kernel: kernel.12.cloned.1.call-start
scs
__scs_entry_jumppad:
0x0: {  	(pc) =	sbr.rel $0x88, $3  }
0x1: {  	(tag) =	ssettag $0x0;
	lr =	simm.s32 $0x1  }
0x2: {  	[smem:$0x3F9B] =	sst lr;
	_ =	strace $0xD0000000  }
0x3: {  	_ = 	snop  }
0x4: {  	_ = 	snop  }
0x5: {  	_ = 	snop  }
0x6: {  	_ = 	snop  }
0x7: {  	_ = 	snop  }
__scs_overlays_trampoline_lowered:
0x8: {  	[smem:$0x3FAA] =	sst s0  }
0x9: {  	[smem:$0x3FAB] =	sst s1  }
0xa: {  	[smem:$0x3FAC] =	sst s2  }
0xb: {  	[smem:$0x3FAD] =	sst s3  }
0xc: {  	[smem:$0x3FAE] =	sst s4  }
0xd: {  	[smem:$0x3FAF] =	sst s5  }
0xe: {  	[smem:$0x3FB0] =	sst s6  }
0xf: {  	[smem:$0x3FB1] =	sst s7  }
0x10: {  	[smem:$0x3FB2] =	sst s8  }
0x11: {  	[smem:$0x3FB3] =	sst s9;
	s0 =	simm.s32 @!p0 $0x0  }
0x12: {  	s1 =	sld [smem:$0x3F99];
	s0 =	simm.s32 @p0 $0x1  }
0x13: {  	[smem:$0x3FB4] =	sst s0;
	s0 =	simm.s32 @!p1 $0x0  }
0x14: {  	s2 =	sld [smem:$0x3F98];
	s0 =	simm.s32 @p1 $0x1  }
0x15: {  	[smem:$0x3FB5] =	sst s0;
	s0 =	simm.s32 @!p2 $0x0  }
0x16: {  	s3 =	sld [smem:$0x3FDB];
	s0 =	simm.s32 @p2 $0x1  }
0x17: {  	s4 =	simm.s32 $0x1BF5;
	[smem:$0x3FB7] =	sst s0  }
0x18: {  	s0 =	sld [smem:$0x3F9A];
	_ =	swait.ge [sflag:s4], $0x0  }
0x19: {  	s7 =	sld [smem:$0x3F9B]  }
0x1a: {  	s8 =	sadd.s32 $0xFFFFE003, lr  }
0x1b: {  	s9 =	sadd.s32 $0xFFFFFEF7, lr;
	s5 =	simm.s32 $0xFFFFFFFF;
	p2 =	slt.u32 s8, $0xFFFFF086  }
0x1c: {  	p1 =	slt.u32 s9, $0xF7A;
	s5 =	simm.s32 @!p2 $0x0  }
0x1d: {  	s5 =	simm.s32 @p1 $0x1;
	p0 =	seq.s32 s7, s2  }
0x1e: {  	s7 =	smul.u32 @!p0 $0xF7A, s2;
	p2 =	seq.s32 @!p0 s5, $0x0  }
0x1f: {  	s9 =	smul.u32 $0xF7A, s1;
	s8 =	simm.s32 @!p0 $0x1BF5;
	p2 =	por !p2, p0  }
0x20: {  	[sflag:s8] =	ssyncset.s32 @!p0 $0xFFFFF086;
	s6 =	sadd.s32 @!p0 s3, s7;
	s7 =	simm.s32 @!p0 $0x108  }
0x21: {  	s3 =	sadd.s32 s3, s9;
	s6 =	sadd.s32 @!p0 $0x88, s6;
	s7 =	simm.s32 @p2 $0x1082  }
0x22: {  	[simem:s7], [sflag:s8] =	dma.local @!p0 [hbm:s6], $0xF7A  }
0x23: {  	s9 =	sor.u32 $0xD0000000, s2;
	s6 =	simm.s32 $0x108;
	_ =	swait.ge @!p0 [sflag:s8], $0x0  }
0x24: {  	s3 =	sadd.s32 $0x88, s3;
	s6 =	simm.s32 @!p1 $0x1082;
	[sflag:s4] =	ssyncset.s32 $0xFFFFF086  }
0x25: {  	[simem:s6], [sflag:s4] =	dma.local [hbm:s3], $0xF7A  }
0x26: {  	[smem:$0x3F9B] =	sst s1;
	(tag) =	ssettag s2;
	_ =	strace s9  }
0x27: {  	s1 =	sld [smem:$0x3FAB]  }
0x28: {  	s2 =	sld [smem:$0x3FAC]  }
0x29: {  	s4 =	sld [smem:$0x3FAE]  }
0x2a: {  	p0 =	seq.s32 s5, $0x0;
	s5 =	sld [smem:$0x3FAF]  }
0x2b: {  	s6 =	sld [smem:$0x3FB0]  }
0x2c: {  	s7 =	sld [smem:$0x3FB1]  }
0x2d: {  	s3 =	simm.s32 $0x108;
	s8 =	sld [smem:$0x3FB2]  }
0x2e: {  	s3 =	simm.s32 @!p0 $0x1082;
	s9 =	sld [smem:$0x3FB3]  }
0x2f: {  	lr =	sadd.s32 s0, s3;
	s0 =	sld [smem:$0x3FAA]  }
0x30: {  	s3 =	sld [smem:$0x3FAD]  }
0x31: {  	[smem:$0x3FB6] =	sst s10  }
0x32: {  	s10 =	sld [smem:$0x3FB4];
	_ =	sdelay $0x3  }
0x33: {  	p0 =	seq.s32 s10, $0x1;
	s10 =	sld [smem:$0x3FB6];
	_ =	sdelay $0x3  }
0x34: {  	[smem:$0x3FB6] =	sst s10  }
0x35: {  	s10 =	sld [smem:$0x3FB5];
	_ =	sdelay $0x3  }
0x36: {  	p1 =	seq.s32 s10, $0x1;
	s10 =	sld [smem:$0x3FB6];
	_ =	sdelay $0x3  }
0x37: {  	[smem:$0x3FB6] =	sst s10  }
0x38: {  	s10 =	sld [smem:$0x3FB7]  }
0x39: {  	_ = 	snop;
	(pc) =	sbr.ind lr, $3  }
0x3a: {  	_ = 	snop  }
0x3b: {  	_ = 	snop  }
0x3c: {  	p2 =	seq.s32 s10, $0x1;
	s10 =	sld [smem:$0x3FB6]  }
0x3d: {  	_ =	shalt  }
0x3e: {  	_ =	shalt  }
0x3f: {  	_ =	shalt  }
0x40: {  	_ =	shalt  }
0x41: {  	_ =	shalt  }
0x42: {  	_ =	shalt  }
0x43: {  	_ =	shalt  }
0x44: {  	_ =	shalt  }
0x45: {  	_ =	shalt  }
0x46: {  	_ =	shalt  }
0x47: {  	_ =	shalt  }
0x48: {  	_ =	shalt  }
0x49: {  	_ =	shalt  }
0x4a: {  	_ =	shalt  }
0x4b: {  	_ =	shalt  }
0x4c: {  	_ =	shalt  }
0x4d: {  	_ =	shalt  }
0x4e: {  	_ =	shalt  }
0x4f: {  	_ =	shalt  }
0x50: {  	_ =	shalt  }
0x51: {  	_ =	shalt  }
0x52: {  	_ =	shalt  }
0x53: {  	_ =	shalt  }
0x54: {  	_ =	shalt  }
0x55: {  	_ =	shalt  }
0x56: {  	_ =	shalt  }
0x57: {  	_ =	shalt  }
0x58: {  	_ =	shalt  }
0x59: {  	_ =	shalt  }
0x5a: {  	_ =	shalt  }
0x5b: {  	_ =	shalt  }
0x5c: {  	_ =	shalt  }
0x5d: {  	_ =	shalt  }
0x5e: {  	_ =	shalt  }
0x5f: {  	_ =	shalt  }
0x60: {  	_ =	shalt  }
0x61: {  	_ =	shalt  }
0x62: {  	_ =	shalt  }
0x63: {  	_ =	shalt  }
0x64: {  	_ =	shalt  }
0x65: {  	_ =	shalt  }
0x66: {  	_ =	shalt  }
0x67: {  	_ =	shalt  }
0x68: {  	_ =	shalt  }
0x69: {  	_ =	shalt  }
0x6a: {  	_ =	shalt  }
0x6b: {  	_ =	shalt  }
0x6c: {  	_ =	shalt  }
0x6d: {  	_ =	shalt  }
0x6e: {  	_ =	shalt  }
0x6f: {  	_ =	shalt  }
0x70: {  	_ =	shalt  }
0x71: {  	_ =	shalt  }
0x72: {  	_ =	shalt  }
0x73: {  	_ =	shalt  }
0x74: {  	_ =	shalt  }
0x75: {  	_ =	shalt  }
0x76: {  	_ =	shalt  }
0x77: {  	_ =	shalt  }
0x78: {  	_ =	shalt  }
0x79: {  	_ =	shalt  }
0x7a: {  	_ =	shalt  }
0x7b: {  	_ =	shalt  }
0x7c: {  	_ =	shalt  }
0x7d: {  	_ =	shalt  }
0x7e: {  	_ =	shalt  }
0x7f: {  	_ =	shalt  }
0x80: {  	_ =	shalt  }
0x81: {  	_ =	shalt  }
0x82: {  	_ =	shalt  }
0x83: {  	_ =	shalt  }
0x84: {  	_ =	shalt  }
0x85: {  	_ =	shalt  }
0x86: {  	_ =	shalt  }
0x87: {  	_ =	shalt  }
.Lfunc_end0:
.L_simem_size_0:
called_computation.1_lowered:
.L_overlay_start_0:
0x88: {  	s2 =	sld [smem:$0x3FD9]  }
0x89: {  	s3 =	sld [smem:$0x3FFE];
	_ =	sdelay $0x1  }
0x8a: {  	s1 =	srdreg.scid  }
0x8b: {  	s0 =	sand.u32 $0x1, s1  }
0x8c: {  	s14 =	sshll.u32 s0, $0xA;
	s2 =	sadd.s32 s3, s2  }
0x8d: {  	s2 =	sadd.s32 s2, s14  }
0x8e: {  	[smem:$0x3FC2] =	sst s2  }
0x8f: {  	_ = 	snop  }
0x90: {  	s2 =	sld [smem:$0x3FD0];
	_ =	sdelay $0x2  }
0x91: {  	s15 =	simm.s32 $0xA;
	s4 =	simm.s32 $0x10  }
0x92: {  	[smem:s4], [sflag:s15] =	dma.local [hbm:s2], $0x1  }
0x93: {  	_ =	swait.eq [sflag:s15], $0x1  }
0x94: {  	[sflag:s15] =	ssyncset.done $0x0  }
0x95: {  	s16 =	sld [smem:$0x10];
	[sflag:s15] =	ssyncadd.s32 $0xFFFFFFFF  }
0x96: {  	s17 =	sld [smem:$0x11];
	(tm) =	ssettm $0x1  }
0x97: {  	s18 =	sld [smem:$0x3FFB];
	_ =	sdelay $0x3  }
0x98: {  	_ =	strace s18  }
0x99: {  	s4 =	sld [smem:$0x3FFC];
	_ =	sdelay $0x3  }
0x9a: {  	_ =	strace s4  }
0x9b: {  	s4 =	sld [smem:$0x3FFD];
	_ =	sdelay $0x3  }
0x9c: {  	_ =	strace s4  }
0x9d: {  	_ =	strace $0x8FFFFFFF  }
0x9e: {  	s19 =	sld [smem:$0x3FDB];
	_ =	sdelay $0x1  }
0x9f: {  	s5 =	simm.s32 $_scs_section_size  }
0xa0: {  	s6 =	simm.s32 $_size__tile_overlayer_lowered;
	s7 =	simm.s32 $_tile_overlayer_lowered  }
0xa1: {  	s22 =	simm.s32 $0x1BFF;
	s21 =	sshll.u32 s7, $0x1;
	s4 =	sadd.s32 s5, s19  }
0xa2: {  	s8 =	simm.s32 $0x0;
	s20 =	sshll.u32 s6, $0x1;
	s6 =	sadd.s32 s21, s4  }
0xa3: {  	[timem:s8], [sflag:s22] =	dma.local [hbm:s6], s20  }
0xa4: {  	_ =	swait.ge [sflag:s22], s20  }
0xa5: {  	s5 =	ssub.s32 $0x0, s20;
	[sflag:s22] =	ssyncset.done $0x0  }
0xa6: {  	[sflag:s22] =	ssyncadd.s32 s5;
	_ =	sdelay $0x1  }
0xa7: {  	s23 =	simm.s32 $0x1B8B  }
0xa8: {  	_ =	swait.ge [sflag:s23], $0x1  }
0xa9: {  	[sflag:s23] =	ssyncset.done $0x0  }
0xaa: {  	s25 =	simm.s32 $0x1B8E;
	s24 =	sld [smem:$0x3FFE];
	[sflag:s23] =	ssyncadd.s32 $0xFFFFFFFF  }
0xab: {  	s26 =	simm.s32 $execute0_lowered;
	[smem:$0x3FD2] =	sst s25  }
0xac: {  	s6 =	sshll.u32 s26, $0x1;
	_ =	strace $0x80000049;
	[dreg:$0x1] =	wrdreg $0xFFFFFFFF  }
0xad: {  	s28 =	simm.s32 $_size_execute0_lowered;
	s4 =	sadd.s32 s4, s6;
	[dreg:$0x0] =	wrdreg $0x0  }
0xae: {  	s6 =	sshll.u32 s28, $0x1;
	[dreg:$0x2] =	wrdreg s4  }
0xaf: {  	[dreg:$0x3] =	wrdreg s6  }
0xb0: {  	[dreg:$0x4] =	wrdreg $0xC0  }
0xb1: {  	_ =	task [dreg:s8], $0x5FFFF  }
0xb2: {  	[dreg:$0x1] =	wrdreg $0xFFFFFFFF  }
0xb3: {  	[dreg:$0x0] =	wrdreg $0x60  }
0xb4: {  	[dreg:$0x2] =	wrdreg s16  }
0xb5: {  	[dreg:$0x3] =	wrdreg s24  }
0xb6: {  	[dreg:$0x4] =	wrdreg s17  }
0xb7: {  	[dreg:$0x5] =	wrdreg $0x0  }
0xb8: {  	[dreg:$0x6] =	wrdreg $0x9  }
0xb9: {  	_ =	task.clear_ibuf [dreg:s8], $0x7FFFF;
	_ =	strace $0x90000049  }
0xba: {  	s29 =	simm.s32 $0x9;
	_ =	strace $0x8000004B  }
0xbb: {  	_ =	swait.ge [sflag:s29], $0x1  }
0xbc: {  	[sflag:s29] =	ssyncadd.s32 $0xFFFFFFFF  }
0xbd: {  	_ =	strace $0x9000004B  }
0xbe: {  	_ =	sfence  }
0xbf: {  	s30 =	sld [smem:$0x0];
	_ =	sdelay $0x2  }
0xc0: {  	s31 =	sshll.u32 s1, $0xD;
	s1 =	sshrl.u32 s1, $0x2  }
0xc1: {  	s3 =	sand.u32 $0x4000, s31;
	s1 =	sadd.s32 s1, s30  }
0xc2: {  	s0 =	sor.u32 s3, s0;
	s1 =	sshll.u32 s1, $0x11  }
0xc3: {  	s0 =	sor.u32 s1, s0  }
0xc4: {  	s0 =	sadd.s32 $0x8F2B, s0  }
0xc5: {  	[sflag:s0] =	ssyncadd.remote.s32 $0x1  }
0xc6: {  	_ =	sfence.sel $0xFFFF  }
0xc7: {  	[dreg:$0x0] =	wrdreg $0xFFFFFFFF;
	(pc) =	sbr.abs _section_cstart, $3  }
0xc8: {  	[dreg:$0x1] =	wrdreg $0xFFFFFFFF  }
0xc9: {  	_ =	task.clear_ibuf [dreg:s8], $0x2FFFF;
	_ =	strace $0x9FFFFFFF  }
0xca: {  	(tm) =	ssettm $0x7FFFFFFF  }
0xcb: {  	_ =	shalt  }
tec
execute0_lowered:
.L_overlay_start_1:
0x0: {  	(tag) =	ssettag $0x1  }
0x1: {  	s1 =	rddreg [dreg:$0x0]  }
0x2: {  	s5 =	rddreg [dreg:$0x1]  }
0x3: {  	s0 =	rddreg [dreg:$0x2]  }
0x4: {  	s2 =	rddreg [dreg:$0x3];
	s3 =	simm.s32 $0x0;
	s4 =	srdreg.scid  }
0x5: {  	s28 =	simm.s32 $0x1A480;
	s29 =	simm.s32 $0x1;
	s30 =	simm.s32 $0x3  }
0x6: {  	s31 =	simm.s32 $0x13D80;
	[smem:$0x7FF] =	sst s3;
	s6 =	sand.u32 $0x1, s4  }
0x7: {  	s8 =	sadd.s32 $0x2000, s5;
	s4 =	stileid.u32;
	s5 =	sadd.s32 $0xC000, s5  }
0x8: {  	s20 =	sadd.s32 $0x25080, s1;
	_ =	strace $0x8000004A;
	s10 =	smul.u32 $0x278, s4  }
0x9: {  	s7 =	ssub.s32 $0x2, s6;
	s14 =	sshll.u32 s4, $0x1;
	s17 =	smul.u32 $0x4F000, s4  }
0xa: {  	p0 =	seq.s32 s6, $0x0;
	p1 =	sne.s32 s4, $0xF;
	s18 =	smul.u32 $0x2780, s4  }
0xb: {  	[dreg:$0xa] =	wrdreg s20;
	s22 =	smul.u32 $0x13C00, s4;
	s9 =	sshrl.u32 s7, $0x1  }
0xc: {  	p2 =	por !p0, !p1;
	p1 =	seq.s32 s4, $0xF;
	s7 =	ssub.s32 s7, s9  }
0xd: {  	s9 =	sor.u32 s6, s14;
	p2 =	por !p2, !p2;
	p3 =	por !p0, !p1  }
0xe: {  	s11 =	smin.u32 s10, $0x2498;
	s12 =	sadd.s32 $0x80, s10;
	s14 =	sadd.s32 $0x100, s10  }
0xf: {  	s16 =	sadd.s32 $0x180, s10;
	s6 =	smul.u32 $0x138800, s6;
	s21 =	sadd.s32 s1, s18  }
0x10: {  	p3 =	por !p3, !p3;
	s11 =	sadd.s32 $0x1F8, s11;
	s19 =	smul.u32 $0x500, s9  }
0x11: {  	s9 =	smul.u32 $0x2800, s9;
	[dreg:$0xb] =	wrdreg s21;
	s20 =	smax.u32 s7, $0x1  }
0x12: {  	s21 =	simm.s32 $0x5;
	s7 =	simm.s32 $0x15000;
	s13 =	smin.u32 s10, s11  }
0x13: {  	s12 =	smin.u32 s12, s11;
	s14 =	smin.u32 s14, s11;
	s10 =	sadd.s32 $0x200, s10  }
0x14: {  	s25 =	sadd.s32 s22, s6;
	s6 =	sshrl.u32 s6, $0x3;
	s22 =	simm.s32 $0x13C80  }
0x15: {  	s13 =	sshll.u32 s13, $0x7;
	s12 =	sshll.u32 s12, $0x7;
	s15 =	sshll.u32 s14, $0x7  }
0x16: {  	s10 =	smin.u32 s10, s11;
	s9 =	sshrl.u32 s9, $0x3;
	s23 =	sadd.s32 s8, s19  }
0x17: {  	s24 =	sadd.s32 s0, s19;
	s26 =	sshrl.u32 s25, $0x3;
	s6 =	sadd.s32 s5, s6  }
0x18: {  	s25 =	simm.s32 $0x16480;
	s13 =	sadd.s32 s13, s2;
	[dreg:$0xc] =	wrdreg s23  }
0x19: {  	s12 =	sadd.s32 s12, s2;
	s10 =	sshll.u32 s10, $0x7;
	[dreg:$0xd] =	wrdreg s24  }
0x1a: {  	s9 =	sadd.s32 $0x280, s9;
	s18 =	sadd.s32 s5, s26;
	s19 =	sadd.s32 $0x25080, s6  }
0x1b: {  	s23 =	simm.s32 $0x15080;
	s24 =	simm.s32 $0x80;
	[dreg:$0x5] =	wrdreg s13  }
0x1c: {  	s26 =	simm.s32 $0x13D00;
	[dreg:$0x6] =	wrdreg s12;
	s12 =	sadd.s32 s15, s2  }
0x1d: {  	s5 =	simm.s32 $0x15100;
	s10 =	sadd.s32 s10, s2;
	[dreg:$0x7] =	wrdreg s12  }
0x1e: {  	s6 =	simm.s32 $0x4;
	s12 =	smin.u32 s16, s11;
	[dreg:$0x9] =	wrdreg s10  }
0x1f: {  	s10 =	sadd.s32 $0x128400, s2;
	s11 =	sshrl.u32 s17, $0x2;
	s16 =	sadd.s32 s8, s9  }
0x20: {  	s17 =	sadd.s32 s0, s9;
	s0 =	simm.s32 $0x2;
	s12 =	sshll.u32 s12, $0x7  }
0x21: {  	s8 =	simm.s32 $0x16380;
	s9 =	simm.s32 $0x16400;
	s12 =	sadd.s32 s12, s2  }
0x22: {  	v0 =	vimm.f32 $0.0e+00;
	[dreg:$0x8] =	wrdreg s12;
	s12 =	sadd.s32 s11, s2;
	s11 =	simm.s32 $0x0  }
.LBB2_1:
.Ltmp0:
0x23: {  	(pc) =	sbr.rel @!p2 .LBB2_3-.Ltmp0, $1  }
0x24: {  	_ =	sdelay $0x3  }
0x25: {  	s13 =	sshll.u32 s4, $0x6;
	s14 =	sshrl.u32 s12, $0x3  }
.Ltmp1:
0x26: {  	s15 =	rddreg [dreg:$0xb];
	s13 =	sor.u32 $0x1C05, s13;
	(pc) =	sbr.rel .LBB2_9-.Ltmp1, $4  }
0x27: {  	[spmem:s14], [sflag:s13] =	dma.local [hbm:s15], $0x2780  }
0x28: {  	_ =	swait.ge [sflag:s21], $0x2780  }
0x29: {  	[sflag:s21] =	ssyncset.done $0x0  }
0x2a: {  	p4 =	por $0x0, $0x0;
	[sflag:s21] =	ssyncadd.s32 $0xFFFFD880  }
.LBB2_3:
.Ltmp2:
0x2b: {  	(pc) =	sbr.rel @!p3 .LBB2_5-.Ltmp2, $1  }
0x2c: {  	_ =	sdelay $0x3  }
0x2d: {  	s13 =	sshrl.u32 s10, $0x3  }
.Ltmp3:
0x2e: {  	s14 =	rddreg [dreg:$0xa];
	s15 =	simm.s32 $0x1FC5;
	(pc) =	sbr.rel .LBB2_9-.Ltmp3, $4  }
0x2f: {  	[spmem:s13], [sflag:s15] =	dma.local [hbm:s14], $0x2080  }
0x30: {  	_ =	swait.ge [sflag:s21], $0x2080  }
0x31: {  	[sflag:s21] =	ssyncset.done $0x0  }
0x32: {  	p4 =	por $0x1, $0x1;
	[sflag:s21] =	ssyncadd.s32 $0xFFFFDF80  }
.LBB2_5:
.Ltmp4:
0x33: {  	(pc) =	sbr.rel @p0 .LBB2_9-.Ltmp4, $2  }
0x34: {  	_ =	sdelay $0x2  }
0x35: {  	s14 =	simm.s32 $0x0;
	p4 =	por p1, p1  }
0x36: {  	s13 =	sshra.s32 s14, $0x2;
	s14 =	sadd.s32 $0x200, s14  }
.LBB2_7:
0x37: {  	p4 =	sne.s32 s14, $0xFE00;
	[tilespmem:s13+$0x164F0] =	vst v0  }
0x38: {  	[tilespmem:s13+$0x16480] =	vst v0  }
0x39: {  	[tilespmem:s13+$0x16490] =	vst v0  }
.Ltmp5:
0x3a: {  	[tilespmem:s13+$0x164A0] =	vst v0;
	(pc) =	sbr.rel @p4 .LBB2_7-.Ltmp5, $4  }
0x3b: {  	[tilespmem:s13+$0x164B0] =	vst v0  }
0x3c: {  	[tilespmem:s13+$0x164C0] =	vst v0  }
0x3d: {  	[tilespmem:s13+$0x164D0] =	vst v0  }
0x3e: {  	[tilespmem:s13+$0x164E0] =	vst v0;
	s13 =	sshra.s32 s14, $0x2;
	s14 =	sadd.s32 $0x200, s14  }
0x3f: {  	[tilespmem:s13+$0x164F0] =	vst v0  }
0x40: {  	[tilespmem:s13+$0x16480] =	vst v0  }
0x41: {  	[tilespmem:s13+$0x16490] =	vst v0  }
0x42: {  	[tilespmem:s13+$0x164A0] =	vst v0  }
0x43: {  	[tilespmem:s13+$0x164B0] =	vst v0  }
0x44: {  	[tilespmem:s13+$0x164C0] =	vst v0  }
0x45: {  	[tilespmem:s13+$0x164D0] =	vst v0  }
0x46: {  	[tilespmem:s13+$0x164E0] =	vst v0;
	s15 =	rddreg [dreg:$0x5]  }
0x47: {  	[spmem:s15] =	stream.linear.scatter [tilespmem:s25], [sflag:$0x5], $0x4000, $0x38;
	[tilespmem:$0x1E480] =	vst v63  }
0x48: {  	_ =	swait.ge [sflag:s21], $0x4000  }
0x49: {  	[sflag:s21] =	ssyncset.done $0x0  }
0x4a: {  	s14 =	rddreg [dreg:$0x6];
	[sflag:s21] =	ssyncadd.s32 $0xFFFFC000  }
0x4b: {  	[spmem:s14] =	stream.linear.scatter [tilespmem:s25], [sflag:$0x5], $0x4000, $0x38;
	[tilespmem:$0x1E480] =	vst v63  }
0x4c: {  	_ =	swait.ge [sflag:s21], $0x4000  }
0x4d: {  	[sflag:s21] =	ssyncset.done $0x0  }
0x4e: {  	s15 =	rddreg [dreg:$0x7];
	[sflag:s21] =	ssyncadd.s32 $0xFFFFC000  }
0x4f: {  	[spmem:s15] =	stream.linear.scatter [tilespmem:s25], [sflag:$0x5], $0x4000, $0x38;
	[tilespmem:$0x1E480] =	vst v63  }
0x50: {  	_ =	swait.ge [sflag:s21], $0x4000  }
0x51: {  	[sflag:s21] =	ssyncset.done $0x0  }
0x52: {  	s14 =	rddreg [dreg:$0x8];
	[sflag:s21] =	ssyncadd.s32 $0xFFFFC000  }
0x53: {  	[spmem:s14] =	stream.linear.scatter [tilespmem:s25], [sflag:$0x5], $0x4000, $0x38;
	[tilespmem:$0x1E480] =	vst v63  }
0x54: {  	_ =	swait.ge [sflag:s21], $0x4000  }
0x55: {  	[sflag:s21] =	ssyncset.done $0x0  }
0x56: {  	s15 =	rddreg [dreg:$0x9];
	[sflag:s21] =	ssyncadd.s32 $0xFFFFC000  }
0x57: {  	[spmem:s15] =	stream.linear.scatter [tilespmem:s25], [sflag:$0x5], $0x4000, $0x38;
	[tilespmem:$0x1E480] =	vst v63  }
0x58: {  	_ =	swait.ge [sflag:s21], $0x4000  }
0x59: {  	[sflag:s21] =	ssyncset.done $0x0  }
0x5a: {  	p4 =	por p1, p1;
	[sflag:s21] =	ssyncadd.s32 $0xFFFFC000  }
.LBB2_9:
0x5b: {  	[bflag:$0x0] =	sbarrier.arrive $0xFFFF  }
0x5c: {  	s13 =	rddreg [dreg:$0xc]  }
0x5d: {  	[tilespmem:s22], [sflag:$0x5] =	stream.linear.gather [hbm4b:s13+s3], $0x1400, $0x38;
	[tilespmem:$0x1E480] =	vst v63  }
0x5e: {  	_ =	swait.ge [sflag:s21], $0x1400  }
0x5f: {  	[sflag:s21] =	ssyncset.done $0x0  }
0x60: {  	s14 =	rddreg [dreg:$0xd];
	[sflag:s21] =	ssyncadd.s32 $0xFFFFEC00  }
0x61: {  	[tilespmem:s23], [sflag:$0x5] =	stream.linear.gather [hbm4b:s14+s3], $0x1400, $0x38;
	[tilespmem:$0x1E480] =	vst v63  }
0x62: {  	_ =	swait.ge [sflag:s21], $0x1400  }
0x63: {  	[sflag:s21] =	ssyncset.done $0x0  }
0x64: {  	[sflag:s21] =	ssyncadd.s32 $0xFFFFEC00  }
0x65: {  	[tilespmem:s25], [sflag:$0x1] =	stream.indirect.gather [hbm4b:s1+s24], $0x80, s22, s24, $0xb8;
	[tilespmem:$0x1E480] =	vst v63  }
0x66: {  	_ = 	snop  }
0x67: {  	[tilespmem:s28], [sflag:$0x2] =	stream.indirect.gather [hbm4b:s1+s24], $0x80, s26, s24, $0xb8;
	[tilespmem:$0x1E480] =	vst v63  }
0x68: {  	_ =	swait.ge [sflag:s29], $0x4000  }
0x69: {  	[sflag:s29] =	ssyncset.done $0x0  }
0x6a: {  	[sflag:s29] =	ssyncadd.s32 $0xFFFFC000  }
0x6b: {  	[spmem:s2] =	stream.indirect.scatter.add.f32 [tilespmem:s25], [sflag:$0x3], $0x80, s23, s24, $0xb8;
	[tilespmem:$0x1E480] =	vst v63  }
0x6c: {  	_ =	swait.ge [sflag:s30], $0x4000  }
0x6d: {  	[sflag:s30] =	ssyncset.done $0x0  }
0x6e: {  	[sflag:s30] =	ssyncadd.s32 $0xFFFFC000  }
0x6f: {  	[tilespmem:s25], [sflag:$0x1] =	stream.indirect.gather [hbm4b:s1+s24], $0x80, s31, s24, $0xb8;
	[tilespmem:$0x1E480] =	vst v63  }
0x70: {  	_ =	swait.ge [sflag:s0], $0x4000  }
0x71: {  	[sflag:s0] =	ssyncset.done $0x0  }
0x72: {  	[sflag:s0] =	ssyncadd.s32 $0xFFFFC000  }
0x73: {  	[spmem:s2] =	stream.indirect.scatter.add.f32 [tilespmem:s28], [sflag:$0x4], $0x80, s5, s24, $0xb8;
	[tilespmem:$0x1E480] =	vst v63  }
0x74: {  	_ =	swait.ge [sflag:s6], $0x4000  }
0x75: {  	[sflag:s6] =	ssyncset.done $0x0  }
0x76: {  	s15 =	simm.s32 $0x13E00;
	[sflag:s6] =	ssyncadd.s32 $0xFFFFC000  }
0x77: {  	[tilespmem:s28], [sflag:$0x2] =	stream.indirect.gather [hbm4b:s1+s24], $0x80, s15, s24, $0xb8;
	[tilespmem:$0x1E480] =	vst v63  }
0x78: {  	_ =	swait.ge [sflag:s29], $0x4000  }
0x79: {  	[sflag:s29] =	ssyncset.done $0x0  }
0x7a: {  	s14 =	simm.s32 $0x15180;
	[sflag:s29] =	ssyncadd.s32 $0xFFFFC000  }
0x7b: {  	[spmem:s2] =	stream.indirect.scatter.add.f32 [tilespmem:s25], [sflag:$0x3], $0x80, s14, s24, $0xb8;
	[tilespmem:$0x1E480] =	vst v63  }
0x7c: {  	_ =	swait.ge [sflag:s30], $0x4000  }
0x7d: {  	[sflag:s30] =	ssyncset.done $0x0  }
0x7e: {  	s15 =	simm.s32 $0x13E80;
	[sflag:s30] =	ssyncadd.s32 $0xFFFFC000  }
0x7f: {  	[tilespmem:s25], [sflag:$0x1] =	stream.indirect.gather [hbm4b:s1+s24], $0x80, s15, s24, $0xb8;
	[tilespmem:$0x1E480] =	vst v63  }
0x80: {  	_ =	swait.ge [sflag:s0], $0x4000  }
0x81: {  	[sflag:s0] =	ssyncset.done $0x0  }
0x82: {  	s13 =	simm.s32 $0xFFFFBC00;
	s14 =	simm.s32 $0x15200;
	[sflag:s0] =	ssyncadd.s32 $0xFFFFC000  }
.LBB2_10:
0x83: {  	[spmem:s2] =	stream.indirect.scatter.add.f32 [tilespmem:s28], [sflag:$0x4], $0x80, s14, s24, $0xb8;
	[tilespmem:$0x1E480] =	vst v63  }
0x84: {  	s14 =	smov.u32 s13  }
0x85: {  	p5 =	sne.s32 s13, $0xFFFFFC00;
	s13 =	sadd.s32 $0x400, s13;
	_ =	swait.ge [sflag:s6], $0x4000  }
0x86: {  	s14 =	sshra.s32 s14, $0x2;
	[sflag:s6] =	ssyncset.done $0x0  }
0x87: {  	s15 =	sadd.s32 $0x15000, s14;
	[sflag:s6] =	ssyncadd.s32 $0xFFFFC000  }
0x88: {  	[tilespmem:s28], [sflag:$0x2] =	stream.indirect.gather [hbm4b:s1+s24], $0x80, s15, s24, $0xb8;
	[tilespmem:$0x1E480] =	vst v63  }
0x89: {  	_ =	swait.ge [sflag:s29], $0x4000  }
0x8a: {  	[sflag:s29] =	ssyncset.done $0x0  }
0x8b: {  	s15 =	sadd.s32 $0x16380, s14;
	[sflag:s29] =	ssyncadd.s32 $0xFFFFC000  }
0x8c: {  	[spmem:s2] =	stream.indirect.scatter.add.f32 [tilespmem:s25], [sflag:$0x3], $0x80, s15, s24, $0xb8;
	[tilespmem:$0x1E480] =	vst v63  }
0x8d: {  	_ =	swait.ge [sflag:s30], $0x4000  }
0x8e: {  	[sflag:s30] =	ssyncset.done $0x0  }
.Ltmp6:
0x8f: {  	s15 =	sadd.s32 $0x15080, s14;
	[sflag:s30] =	ssyncadd.s32 $0xFFFFC000;
	(pc) =	sbr.rel @p5 .LBB2_10-.Ltmp6, $4  }
0x90: {  	[tilespmem:s25], [sflag:$0x1] =	stream.indirect.gather [hbm4b:s1+s24], $0x80, s15, s24, $0xb8;
	[tilespmem:$0x1E480] =	vst v63  }
0x91: {  	_ =	swait.ge [sflag:s0], $0x4000  }
0x92: {  	[sflag:s0] =	ssyncset.done $0x0  }
0x93: {  	s14 =	sadd.s32 $0x16400, s14;
	[sflag:s0] =	ssyncadd.s32 $0xFFFFC000  }
0x94: {  	[spmem:s2] =	stream.indirect.scatter.add.f32 [tilespmem:s28], [sflag:$0x4], $0x80, s14, s24, $0xb8;
	[tilespmem:$0x1E480] =	vst v63  }
0x95: {  	_ =	swait.ge [sflag:s6], $0x4000  }
0x96: {  	[sflag:s6] =	ssyncset.done $0x0  }
0x97: {  	[sflag:s6] =	ssyncadd.s32 $0xFFFFC000  }
0x98: {  	[tilespmem:s28], [sflag:$0x2] =	stream.indirect.gather [hbm4b:s1+s24], $0x80, s7, s24, $0xb8;
	[tilespmem:$0x1E480] =	vst v63  }
0x99: {  	_ =	swait.ge [sflag:s29], $0x4000  }
0x9a: {  	[sflag:s29] =	ssyncset.done $0x0  }
0x9b: {  	[sflag:s29] =	ssyncadd.s32 $0xFFFFC000  }
0x9c: {  	[spmem:s2] =	stream.indirect.scatter.add.f32 [tilespmem:s25], [sflag:$0x3], $0x80, s8, s24, $0xb8;
	[tilespmem:$0x1E480] =	vst v63  }
0x9d: {  	_ =	swait.ge [sflag:s30], $0x4000  }
0x9e: {  	[sflag:s30] =	ssyncset.done $0x0  }
0x9f: {  	[sflag:s30] =	ssyncadd.s32 $0xFFFFC000  }
0xa0: {  	_ =	swait.ge [sflag:s0], $0x4000  }
0xa1: {  	[sflag:s0] =	ssyncset.done $0x0  }
0xa2: {  	[sflag:s0] =	ssyncadd.s32 $0xFFFFC000  }
0xa3: {  	[spmem:s2] =	stream.indirect.scatter.add.f32 [tilespmem:s28], [sflag:$0x4], $0x80, s9, s24, $0xb8;
	[tilespmem:$0x1E480] =	vst v63  }
0xa4: {  	_ =	swait.ge [sflag:s6], $0x4000  }
0xa5: {  	[sflag:s6] =	ssyncset.done $0x0  }
0xa6: {  	[sflag:s6] =	ssyncadd.s32 $0xFFFFC000  }
0xa7: {  	[tilespmem:s22], [sflag:$0x5] =	stream.linear.gather [hbm4b:s16+s3], $0x1400, $0x38;
	[tilespmem:$0x1E480] =	vst v63  }
0xa8: {  	_ =	swait.ge [sflag:s21], $0x1400  }
0xa9: {  	[sflag:s21] =	ssyncset.done $0x0  }
0xaa: {  	[sflag:s21] =	ssyncadd.s32 $0xFFFFEC00  }
0xab: {  	[tilespmem:s23], [sflag:$0x5] =	stream.linear.gather [hbm4b:s17+s3], $0x1400, $0x38;
	[tilespmem:$0x1E480] =	vst v63  }
0xac: {  	_ =	swait.ge [sflag:s21], $0x1400  }
0xad: {  	[sflag:s21] =	ssyncset.done $0x0  }
0xae: {  	[sflag:s21] =	ssyncadd.s32 $0xFFFFEC00  }
0xaf: {  	[tilespmem:s25], [sflag:$0x1] =	stream.indirect.gather [hbm4b:s1+s24], $0x80, s22, s24, $0xb8;
	[tilespmem:$0x1E480] =	vst v63  }
0xb0: {  	_ = 	snop  }
0xb1: {  	[tilespmem:s28], [sflag:$0x2] =	stream.indirect.gather [hbm4b:s1+s24], $0x80, s26, s24, $0xb8;
	[tilespmem:$0x1E480] =	vst v63  }
0xb2: {  	_ =	swait.ge [sflag:s29], $0x4000  }
0xb3: {  	[sflag:s29] =	ssyncset.done $0x0  }
0xb4: {  	[sflag:s29] =	ssyncadd.s32 $0xFFFFC000  }
0xb5: {  	[spmem:s2] =	stream.indirect.scatter.add.f32 [tilespmem:s25], [sflag:$0x3], $0x80, s23, s24, $0xb8;
	[tilespmem:$0x1E480] =	vst v63  }
0xb6: {  	_ =	swait.ge [sflag:s30], $0x4000  }
0xb7: {  	[sflag:s30] =	ssyncset.done $0x0  }
0xb8: {  	[sflag:s30] =	ssyncadd.s32 $0xFFFFC000  }
0xb9: {  	[tilespmem:s25], [sflag:$0x1] =	stream.indirect.gather [hbm4b:s1+s24], $0x80, s31, s24, $0xb8;
	[tilespmem:$0x1E480] =	vst v63  }
0xba: {  	_ =	swait.ge [sflag:s0], $0x4000  }
0xbb: {  	[sflag:s0] =	ssyncset.done $0x0  }
0xbc: {  	[sflag:s0] =	ssyncadd.s32 $0xFFFFC000  }
0xbd: {  	[spmem:s2] =	stream.indirect.scatter.add.f32 [tilespmem:s28], [sflag:$0x4], $0x80, s5, s24, $0xb8;
	[tilespmem:$0x1E480] =	vst v63  }
0xbe: {  	_ =	swait.ge [sflag:s6], $0x4000  }
0xbf: {  	[sflag:s6] =	ssyncset.done $0x0  }
0xc0: {  	s13 =	simm.s32 $0x13E00;
	[sflag:s6] =	ssyncadd.s32 $0xFFFFC000  }
0xc1: {  	[tilespmem:s28], [sflag:$0x2] =	stream.indirect.gather [hbm4b:s1+s24], $0x80, s13, s24, $0xb8;
	[tilespmem:$0x1E480] =	vst v63  }
0xc2: {  	_ =	swait.ge [sflag:s29], $0x4000  }
0xc3: {  	[sflag:s29] =	ssyncset.done $0x0  }
0xc4: {  	s14 =	simm.s32 $0x15180;
	[sflag:s29] =	ssyncadd.s32 $0xFFFFC000  }
0xc5: {  	[spmem:s2] =	stream.indirect.scatter.add.f32 [tilespmem:s25], [sflag:$0x3], $0x80, s14, s24, $0xb8;
	[tilespmem:$0x1E480] =	vst v63  }
0xc6: {  	_ =	swait.ge [sflag:s30], $0x4000  }
0xc7: {  	[sflag:s30] =	ssyncset.done $0x0  }
0xc8: {  	s15 =	simm.s32 $0x13E80;
	[sflag:s30] =	ssyncadd.s32 $0xFFFFC000  }
0xc9: {  	[tilespmem:s25], [sflag:$0x1] =	stream.indirect.gather [hbm4b:s1+s24], $0x80, s15, s24, $0xb8;
	[tilespmem:$0x1E480] =	vst v63  }
0xca: {  	_ =	swait.ge [sflag:s0], $0x4000  }
0xcb: {  	[sflag:s0] =	ssyncset.done $0x0  }
0xcc: {  	s13 =	simm.s32 $0xFFFFBC00;
	s14 =	simm.s32 $0x15200;
	[sflag:s0] =	ssyncadd.s32 $0xFFFFC000  }
.LBB2_12:
0xcd: {  	[spmem:s2] =	stream.indirect.scatter.add.f32 [tilespmem:s28], [sflag:$0x4], $0x80, s14, s24, $0xb8;
	[tilespmem:$0x1E480] =	vst v63  }
0xce: {  	s14 =	smov.u32 s13  }
0xcf: {  	p5 =	sne.s32 s13, $0xFFFFFC00;
	s13 =	sadd.s32 $0x400, s13;
	_ =	swait.ge [sflag:s6], $0x4000  }
0xd0: {  	s14 =	sshra.s32 s14, $0x2;
	[sflag:s6] =	ssyncset.done $0x0  }
0xd1: {  	s15 =	sadd.s32 $0x15000, s14;
	[sflag:s6] =	ssyncadd.s32 $0xFFFFC000  }
0xd2: {  	[tilespmem:s28], [sflag:$0x2] =	stream.indirect.gather [hbm4b:s1+s24], $0x80, s15, s24, $0xb8;
	[tilespmem:$0x1E480] =	vst v63  }
0xd3: {  	_ =	swait.ge [sflag:s29], $0x4000  }
0xd4: {  	[sflag:s29] =	ssyncset.done $0x0  }
0xd5: {  	s15 =	sadd.s32 $0x16380, s14;
	[sflag:s29] =	ssyncadd.s32 $0xFFFFC000  }
0xd6: {  	[spmem:s2] =	stream.indirect.scatter.add.f32 [tilespmem:s25], [sflag:$0x3], $0x80, s15, s24, $0xb8;
	[tilespmem:$0x1E480] =	vst v63  }
0xd7: {  	_ =	swait.ge [sflag:s30], $0x4000  }
0xd8: {  	[sflag:s30] =	ssyncset.done $0x0  }
.Ltmp7:
0xd9: {  	s15 =	sadd.s32 $0x15080, s14;
	[sflag:s30] =	ssyncadd.s32 $0xFFFFC000;
	(pc) =	sbr.rel @p5 .LBB2_12-.Ltmp7, $4  }
0xda: {  	[tilespmem:s25], [sflag:$0x1] =	stream.indirect.gather [hbm4b:s1+s24], $0x80, s15, s24, $0xb8;
	[tilespmem:$0x1E480] =	vst v63  }
0xdb: {  	_ =	swait.ge [sflag:s0], $0x4000  }
0xdc: {  	[sflag:s0] =	ssyncset.done $0x0  }
0xdd: {  	s14 =	sadd.s32 $0x16400, s14;
	[sflag:s0] =	ssyncadd.s32 $0xFFFFC000  }
0xde: {  	[spmem:s2] =	stream.indirect.scatter.add.f32 [tilespmem:s28], [sflag:$0x4], $0x80, s14, s24, $0xb8;
	[tilespmem:$0x1E480] =	vst v63  }
0xdf: {  	_ =	swait.ge [sflag:s6], $0x4000  }
0xe0: {  	[sflag:s6] =	ssyncset.done $0x0  }
0xe1: {  	[sflag:s6] =	ssyncadd.s32 $0xFFFFC000  }
0xe2: {  	[tilespmem:s28], [sflag:$0x2] =	stream.indirect.gather [hbm4b:s1+s24], $0x80, s7, s24, $0xb8;
	[tilespmem:$0x1E480] =	vst v63  }
0xe3: {  	_ =	swait.ge [sflag:s29], $0x4000  }
0xe4: {  	[sflag:s29] =	ssyncset.done $0x0  }
0xe5: {  	[sflag:s29] =	ssyncadd.s32 $0xFFFFC000  }
0xe6: {  	[spmem:s2] =	stream.indirect.scatter.add.f32 [tilespmem:s25], [sflag:$0x3], $0x80, s8, s24, $0xb8;
	[tilespmem:$0x1E480] =	vst v63  }
0xe7: {  	_ =	swait.ge [sflag:s30], $0x4000  }
0xe8: {  	[sflag:s30] =	ssyncset.done $0x0  }
0xe9: {  	[sflag:s30] =	ssyncadd.s32 $0xFFFFC000  }
0xea: {  	_ =	swait.ge [sflag:s0], $0x4000  }
0xeb: {  	[sflag:s0] =	ssyncset.done $0x0  }
0xec: {  	[sflag:s0] =	ssyncadd.s32 $0xFFFFC000  }
0xed: {  	[spmem:s2] =	stream.indirect.scatter.add.f32 [tilespmem:s28], [sflag:$0x4], $0x80, s9, s24, $0xb8;
	[tilespmem:$0x1E480] =	vst v63  }
0xee: {  	_ =	swait.ge [sflag:s6], $0x4000  }
0xef: {  	[sflag:s6] =	ssyncset.done $0x0  }
0xf0: {  	s13 =	sshll.u32 @!p1 s4, $0x6;
	[sflag:s6] =	ssyncadd.s32 $0xFFFFC000  }
0xf1: {  	s14 =	sshrl.u32 @!p1 s12, $0x3;
	s13 =	sor.u32 @!p1 $0x1C05, s13;
	[bflag:$0x0] =	sbarrier.arrive $0xFFFF  }
0xf2: {  	[hbm:s18], [sflag:s13] =	dma.local @!p1 [spmem:s14], $0x2780  }
0xf3: {  	s13 =	simm.s32 @!p1 $0x5  }
0xf4: {  	s11 =	sadd.s32 $0x1, s11;
	_ =	swait.ge @!p1 [sflag:s13], $0x2780  }
0xf5: {  	p5 =	sne.s32 s11, s20;
	s14 =	sshll.u32 @p4 s4, $0x6;
	[sflag:s13] =	ssyncset.done @!p1 $0x0  }
0xf6: {  	[sflag:s13] =	ssyncadd.s32 @!p1 $0xFFFFD880;
	s13 =	sor.u32 @p4 $0x1C05, s14;
	s14 =	sshrl.u32 @p4 s10, $0x3  }
0xf7: {  	[hbm:s19], [sflag:s13] =	dma.local @p4 [spmem:s14], $0x2080  }
.Ltmp8:
0xf8: {  	_ = 	snop;
	(pc) =	sbr.rel @p5 .LBB2_1-.Ltmp8, $4  }
0xf9: {  	s13 =	simm.s32 @p4 $0x5  }
0xfa: {  	_ =	swait.ge @p4 [sflag:s13], $0x2080  }
0xfb: {  	[sflag:s13] =	ssyncset.done @p4 $0x0  }
0xfc: {  	[sflag:s13] =	ssyncadd.s32 @p4 $0xFFFFDF80  }
0xfd: {  	_ =	sfence.sel $0x180000  }
0xfe: {  	[bflag:$0x0] =	sbarrier.arrive $0xFFFF  }
0xff: {  	_ =	strace $0x9000004A  }
0x100: {  	[bflag:$0x2] =	sbarrier.arrive $0xFFFF  }
0x101: {  	p0 =	sne.s32 s4, $0x0;
	s0 =	rddreg [dreg:$0x4]  }
0x102: {  	s0 =	sadd.s32 @!p0 $0x100000, s0  }
0x103: {  	[sflag:s0] =	ssyncadd.tile.s32 @!p0 $0x1;
	_ =	shalt  }
.Lfunc_end2:
_tile_overlayer_lowered:
.L_overlay_start_2:
0x104: {  	(tag) =	ssettag $0x2  }
0x105: {  	s0 =	rddreg [dreg:$0x0];
	s2 =	stileid.u32  }
0x106: {  	s1 =	rddreg [dreg:$0x1];
	p0 =	sne.s32 s2, $0x0  }
0x107: {  	s3 =	rddreg [dreg:$0x2];
	[bflag:$0x3] =	sbarrier.arrive $0xFFFF;
	s2 =	simm.s32 @!p0 $0x1C05  }
0x108: {  	[timem:s3], [sflag:s2] =	dma.local @!p0 [hbm:s0], s1  }
0x109: {  	s0 =	simm.s32 @!p0 $0x5  }
0x10a: {  	_ =	swait.ge @!p0 [sflag:s0], s1  }
0x10b: {  	s1 =	ssub.s32 @!p0 $0x0, s1;
	[sflag:s0] =	ssyncset.done @!p0 $0x0  }
0x10c: {  	[sflag:s0] =	ssyncadd.s32 @!p0 s1  }
0x10d: {  	[bflag:$0x3] =	sbarrier.arrive $0xFFFF  }
0x10e: {  	_ =	shalt  }

// kernel: kernel.15.cloned.1.call-start
scs
__scs_entry_jumppad:
0x0: {  	(pc) =	sbr.rel $0x88, $3  }
0x1: {  	(tag) =	ssettag $0x0;
	lr =	simm.s32 $0x1  }
0x2: {  	[smem:$0x3F9B] =	sst lr;
	_ =	strace $0xD0000000  }
0x3: {  	_ = 	snop  }
0x4: {  	_ = 	snop  }
0x5: {  	_ = 	snop  }
0x6: {  	_ = 	snop  }
0x7: {  	_ = 	snop  }
__scs_overlays_trampoline_lowered:
0x8: {  	[smem:$0x3FAA] =	sst s0  }
0x9: {  	[smem:$0x3FAB] =	sst s1  }
0xa: {  	[smem:$0x3FAC] =	sst s2  }
0xb: {  	[smem:$0x3FAD] =	sst s3  }
0xc: {  	[smem:$0x3FAE] =	sst s4  }
0xd: {  	[smem:$0x3FAF] =	sst s5  }
0xe: {  	[smem:$0x3FB0] =	sst s6  }
0xf: {  	[smem:$0x3FB1] =	sst s7  }
0x10: {  	[smem:$0x3FB2] =	sst s8  }
0x11: {  	[smem:$0x3FB3] =	sst s9;
	s0 =	simm.s32 @!p0 $0x0  }
0x12: {  	s1 =	sld [smem:$0x3F99];
	s0 =	simm.s32 @p0 $0x1  }
0x13: {  	[smem:$0x3FB4] =	sst s0;
	s0 =	simm.s32 @!p1 $0x0  }
0x14: {  	s2 =	sld [smem:$0x3F98];
	s0 =	simm.s32 @p1 $0x1  }
0x15: {  	[smem:$0x3FB5] =	sst s0;
	s0 =	simm.s32 @!p2 $0x0  }
0x16: {  	s3 =	sld [smem:$0x3FDB];
	s0 =	simm.s32 @p2 $0x1  }
0x17: {  	s4 =	simm.s32 $0x1BF5;
	[smem:$0x3FB7] =	sst s0  }
0x18: {  	s0 =	sld [smem:$0x3F9A];
	_ =	swait.ge [sflag:s4], $0x0  }
0x19: {  	s7 =	sld [smem:$0x3F9B]  }
0x1a: {  	s8 =	sadd.s32 $0xFFFFE003, lr  }
0x1b: {  	s9 =	sadd.s32 $0xFFFFFEF7, lr;
	s5 =	simm.s32 $0xFFFFFFFF;
	p2 =	slt.u32 s8, $0xFFFFF086  }
0x1c: {  	p1 =	slt.u32 s9, $0xF7A;
	s5 =	simm.s32 @!p2 $0x0  }
0x1d: {  	s5 =	simm.s32 @p1 $0x1;
	p0 =	seq.s32 s7, s2  }
0x1e: {  	s7 =	smul.u32 @!p0 $0xF7A, s2;
	p2 =	seq.s32 @!p0 s5, $0x0  }
0x1f: {  	s9 =	smul.u32 $0xF7A, s1;
	s8 =	simm.s32 @!p0 $0x1BF5;
	p2 =	por !p2, p0  }
0x20: {  	[sflag:s8] =	ssyncset.s32 @!p0 $0xFFFFF086;
	s6 =	sadd.s32 @!p0 s3, s7;
	s7 =	simm.s32 @!p0 $0x108  }
0x21: {  	s3 =	sadd.s32 s3, s9;
	s6 =	sadd.s32 @!p0 $0x88, s6;
	s7 =	simm.s32 @p2 $0x1082  }
0x22: {  	[simem:s7], [sflag:s8] =	dma.local @!p0 [hbm:s6], $0xF7A  }
0x23: {  	s9 =	sor.u32 $0xD0000000, s2;
	s6 =	simm.s32 $0x108;
	_ =	swait.ge @!p0 [sflag:s8], $0x0  }
0x24: {  	s3 =	sadd.s32 $0x88, s3;
	s6 =	simm.s32 @!p1 $0x1082;
	[sflag:s4] =	ssyncset.s32 $0xFFFFF086  }
0x25: {  	[simem:s6], [sflag:s4] =	dma.local [hbm:s3], $0xF7A  }
0x26: {  	[smem:$0x3F9B] =	sst s1;
	(tag) =	ssettag s2;
	_ =	strace s9  }
0x27: {  	s1 =	sld [smem:$0x3FAB]  }
0x28: {  	s2 =	sld [smem:$0x3FAC]  }
0x29: {  	s4 =	sld [smem:$0x3FAE]  }
0x2a: {  	p0 =	seq.s32 s5, $0x0;
	s5 =	sld [smem:$0x3FAF]  }
0x2b: {  	s6 =	sld [smem:$0x3FB0]  }
0x2c: {  	s7 =	sld [smem:$0x3FB1]  }
0x2d: {  	s3 =	simm.s32 $0x108;
	s8 =	sld [smem:$0x3FB2]  }
0x2e: {  	s3 =	simm.s32 @!p0 $0x1082;
	s9 =	sld [smem:$0x3FB3]  }
0x2f: {  	lr =	sadd.s32 s0, s3;
	s0 =	sld [smem:$0x3FAA]  }
0x30: {  	s3 =	sld [smem:$0x3FAD]  }
0x31: {  	[smem:$0x3FB6] =	sst s10  }
0x32: {  	s10 =	sld [smem:$0x3FB4];
	_ =	sdelay $0x3  }
0x33: {  	p0 =	seq.s32 s10, $0x1;
	s10 =	sld [smem:$0x3FB6];
	_ =	sdelay $0x3  }
0x34: {  	[smem:$0x3FB6] =	sst s10  }
0x35: {  	s10 =	sld [smem:$0x3FB5];
	_ =	sdelay $0x3  }
0x36: {  	p1 =	seq.s32 s10, $0x1;
	s10 =	sld [smem:$0x3FB6];
	_ =	sdelay $0x3  }
0x37: {  	[smem:$0x3FB6] =	sst s10  }
0x38: {  	s10 =	sld [smem:$0x3FB7]  }
0x39: {  	_ = 	snop;
	(pc) =	sbr.ind lr, $3  }
0x3a: {  	_ = 	snop  }
0x3b: {  	_ = 	snop  }
0x3c: {  	p2 =	seq.s32 s10, $0x1;
	s10 =	sld [smem:$0x3FB6]  }
0x3d: {  	_ =	shalt  }
0x3e: {  	_ =	shalt  }
0x3f: {  	_ =	shalt  }
0x40: {  	_ =	shalt  }
0x41: {  	_ =	shalt  }
0x42: {  	_ =	shalt  }
0x43: {  	_ =	shalt  }
0x44: {  	_ =	shalt  }
0x45: {  	_ =	shalt  }
0x46: {  	_ =	shalt  }
0x47: {  	_ =	shalt  }
0x48: {  	_ =	shalt  }
0x49: {  	_ =	shalt  }
0x4a: {  	_ =	shalt  }
0x4b: {  	_ =	shalt  }
0x4c: {  	_ =	shalt  }
0x4d: {  	_ =	shalt  }
0x4e: {  	_ =	shalt  }
0x4f: {  	_ =	shalt  }
0x50: {  	_ =	shalt  }
0x51: {  	_ =	shalt  }
0x52: {  	_ =	shalt  }
0x53: {  	_ =	shalt  }
0x54: {  	_ =	shalt  }
0x55: {  	_ =	shalt  }
0x56: {  	_ =	shalt  }
0x57: {  	_ =	shalt  }
0x58: {  	_ =	shalt  }
0x59: {  	_ =	shalt  }
0x5a: {  	_ =	shalt  }
0x5b: {  	_ =	shalt  }
0x5c: {  	_ =	shalt  }
0x5d: {  	_ =	shalt  }
0x5e: {  	_ =	shalt  }
0x5f: {  	_ =	shalt  }
0x60: {  	_ =	shalt  }
0x61: {  	_ =	shalt  }
0x62: {  	_ =	shalt  }
0x63: {  	_ =	shalt  }
0x64: {  	_ =	shalt  }
0x65: {  	_ =	shalt  }
0x66: {  	_ =	shalt  }
0x67: {  	_ =	shalt  }
0x68: {  	_ =	shalt  }
0x69: {  	_ =	shalt  }
0x6a: {  	_ =	shalt  }
0x6b: {  	_ =	shalt  }
0x6c: {  	_ =	shalt  }
0x6d: {  	_ =	shalt  }
0x6e: {  	_ =	shalt  }
0x6f: {  	_ =	shalt  }
0x70: {  	_ =	shalt  }
0x71: {  	_ =	shalt  }
0x72: {  	_ =	shalt  }
0x73: {  	_ =	shalt  }
0x74: {  	_ =	shalt  }
0x75: {  	_ =	shalt  }
0x76: {  	_ =	shalt  }
0x77: {  	_ =	shalt  }
0x78: {  	_ =	shalt  }
0x79: {  	_ =	shalt  }
0x7a: {  	_ =	shalt  }
0x7b: {  	_ =	shalt  }
0x7c: {  	_ =	shalt  }
0x7d: {  	_ =	shalt  }
0x7e: {  	_ =	shalt  }
0x7f: {  	_ =	shalt  }
0x80: {  	_ =	shalt  }
0x81: {  	_ =	shalt  }
0x82: {  	_ =	shalt  }
0x83: {  	_ =	shalt  }
0x84: {  	_ =	shalt  }
0x85: {  	_ =	shalt  }
0x86: {  	_ =	shalt  }
0x87: {  	_ =	shalt  }
.Lfunc_end0:
.L_simem_size_0:
called_computation.2_lowered:
.L_overlay_start_0:
0x88: {  	s2 =	sld [smem:$0x3FD9]  }
0x89: {  	s3 =	sld [smem:$0x3FFE];
	_ =	sdelay $0x1  }
0x8a: {  	s1 =	srdreg.scid  }
0x8b: {  	s0 =	sand.u32 $0x1, s1  }
0x8c: {  	s14 =	sshll.u32 s0, $0xA;
	s2 =	sadd.s32 s3, s2  }
0x8d: {  	s2 =	sadd.s32 s2, s14  }
0x8e: {  	[smem:$0x3FC2] =	sst s2  }
0x8f: {  	_ = 	snop  }
0x90: {  	s2 =	sld [smem:$0x3FD0];
	_ =	sdelay $0x2  }
0x91: {  	s15 =	simm.s32 $0xA;
	s4 =	simm.s32 $0x10  }
0x92: {  	[smem:s4], [sflag:s15] =	dma.local [hbm:s2], $0x1  }
0x93: {  	_ =	swait.eq [sflag:s15], $0x1  }
0x94: {  	[sflag:s15] =	ssyncset.done $0x0  }
0x95: {  	[sflag:s15] =	ssyncadd.s32 $0xFFFFFFFF  }
0x96: {  	s16 =	sld [smem:$0x11];
	(tm) =	ssettm $0x1  }
0x97: {  	s17 =	sld [smem:$0x3FFB];
	_ =	sdelay $0x3  }
0x98: {  	_ =	strace s17  }
0x99: {  	s3 =	sld [smem:$0x3FFC];
	_ =	sdelay $0x3  }
0x9a: {  	_ =	strace s3  }
0x9b: {  	s3 =	sld [smem:$0x3FFD];
	_ =	sdelay $0x3  }
0x9c: {  	_ =	strace s3  }
0x9d: {  	_ =	strace $0x8FFFFFFF  }
0x9e: {  	s18 =	sld [smem:$0x3FDB];
	_ =	sdelay $0x1  }
0x9f: {  	s19 =	simm.s32 $_scs_section_size  }
0xa0: {  	s5 =	simm.s32 $_size__tile_overlayer_lowered;
	s6 =	simm.s32 $_tile_overlayer_lowered  }
0xa1: {  	s22 =	simm.s32 $0x1BFF;
	s21 =	sshll.u32 s6, $0x1;
	s3 =	sadd.s32 s19, s18  }
0xa2: {  	s7 =	simm.s32 $0x0;
	s20 =	sshll.u32 s5, $0x1;
	s5 =	sadd.s32 s21, s3  }
0xa3: {  	[timem:s7], [sflag:s22] =	dma.local [hbm:s5], s20  }
0xa4: {  	_ =	swait.ge [sflag:s22], s20  }
0xa5: {  	s4 =	ssub.s32 $0x0, s20;
	[sflag:s22] =	ssyncset.done $0x0  }
0xa6: {  	[sflag:s22] =	ssyncadd.s32 s4;
	_ =	sdelay $0x1  }
0xa7: {  	s23 =	simm.s32 $0x1B8B  }
0xa8: {  	_ =	swait.ge [sflag:s23], $0x1  }
0xa9: {  	[sflag:s23] =	ssyncset.done $0x0  }
0xaa: {  	s25 =	simm.s32 $0x1B8E;
	s24 =	sld [smem:$0x3FFE];
	[sflag:s23] =	ssyncadd.s32 $0xFFFFFFFF  }
0xab: {  	s26 =	simm.s32 $execute0_lowered;
	[smem:$0x3FD2] =	sst s25  }
0xac: {  	s5 =	sshll.u32 s26, $0x1;
	_ =	strace $0x8000004C;
	[dreg:$0x1] =	wrdreg $0xFFFFFFFF  }
0xad: {  	s28 =	simm.s32 $_size_execute0_lowered;
	s3 =	sadd.s32 s3, s5;
	[dreg:$0x0] =	wrdreg $0x0  }
0xae: {  	s5 =	sshll.u32 s28, $0x1;
	[dreg:$0x2] =	wrdreg s3  }
0xaf: {  	[dreg:$0x3] =	wrdreg s5  }
0xb0: {  	[dreg:$0x4] =	wrdreg $0xC0  }
0xb1: {  	_ =	task [dreg:s7], $0x5FFFF  }
0xb2: {  	[dreg:$0x1] =	wrdreg $0xFFFFFFFF  }
0xb3: {  	[dreg:$0x0] =	wrdreg $0x60  }
0xb4: {  	[dreg:$0x2] =	wrdreg s24  }
0xb5: {  	[dreg:$0x3] =	wrdreg s16  }
0xb6: {  	[dreg:$0x4] =	wrdreg $0x0  }
0xb7: {  	[dreg:$0x5] =	wrdreg $0x9  }
0xb8: {  	_ =	task.clear_ibuf [dreg:s7], $0x6FFFF;
	_ =	strace $0x9000004C  }
0xb9: {  	s29 =	simm.s32 $0x9;
	_ =	strace $0x8000004E  }
0xba: {  	_ =	swait.ge [sflag:s29], $0x1  }
0xbb: {  	[sflag:s29] =	ssyncadd.s32 $0xFFFFFFFF  }
0xbc: {  	_ =	strace $0x9000004E  }
0xbd: {  	_ =	sfence  }
0xbe: {  	s30 =	sld [smem:$0x0];
	_ =	sdelay $0x2  }
0xbf: {  	s31 =	sshll.u32 s1, $0xD;
	s1 =	sshrl.u32 s1, $0x2  }
0xc0: {  	s3 =	sand.u32 $0x4000, s31;
	s1 =	sadd.s32 s1, s30  }
0xc1: {  	s0 =	sor.u32 s3, s0;
	s1 =	sshll.u32 s1, $0x11  }
0xc2: {  	s0 =	sor.u32 s1, s0  }
0xc3: {  	s0 =	sadd.s32 $0x8F2B, s0  }
0xc4: {  	[sflag:s0] =	ssyncadd.remote.s32 $0x1  }
0xc5: {  	_ =	sfence.sel $0xFFFF  }
0xc6: {  	[dreg:$0x0] =	wrdreg $0xFFFFFFFF;
	(pc) =	sbr.abs _section_cstart, $3  }
0xc7: {  	[dreg:$0x1] =	wrdreg $0xFFFFFFFF  }
0xc8: {  	_ =	task.clear_ibuf [dreg:s7], $0x2FFFF;
	_ =	strace $0x9FFFFFFF  }
0xc9: {  	(tm) =	ssettm $0x7FFFFFFF  }
tec
execute0_lowered:
.L_overlay_start_1:
0x0: {  	(tag) =	ssettag $0x1  }
0x1: {  	s5 =	rddreg [dreg:$0x0]  }
0x2: {  	s0 =	rddreg [dreg:$0x1]  }
0x3: {  	s1 =	rddreg [dreg:$0x2]  }
0x4: {  	s2 =	simm.s32 $0x0;
	s3 =	srdreg.scid;
	s28 =	simm.s32 $0x1A480  }
0x5: {  	s29 =	simm.s32 $0x1;
	s30 =	simm.s32 $0x3;
	s31 =	simm.s32 $0x13D80  }
0x6: {  	[smem:$0x7FF] =	sst s2;
	s6 =	sand.u32 $0x1, s3;
	s3 =	stileid.u32  }
0x7: {  	s4 =	sadd.s32 $0xC000, s5;
	s8 =	sadd.s32 $0x2000, s5;
	s10 =	smul.u32 $0x278, s3  }
0x8: {  	s11 =	sadd.s32 $0x33200, s5;
	s5 =	sadd.s32 $0x31080, s5;
	s17 =	smul.u32 $0x4F000, s3  }
0x9: {  	_ =	strace $0x8000004D;
	s7 =	ssub.s32 $0x2, s6;
	s18 =	smul.u32 $0x2780, s3  }
0xa: {  	s14 =	sshll.u32 s3, $0x1;
	p0 =	seq.s32 s6, $0x0;
	s20 =	smul.u32 $0x138800, s6  }
0xb: {  	p1 =	sne.s32 s3, $0xF;
	[dreg:$0x9] =	wrdreg s5;
	s23 =	smul.u32 $0x13C00, s3  }
0xc: {  	s9 =	sshrl.u32 s7, $0x1;
	p2 =	por !p0, !p1;
	p1 =	seq.s32 s3, $0xF  }
0xd: {  	s7 =	ssub.s32 s7, s9;
	s9 =	sor.u32 s6, s14;
	p2 =	por !p2, !p2  }
0xe: {  	p3 =	por !p0, !p1;
	s12 =	smin.u32 s10, $0x2498;
	s13 =	sadd.s32 $0x80, s10  }
0xf: {  	s15 =	sadd.s32 $0x100, s10;
	s16 =	sadd.s32 $0x180, s10;
	s21 =	sadd.s32 s4, s18  }
0x10: {  	s25 =	sadd.s32 s23, s20;
	s5 =	sshrl.u32 s20, $0x3;
	s23 =	simm.s32 $0x15080  }
0x11: {  	p3 =	por !p3, !p3;
	s12 =	sadd.s32 $0x1F8, s12;
	s19 =	smul.u32 $0x500, s9  }
0x12: {  	s9 =	smul.u32 $0x2800, s9;
	[dreg:$0xa] =	wrdreg s21;
	s26 =	sshrl.u32 s25, $0x3  }
0x13: {  	s5 =	sadd.s32 s11, s5;
	s20 =	smax.u32 s7, $0x1;
	s21 =	simm.s32 $0x5  }
0x14: {  	s25 =	simm.s32 $0x16480;
	s7 =	simm.s32 $0x15000;
	s14 =	smin.u32 s10, s12  }
0x15: {  	s13 =	smin.u32 s13, s12;
	s15 =	smin.u32 s15, s12;
	s10 =	sadd.s32 $0x200, s10  }
0x16: {  	s18 =	sadd.s32 s11, s26;
	s26 =	simm.s32 $0x13D00;
	s11 =	simm.s32 $0x0  }
0x17: {  	s14 =	sshll.u32 s14, $0x7;
	s13 =	sshll.u32 s13, $0x7;
	s15 =	sshll.u32 s15, $0x7  }
0x18: {  	s10 =	smin.u32 s10, s12;
	s22 =	sshrl.u32 s9, $0x3;
	s24 =	sadd.s32 s8, s19  }
0x19: {  	s9 =	simm.s32 $0x16400;
	s14 =	sadd.s32 s14, s1;
	[dreg:$0xb] =	wrdreg s24  }
0x1a: {  	s13 =	sadd.s32 s13, s1;
	s10 =	sshll.u32 s10, $0x7;
	[dreg:$0x4] =	wrdreg s14  }
0x1b: {  	s6 =	sadd.s32 $0x280, s22;
	[dreg:$0x5] =	wrdreg s13;
	s13 =	sadd.s32 s15, s1  }
0x1c: {  	s22 =	simm.s32 $0x13C80;
	s10 =	sadd.s32 s10, s1;
	[dreg:$0x6] =	wrdreg s13  }
0x1d: {  	s24 =	simm.s32 $0x80;
	s13 =	smin.u32 s16, s12;
	[dreg:$0x8] =	wrdreg s10  }
0x1e: {  	s10 =	sadd.s32 $0x128400, s1;
	s12 =	sshrl.u32 s17, $0x2;
	s16 =	sadd.s32 s8, s6  }
0x1f: {  	s17 =	sadd.s32 s0, s6;
	s6 =	simm.s32 $0x4;
	s13 =	sshll.u32 s13, $0x7  }
0x20: {  	s8 =	simm.s32 $0x16380;
	s12 =	sadd.s32 s12, s1;
	s13 =	sadd.s32 s13, s1  }
0x21: {  	[dreg:$0x7] =	wrdreg s13;
	s13 =	sadd.s32 s0, s19;
	s19 =	sadd.s32 $0x25080, s5  }
0x22: {  	v0 =	vimm.f32 $0.0e+00;
	s0 =	simm.s32 $0x2;
	s5 =	simm.s32 $0x15100;
	[dreg:$0xc] =	wrdreg s13  }
.LBB2_1:
.Ltmp0:
0x23: {  	(pc) =	sbr.rel @!p2 .LBB2_3-.Ltmp0, $1  }
0x24: {  	_ =	sdelay $0x3  }
0x25: {  	s13 =	sshll.u32 s3, $0x6;
	s14 =	sshrl.u32 s12, $0x3  }
.Ltmp1:
0x26: {  	s15 =	rddreg [dreg:$0xa];
	s13 =	sor.u32 $0x1C05, s13;
	(pc) =	sbr.rel .LBB2_9-.Ltmp1, $4  }
0x27: {  	[spmem:s14], [sflag:s13] =	dma.local [hbm:s15], $0x2780  }
0x28: {  	_ =	swait.ge [sflag:s21], $0x2780  }
0x29: {  	[sflag:s21] =	ssyncset.done $0x0  }
0x2a: {  	p4 =	por $0x0, $0x0;
	[sflag:s21] =	ssyncadd.s32 $0xFFFFD880  }
.LBB2_3:
.Ltmp2:
0x2b: {  	(pc) =	sbr.rel @!p3 .LBB2_5-.Ltmp2, $1  }
0x2c: {  	_ =	sdelay $0x3  }
0x2d: {  	s13 =	sshrl.u32 s10, $0x3  }
.Ltmp3:
0x2e: {  	s14 =	rddreg [dreg:$0x9];
	s15 =	simm.s32 $0x1FC5;
	(pc) =	sbr.rel .LBB2_9-.Ltmp3, $4  }
0x2f: {  	[spmem:s13], [sflag:s15] =	dma.local [hbm:s14], $0x2080  }
0x30: {  	_ =	swait.ge [sflag:s21], $0x2080  }
0x31: {  	[sflag:s21] =	ssyncset.done $0x0  }
0x32: {  	p4 =	por $0x1, $0x1;
	[sflag:s21] =	ssyncadd.s32 $0xFFFFDF80  }
.LBB2_5:
.Ltmp4:
0x33: {  	(pc) =	sbr.rel @p0 .LBB2_9-.Ltmp4, $2  }
0x34: {  	_ =	sdelay $0x2  }
0x35: {  	s14 =	simm.s32 $0x0;
	p4 =	por p1, p1  }
0x36: {  	s13 =	sshra.s32 s14, $0x2;
	s14 =	sadd.s32 $0x200, s14  }
.LBB2_7:
0x37: {  	p4 =	sne.s32 s14, $0xFE00;
	[tilespmem:s13+$0x164F0] =	vst v0  }
0x38: {  	[tilespmem:s13+$0x16480] =	vst v0  }
0x39: {  	[tilespmem:s13+$0x16490] =	vst v0  }
.Ltmp5:
0x3a: {  	[tilespmem:s13+$0x164A0] =	vst v0;
	(pc) =	sbr.rel @p4 .LBB2_7-.Ltmp5, $4  }
0x3b: {  	[tilespmem:s13+$0x164B0] =	vst v0  }
0x3c: {  	[tilespmem:s13+$0x164C0] =	vst v0  }
0x3d: {  	[tilespmem:s13+$0x164D0] =	vst v0  }
0x3e: {  	[tilespmem:s13+$0x164E0] =	vst v0;
	s13 =	sshra.s32 s14, $0x2;
	s14 =	sadd.s32 $0x200, s14  }
0x3f: {  	[tilespmem:s13+$0x164F0] =	vst v0  }
0x40: {  	[tilespmem:s13+$0x16480] =	vst v0  }
0x41: {  	[tilespmem:s13+$0x16490] =	vst v0  }
0x42: {  	[tilespmem:s13+$0x164A0] =	vst v0  }
0x43: {  	[tilespmem:s13+$0x164B0] =	vst v0  }
0x44: {  	[tilespmem:s13+$0x164C0] =	vst v0  }
0x45: {  	[tilespmem:s13+$0x164D0] =	vst v0  }
0x46: {  	[tilespmem:s13+$0x164E0] =	vst v0;
	s15 =	rddreg [dreg:$0x4]  }
0x47: {  	[spmem:s15] =	stream.linear.scatter [tilespmem:s25], [sflag:$0x5], $0x4000, $0x38;
	[tilespmem:$0x1E480] =	vst v63  }
0x48: {  	_ =	swait.ge [sflag:s21], $0x4000  }
0x49: {  	[sflag:s21] =	ssyncset.done $0x0  }
0x4a: {  	s14 =	rddreg [dreg:$0x5];
	[sflag:s21] =	ssyncadd.s32 $0xFFFFC000  }
0x4b: {  	[spmem:s14] =	stream.linear.scatter [tilespmem:s25], [sflag:$0x5], $0x4000, $0x38;
	[tilespmem:$0x1E480] =	vst v63  }
0x4c: {  	_ =	swait.ge [sflag:s21], $0x4000  }
0x4d: {  	[sflag:s21] =	ssyncset.done $0x0  }
0x4e: {  	s15 =	rddreg [dreg:$0x6];
	[sflag:s21] =	ssyncadd.s32 $0xFFFFC000  }
0x4f: {  	[spmem:s15] =	stream.linear.scatter [tilespmem:s25], [sflag:$0x5], $0x4000, $0x38;
	[tilespmem:$0x1E480] =	vst v63  }
0x50: {  	_ =	swait.ge [sflag:s21], $0x4000  }
0x51: {  	[sflag:s21] =	ssyncset.done $0x0  }
0x52: {  	s14 =	rddreg [dreg:$0x7];
	[sflag:s21] =	ssyncadd.s32 $0xFFFFC000  }
0x53: {  	[spmem:s14] =	stream.linear.scatter [tilespmem:s25], [sflag:$0x5], $0x4000, $0x38;
	[tilespmem:$0x1E480] =	vst v63  }
0x54: {  	_ =	swait.ge [sflag:s21], $0x4000  }
0x55: {  	[sflag:s21] =	ssyncset.done $0x0  }
0x56: {  	s15 =	rddreg [dreg:$0x8];
	[sflag:s21] =	ssyncadd.s32 $0xFFFFC000  }
0x57: {  	[spmem:s15] =	stream.linear.scatter [tilespmem:s25], [sflag:$0x5], $0x4000, $0x38;
	[tilespmem:$0x1E480] =	vst v63  }
0x58: {  	_ =	swait.ge [sflag:s21], $0x4000  }
0x59: {  	[sflag:s21] =	ssyncset.done $0x0  }
0x5a: {  	p4 =	por p1, p1;
	[sflag:s21] =	ssyncadd.s32 $0xFFFFC000  }
.LBB2_9:
0x5b: {  	[bflag:$0x0] =	sbarrier.arrive $0xFFFF  }
0x5c: {  	s13 =	rddreg [dreg:$0xb]  }
0x5d: {  	[tilespmem:s22], [sflag:$0x5] =	stream.linear.gather [hbm4b:s13+s2], $0x1400, $0x38;
	[tilespmem:$0x1E480] =	vst v63  }
0x5e: {  	_ =	swait.ge [sflag:s21], $0x1400  }
0x5f: {  	[sflag:s21] =	ssyncset.done $0x0  }
0x60: {  	s14 =	rddreg [dreg:$0xc];
	[sflag:s21] =	ssyncadd.s32 $0xFFFFEC00  }
0x61: {  	[tilespmem:s23], [sflag:$0x5] =	stream.linear.gather [hbm4b:s14+s2], $0x1400, $0x38;
	[tilespmem:$0x1E480] =	vst v63  }
0x62: {  	_ =	swait.ge [sflag:s21], $0x1400  }
0x63: {  	[sflag:s21] =	ssyncset.done $0x0  }
0x64: {  	[sflag:s21] =	ssyncadd.s32 $0xFFFFEC00  }
0x65: {  	[tilespmem:s25], [sflag:$0x1] =	stream.indirect.gather [hbm4b:s4+s24], $0x80, s22, s24, $0xb8;
	[tilespmem:$0x1E480] =	vst v63  }
0x66: {  	_ = 	snop  }
0x67: {  	[tilespmem:s28], [sflag:$0x2] =	stream.indirect.gather [hbm4b:s4+s24], $0x80, s26, s24, $0xb8;
	[tilespmem:$0x1E480] =	vst v63  }
0x68: {  	_ =	swait.ge [sflag:s29], $0x4000  }
0x69: {  	[sflag:s29] =	ssyncset.done $0x0  }
0x6a: {  	[sflag:s29] =	ssyncadd.s32 $0xFFFFC000  }
0x6b: {  	[spmem:s1] =	stream.indirect.scatter.add.f32 [tilespmem:s25], [sflag:$0x3], $0x80, s23, s24, $0xb8;
	[tilespmem:$0x1E480] =	vst v63  }
0x6c: {  	_ =	swait.ge [sflag:s30], $0x4000  }
0x6d: {  	[sflag:s30] =	ssyncset.done $0x0  }
0x6e: {  	[sflag:s30] =	ssyncadd.s32 $0xFFFFC000  }
0x6f: {  	[tilespmem:s25], [sflag:$0x1] =	stream.indirect.gather [hbm4b:s4+s24], $0x80, s31, s24, $0xb8;
	[tilespmem:$0x1E480] =	vst v63  }
0x70: {  	_ =	swait.ge [sflag:s0], $0x4000  }
0x71: {  	[sflag:s0] =	ssyncset.done $0x0  }
0x72: {  	[sflag:s0] =	ssyncadd.s32 $0xFFFFC000  }
0x73: {  	[spmem:s1] =	stream.indirect.scatter.add.f32 [tilespmem:s28], [sflag:$0x4], $0x80, s5, s24, $0xb8;
	[tilespmem:$0x1E480] =	vst v63  }
0x74: {  	_ =	swait.ge [sflag:s6], $0x4000  }
0x75: {  	[sflag:s6] =	ssyncset.done $0x0  }
0x76: {  	s15 =	simm.s32 $0x13E00;
	[sflag:s6] =	ssyncadd.s32 $0xFFFFC000  }
0x77: {  	[tilespmem:s28], [sflag:$0x2] =	stream.indirect.gather [hbm4b:s4+s24], $0x80, s15, s24, $0xb8;
	[tilespmem:$0x1E480] =	vst v63  }
0x78: {  	_ =	swait.ge [sflag:s29], $0x4000  }
0x79: {  	[sflag:s29] =	ssyncset.done $0x0  }
0x7a: {  	s14 =	simm.s32 $0x15180;
	[sflag:s29] =	ssyncadd.s32 $0xFFFFC000  }
0x7b: {  	[spmem:s1] =	stream.indirect.scatter.add.f32 [tilespmem:s25], [sflag:$0x3], $0x80, s14, s24, $0xb8;
	[tilespmem:$0x1E480] =	vst v63  }
0x7c: {  	_ =	swait.ge [sflag:s30], $0x4000  }
0x7d: {  	[sflag:s30] =	ssyncset.done $0x0  }
0x7e: {  	s15 =	simm.s32 $0x13E80;
	[sflag:s30] =	ssyncadd.s32 $0xFFFFC000  }
0x7f: {  	[tilespmem:s25], [sflag:$0x1] =	stream.indirect.gather [hbm4b:s4+s24], $0x80, s15, s24, $0xb8;
	[tilespmem:$0x1E480] =	vst v63  }
0x80: {  	_ =	swait.ge [sflag:s0], $0x4000  }
0x81: {  	[sflag:s0] =	ssyncset.done $0x0  }
0x82: {  	s13 =	simm.s32 $0xFFFFBC00;
	s14 =	simm.s32 $0x15200;
	[sflag:s0] =	ssyncadd.s32 $0xFFFFC000  }
.LBB2_10:
0x83: {  	[spmem:s1] =	stream.indirect.scatter.add.f32 [tilespmem:s28], [sflag:$0x4], $0x80, s14, s24, $0xb8;
	[tilespmem:$0x1E480] =	vst v63  }
0x84: {  	s14 =	smov.u32 s13  }
0x85: {  	p5 =	sne.s32 s13, $0xFFFFFC00;
	s13 =	sadd.s32 $0x400, s13;
	_ =	swait.ge [sflag:s6], $0x4000  }
0x86: {  	s14 =	sshra.s32 s14, $0x2;
	[sflag:s6] =	ssyncset.done $0x0  }
0x87: {  	s15 =	sadd.s32 $0x15000, s14;
	[sflag:s6] =	ssyncadd.s32 $0xFFFFC000  }
0x88: {  	[tilespmem:s28], [sflag:$0x2] =	stream.indirect.gather [hbm4b:s4+s24], $0x80, s15, s24, $0xb8;
	[tilespmem:$0x1E480] =	vst v63  }
0x89: {  	_ =	swait.ge [sflag:s29], $0x4000  }
0x8a: {  	[sflag:s29] =	ssyncset.done $0x0  }
0x8b: {  	s15 =	sadd.s32 $0x16380, s14;
	[sflag:s29] =	ssyncadd.s32 $0xFFFFC000  }
0x8c: {  	[spmem:s1] =	stream.indirect.scatter.add.f32 [tilespmem:s25], [sflag:$0x3], $0x80, s15, s24, $0xb8;
	[tilespmem:$0x1E480] =	vst v63  }
0x8d: {  	_ =	swait.ge [sflag:s30], $0x4000  }
0x8e: {  	[sflag:s30] =	ssyncset.done $0x0  }
.Ltmp6:
0x8f: {  	s15 =	sadd.s32 $0x15080, s14;
	[sflag:s30] =	ssyncadd.s32 $0xFFFFC000;
	(pc) =	sbr.rel @p5 .LBB2_10-.Ltmp6, $4  }
0x90: {  	[tilespmem:s25], [sflag:$0x1] =	stream.indirect.gather [hbm4b:s4+s24], $0x80, s15, s24, $0xb8;
	[tilespmem:$0x1E480] =	vst v63  }
0x91: {  	_ =	swait.ge [sflag:s0], $0x4000  }
0x92: {  	[sflag:s0] =	ssyncset.done $0x0  }
0x93: {  	s14 =	sadd.s32 $0x16400, s14;
	[sflag:s0] =	ssyncadd.s32 $0xFFFFC000  }
0x94: {  	[spmem:s1] =	stream.indirect.scatter.add.f32 [tilespmem:s28], [sflag:$0x4], $0x80, s14, s24, $0xb8;
	[tilespmem:$0x1E480] =	vst v63  }
0x95: {  	_ =	swait.ge [sflag:s6], $0x4000  }
0x96: {  	[sflag:s6] =	ssyncset.done $0x0  }
0x97: {  	[sflag:s6] =	ssyncadd.s32 $0xFFFFC000  }
0x98: {  	[tilespmem:s28], [sflag:$0x2] =	stream.indirect.gather [hbm4b:s4+s24], $0x80, s7, s24, $0xb8;
	[tilespmem:$0x1E480] =	vst v63  }
0x99: {  	_ =	swait.ge [sflag:s29], $0x4000  }
0x9a: {  	[sflag:s29] =	ssyncset.done $0x0  }
0x9b: {  	[sflag:s29] =	ssyncadd.s32 $0xFFFFC000  }
0x9c: {  	[spmem:s1] =	stream.indirect.scatter.add.f32 [tilespmem:s25], [sflag:$0x3], $0x80, s8, s24, $0xb8;
	[tilespmem:$0x1E480] =	vst v63  }
0x9d: {  	_ =	swait.ge [sflag:s30], $0x4000  }
0x9e: {  	[sflag:s30] =	ssyncset.done $0x0  }
0x9f: {  	[sflag:s30] =	ssyncadd.s32 $0xFFFFC000  }
0xa0: {  	_ =	swait.ge [sflag:s0], $0x4000  }
0xa1: {  	[sflag:s0] =	ssyncset.done $0x0  }
0xa2: {  	[sflag:s0] =	ssyncadd.s32 $0xFFFFC000  }
0xa3: {  	[spmem:s1] =	stream.indirect.scatter.add.f32 [tilespmem:s28], [sflag:$0x4], $0x80, s9, s24, $0xb8;
	[tilespmem:$0x1E480] =	vst v63  }
0xa4: {  	_ =	swait.ge [sflag:s6], $0x4000  }
0xa5: {  	[sflag:s6] =	ssyncset.done $0x0  }
0xa6: {  	[sflag:s6] =	ssyncadd.s32 $0xFFFFC000  }
0xa7: {  	[tilespmem:s22], [sflag:$0x5] =	stream.linear.gather [hbm4b:s16+s2], $0x1400, $0x38;
	[tilespmem:$0x1E480] =	vst v63  }
0xa8: {  	_ =	swait.ge [sflag:s21], $0x1400  }
0xa9: {  	[sflag:s21] =	ssyncset.done $0x0  }
0xaa: {  	[sflag:s21] =	ssyncadd.s32 $0xFFFFEC00  }
0xab: {  	[tilespmem:s23], [sflag:$0x5] =	stream.linear.gather [hbm4b:s17+s2], $0x1400, $0x38;
	[tilespmem:$0x1E480] =	vst v63  }
0xac: {  	_ =	swait.ge [sflag:s21], $0x1400  }
0xad: {  	[sflag:s21] =	ssyncset.done $0x0  }
0xae: {  	[sflag:s21] =	ssyncadd.s32 $0xFFFFEC00  }
0xaf: {  	[tilespmem:s25], [sflag:$0x1] =	stream.indirect.gather [hbm4b:s4+s24], $0x80, s22, s24, $0xb8;
	[tilespmem:$0x1E480] =	vst v63  }
0xb0: {  	_ = 	snop  }
0xb1: {  	[tilespmem:s28], [sflag:$0x2] =	stream.indirect.gather [hbm4b:s4+s24], $0x80, s26, s24, $0xb8;
	[tilespmem:$0x1E480] =	vst v63  }
0xb2: {  	_ =	swait.ge [sflag:s29], $0x4000  }
0xb3: {  	[sflag:s29] =	ssyncset.done $0x0  }
0xb4: {  	[sflag:s29] =	ssyncadd.s32 $0xFFFFC000  }
0xb5: {  	[spmem:s1] =	stream.indirect.scatter.add.f32 [tilespmem:s25], [sflag:$0x3], $0x80, s23, s24, $0xb8;
	[tilespmem:$0x1E480] =	vst v63  }
0xb6: {  	_ =	swait.ge [sflag:s30], $0x4000  }
0xb7: {  	[sflag:s30] =	ssyncset.done $0x0  }
0xb8: {  	[sflag:s30] =	ssyncadd.s32 $0xFFFFC000  }
0xb9: {  	[tilespmem:s25], [sflag:$0x1] =	stream.indirect.gather [hbm4b:s4+s24], $0x80, s31, s24, $0xb8;
	[tilespmem:$0x1E480] =	vst v63  }
0xba: {  	_ =	swait.ge [sflag:s0], $0x4000  }
0xbb: {  	[sflag:s0] =	ssyncset.done $0x0  }
0xbc: {  	[sflag:s0] =	ssyncadd.s32 $0xFFFFC000  }
0xbd: {  	[spmem:s1] =	stream.indirect.scatter.add.f32 [tilespmem:s28], [sflag:$0x4], $0x80, s5, s24, $0xb8;
	[tilespmem:$0x1E480] =	vst v63  }
0xbe: {  	_ =	swait.ge [sflag:s6], $0x4000  }
0xbf: {  	[sflag:s6] =	ssyncset.done $0x0  }
0xc0: {  	s13 =	simm.s32 $0x13E00;
	[sflag:s6] =	ssyncadd.s32 $0xFFFFC000  }
0xc1: {  	[tilespmem:s28], [sflag:$0x2] =	stream.indirect.gather [hbm4b:s4+s24], $0x80, s13, s24, $0xb8;
	[tilespmem:$0x1E480] =	vst v63  }
0xc2: {  	_ =	swait.ge [sflag:s29], $0x4000  }
0xc3: {  	[sflag:s29] =	ssyncset.done $0x0  }
0xc4: {  	s14 =	simm.s32 $0x15180;
	[sflag:s29] =	ssyncadd.s32 $0xFFFFC000  }
0xc5: {  	[spmem:s1] =	stream.indirect.scatter.add.f32 [tilespmem:s25], [sflag:$0x3], $0x80, s14, s24, $0xb8;
	[tilespmem:$0x1E480] =	vst v63  }
0xc6: {  	_ =	swait.ge [sflag:s30], $0x4000  }
0xc7: {  	[sflag:s30] =	ssyncset.done $0x0  }
0xc8: {  	s15 =	simm.s32 $0x13E80;
	[sflag:s30] =	ssyncadd.s32 $0xFFFFC000  }
0xc9: {  	[tilespmem:s25], [sflag:$0x1] =	stream.indirect.gather [hbm4b:s4+s24], $0x80, s15, s24, $0xb8;
	[tilespmem:$0x1E480] =	vst v63  }
0xca: {  	_ =	swait.ge [sflag:s0], $0x4000  }
0xcb: {  	[sflag:s0] =	ssyncset.done $0x0  }
0xcc: {  	s13 =	simm.s32 $0xFFFFBC00;
	s14 =	simm.s32 $0x15200;
	[sflag:s0] =	ssyncadd.s32 $0xFFFFC000  }
.LBB2_12:
0xcd: {  	[spmem:s1] =	stream.indirect.scatter.add.f32 [tilespmem:s28], [sflag:$0x4], $0x80, s14, s24, $0xb8;
	[tilespmem:$0x1E480] =	vst v63  }
0xce: {  	s14 =	smov.u32 s13  }
0xcf: {  	p5 =	sne.s32 s13, $0xFFFFFC00;
	s13 =	sadd.s32 $0x400, s13;
	_ =	swait.ge [sflag:s6], $0x4000  }
0xd0: {  	s14 =	sshra.s32 s14, $0x2;
	[sflag:s6] =	ssyncset.done $0x0  }
0xd1: {  	s15 =	sadd.s32 $0x15000, s14;
	[sflag:s6] =	ssyncadd.s32 $0xFFFFC000  }
0xd2: {  	[tilespmem:s28], [sflag:$0x2] =	stream.indirect.gather [hbm4b:s4+s24], $0x80, s15, s24, $0xb8;
	[tilespmem:$0x1E480] =	vst v63  }
0xd3: {  	_ =	swait.ge [sflag:s29], $0x4000  }
0xd4: {  	[sflag:s29] =	ssyncset.done $0x0  }
0xd5: {  	s15 =	sadd.s32 $0x16380, s14;
	[sflag:s29] =	ssyncadd.s32 $0xFFFFC000  }
0xd6: {  	[spmem:s1] =	stream.indirect.scatter.add.f32 [tilespmem:s25], [sflag:$0x3], $0x80, s15, s24, $0xb8;
	[tilespmem:$0x1E480] =	vst v63  }
0xd7: {  	_ =	swait.ge [sflag:s30], $0x4000  }
0xd8: {  	[sflag:s30] =	ssyncset.done $0x0  }
.Ltmp7:
0xd9: {  	s15 =	sadd.s32 $0x15080, s14;
	[sflag:s30] =	ssyncadd.s32 $0xFFFFC000;
	(pc) =	sbr.rel @p5 .LBB2_12-.Ltmp7, $4  }
0xda: {  	[tilespmem:s25], [sflag:$0x1] =	stream.indirect.gather [hbm4b:s4+s24], $0x80, s15, s24, $0xb8;
	[tilespmem:$0x1E480] =	vst v63  }
0xdb: {  	_ =	swait.ge [sflag:s0], $0x4000  }
0xdc: {  	[sflag:s0] =	ssyncset.done $0x0  }
0xdd: {  	s14 =	sadd.s32 $0x16400, s14;
	[sflag:s0] =	ssyncadd.s32 $0xFFFFC000  }
0xde: {  	[spmem:s1] =	stream.indirect.scatter.add.f32 [tilespmem:s28], [sflag:$0x4], $0x80, s14, s24, $0xb8;
	[tilespmem:$0x1E480] =	vst v63  }
0xdf: {  	_ =	swait.ge [sflag:s6], $0x4000  }
0xe0: {  	[sflag:s6] =	ssyncset.done $0x0  }
0xe1: {  	[sflag:s6] =	ssyncadd.s32 $0xFFFFC000  }
0xe2: {  	[tilespmem:s28], [sflag:$0x2] =	stream.indirect.gather [hbm4b:s4+s24], $0x80, s7, s24, $0xb8;
	[tilespmem:$0x1E480] =	vst v63  }
0xe3: {  	_ =	swait.ge [sflag:s29], $0x4000  }
0xe4: {  	[sflag:s29] =	ssyncset.done $0x0  }
0xe5: {  	[sflag:s29] =	ssyncadd.s32 $0xFFFFC000  }
0xe6: {  	[spmem:s1] =	stream.indirect.scatter.add.f32 [tilespmem:s25], [sflag:$0x3], $0x80, s8, s24, $0xb8;
	[tilespmem:$0x1E480] =	vst v63  }
0xe7: {  	_ =	swait.ge [sflag:s30], $0x4000  }
0xe8: {  	[sflag:s30] =	ssyncset.done $0x0  }
0xe9: {  	[sflag:s30] =	ssyncadd.s32 $0xFFFFC000  }
0xea: {  	_ =	swait.ge [sflag:s0], $0x4000  }
0xeb: {  	[sflag:s0] =	ssyncset.done $0x0  }
0xec: {  	[sflag:s0] =	ssyncadd.s32 $0xFFFFC000  }
0xed: {  	[spmem:s1] =	stream.indirect.scatter.add.f32 [tilespmem:s28], [sflag:$0x4], $0x80, s9, s24, $0xb8;
	[tilespmem:$0x1E480] =	vst v63  }
0xee: {  	_ =	swait.ge [sflag:s6], $0x4000  }
0xef: {  	[sflag:s6] =	ssyncset.done $0x0  }
0xf0: {  	s13 =	sshll.u32 @!p1 s3, $0x6;
	[sflag:s6] =	ssyncadd.s32 $0xFFFFC000  }
0xf1: {  	s14 =	sshrl.u32 @!p1 s12, $0x3;
	s13 =	sor.u32 @!p1 $0x1C05, s13;
	[bflag:$0x0] =	sbarrier.arrive $0xFFFF  }
0xf2: {  	[hbm:s18], [sflag:s13] =	dma.local @!p1 [spmem:s14], $0x2780  }
0xf3: {  	s13 =	simm.s32 @!p1 $0x5  }
0xf4: {  	s11 =	sadd.s32 $0x1, s11;
	_ =	swait.ge @!p1 [sflag:s13], $0x2780  }
0xf5: {  	p5 =	sne.s32 s11, s20;
	s14 =	sshll.u32 @p4 s3, $0x6;
	[sflag:s13] =	ssyncset.done @!p1 $0x0  }
0xf6: {  	[sflag:s13] =	ssyncadd.s32 @!p1 $0xFFFFD880;
	s13 =	sor.u32 @p4 $0x1C05, s14;
	s14 =	sshrl.u32 @p4 s10, $0x3  }
0xf7: {  	[hbm:s19], [sflag:s13] =	dma.local @p4 [spmem:s14], $0x2080  }
.Ltmp8:
0xf8: {  	_ = 	snop;
	(pc) =	sbr.rel @p5 .LBB2_1-.Ltmp8, $4  }
0xf9: {  	s13 =	simm.s32 @p4 $0x5  }
0xfa: {  	_ =	swait.ge @p4 [sflag:s13], $0x2080  }
0xfb: {  	[sflag:s13] =	ssyncset.done @p4 $0x0  }
0xfc: {  	[sflag:s13] =	ssyncadd.s32 @p4 $0xFFFFDF80  }
0xfd: {  	_ =	sfence.sel $0x180000  }
0xfe: {  	[bflag:$0x0] =	sbarrier.arrive $0xFFFF  }
0xff: {  	_ =	strace $0x9000004D  }
0x100: {  	[bflag:$0x2] =	sbarrier.arrive $0xFFFF  }
0x101: {  	p0 =	sne.s32 s3, $0x0;
	s0 =	rddreg [dreg:$0x3]  }
0x102: {  	s0 =	sadd.s32 @!p0 $0x100000, s0  }
0x103: {  	[sflag:s0] =	ssyncadd.tile.s32 @!p0 $0x1;
	_ =	shalt  }
.Lfunc_end2:
_tile_overlayer_lowered:
.L_overlay_start_2:
0x104: {  	(tag) =	ssettag $0x2  }
0x105: {  	s0 =	rddreg [dreg:$0x0];
	s2 =	stileid.u32  }
0x106: {  	s1 =	rddreg [dreg:$0x1];
	p0 =	sne.s32 s2, $0x0  }
0x107: {  	s3 =	rddreg [dreg:$0x2];
	[bflag:$0x3] =	sbarrier.arrive $0xFFFF;
	s2 =	simm.s32 @!p0 $0x1C05  }
0x108: {  	[timem:s3], [sflag:s2] =	dma.local @!p0 [hbm:s0], s1  }
0x109: {  	s0 =	simm.s32 @!p0 $0x5  }
0x10a: {  	_ =	swait.ge @!p0 [sflag:s0], s1  }
0x10b: {  	s1 =	ssub.s32 @!p0 $0x0, s1;
	[sflag:s0] =	ssyncset.done @!p0 $0x0  }
0x10c: {  	[sflag:s0] =	ssyncadd.s32 @!p0 s1  }
0x10d: {  	[bflag:$0x3] =	sbarrier.arrive $0xFFFF  }
0x10e: {  	_ =	shalt  }

// kernel: kernel.9.cloned.1.call-start
scs
__scs_entry_jumppad:
0x0: {  	(pc) =	sbr.rel $0x88, $3  }
0x1: {  	(tag) =	ssettag $0x0;
	lr =	simm.s32 $0x1  }
0x2: {  	[smem:$0x3F9B] =	sst lr;
	_ =	strace $0xD0000000  }
0x3: {  	_ = 	snop  }
0x4: {  	_ = 	snop  }
0x5: {  	_ = 	snop  }
0x6: {  	_ = 	snop  }
0x7: {  	_ = 	snop  }
__scs_overlays_trampoline_lowered:
0x8: {  	[smem:$0x3FAA] =	sst s0  }
0x9: {  	[smem:$0x3FAB] =	sst s1  }
0xa: {  	[smem:$0x3FAC] =	sst s2  }
0xb: {  	[smem:$0x3FAD] =	sst s3  }
0xc: {  	[smem:$0x3FAE] =	sst s4  }
0xd: {  	[smem:$0x3FAF] =	sst s5  }
0xe: {  	[smem:$0x3FB0] =	sst s6  }
0xf: {  	[smem:$0x3FB1] =	sst s7  }
0x10: {  	[smem:$0x3FB2] =	sst s8  }
0x11: {  	[smem:$0x3FB3] =	sst s9;
	s0 =	simm.s32 @!p0 $0x0  }
0x12: {  	s1 =	sld [smem:$0x3F99];
	s0 =	simm.s32 @p0 $0x1  }
0x13: {  	[smem:$0x3FB4] =	sst s0;
	s0 =	simm.s32 @!p1 $0x0  }
0x14: {  	s2 =	sld [smem:$0x3F98];
	s0 =	simm.s32 @p1 $0x1  }
0x15: {  	[smem:$0x3FB5] =	sst s0;
	s0 =	simm.s32 @!p2 $0x0  }
0x16: {  	s3 =	sld [smem:$0x3FDB];
	s0 =	simm.s32 @p2 $0x1  }
0x17: {  	s4 =	simm.s32 $0x1BF5;
	[smem:$0x3FB7] =	sst s0  }
0x18: {  	s0 =	sld [smem:$0x3F9A];
	_ =	swait.ge [sflag:s4], $0x0  }
0x19: {  	s7 =	sld [smem:$0x3F9B]  }
0x1a: {  	s8 =	sadd.s32 $0xFFFFE003, lr  }
0x1b: {  	s9 =	sadd.s32 $0xFFFFFEF7, lr;
	s5 =	simm.s32 $0xFFFFFFFF;
	p2 =	slt.u32 s8, $0xFFFFF086  }
0x1c: {  	p1 =	slt.u32 s9, $0xF7A;
	s5 =	simm.s32 @!p2 $0x0  }
0x1d: {  	s5 =	simm.s32 @p1 $0x1;
	p0 =	seq.s32 s7, s2  }
0x1e: {  	s7 =	smul.u32 @!p0 $0xF7A, s2;
	p2 =	seq.s32 @!p0 s5, $0x0  }
0x1f: {  	s9 =	smul.u32 $0xF7A, s1;
	s8 =	simm.s32 @!p0 $0x1BF5;
	p2 =	por !p2, p0  }
0x20: {  	[sflag:s8] =	ssyncset.s32 @!p0 $0xFFFFF086;
	s6 =	sadd.s32 @!p0 s3, s7;
	s7 =	simm.s32 @!p0 $0x108  }
0x21: {  	s3 =	sadd.s32 s3, s9;
	s6 =	sadd.s32 @!p0 $0x88, s6;
	s7 =	simm.s32 @p2 $0x1082  }
0x22: {  	[simem:s7], [sflag:s8] =	dma.local @!p0 [hbm:s6], $0xF7A  }
0x23: {  	s9 =	sor.u32 $0xD0000000, s2;
	s6 =	simm.s32 $0x108;
	_ =	swait.ge @!p0 [sflag:s8], $0x0  }
0x24: {  	s3 =	sadd.s32 $0x88, s3;
	s6 =	simm.s32 @!p1 $0x1082;
	[sflag:s4] =	ssyncset.s32 $0xFFFFF086  }
0x25: {  	[simem:s6], [sflag:s4] =	dma.local [hbm:s3], $0xF7A  }
0x26: {  	[smem:$0x3F9B] =	sst s1;
	(tag) =	ssettag s2;
	_ =	strace s9  }
0x27: {  	s1 =	sld [smem:$0x3FAB]  }
0x28: {  	s2 =	sld [smem:$0x3FAC]  }
0x29: {  	s4 =	sld [smem:$0x3FAE]  }
0x2a: {  	p0 =	seq.s32 s5, $0x0;
	s5 =	sld [smem:$0x3FAF]  }
0x2b: {  	s6 =	sld [smem:$0x3FB0]  }
0x2c: {  	s7 =	sld [smem:$0x3FB1]  }
0x2d: {  	s3 =	simm.s32 $0x108;
	s8 =	sld [smem:$0x3FB2]  }
0x2e: {  	s3 =	simm.s32 @!p0 $0x1082;
	s9 =	sld [smem:$0x3FB3]  }
0x2f: {  	lr =	sadd.s32 s0, s3;
	s0 =	sld [smem:$0x3FAA]  }
0x30: {  	s3 =	sld [smem:$0x3FAD]  }
0x31: {  	[smem:$0x3FB6] =	sst s10  }
0x32: {  	s10 =	sld [smem:$0x3FB4];
	_ =	sdelay $0x3  }
0x33: {  	p0 =	seq.s32 s10, $0x1;
	s10 =	sld [smem:$0x3FB6];
	_ =	sdelay $0x3  }
0x34: {  	[smem:$0x3FB6] =	sst s10  }
0x35: {  	s10 =	sld [smem:$0x3FB5];
	_ =	sdelay $0x3  }
0x36: {  	p1 =	seq.s32 s10, $0x1;
	s10 =	sld [smem:$0x3FB6];
	_ =	sdelay $0x3  }
0x37: {  	[smem:$0x3FB6] =	sst s10  }
0x38: {  	s10 =	sld [smem:$0x3FB7]  }
0x39: {  	_ = 	snop;
	(pc) =	sbr.ind lr, $3  }
0x3a: {  	_ = 	snop  }
0x3b: {  	_ = 	snop  }
0x3c: {  	p2 =	seq.s32 s10, $0x1;
	s10 =	sld [smem:$0x3FB6]  }
0x3d: {  	_ =	shalt  }
0x3e: {  	_ =	shalt  }
0x3f: {  	_ =	shalt  }
0x40: {  	_ =	shalt  }
0x41: {  	_ =	shalt  }
0x42: {  	_ =	shalt  }
0x43: {  	_ =	shalt  }
0x44: {  	_ =	shalt  }
0x45: {  	_ =	shalt  }
0x46: {  	_ =	shalt  }
0x47: {  	_ =	shalt  }
0x48: {  	_ =	shalt  }
0x49: {  	_ =	shalt  }
0x4a: {  	_ =	shalt  }
0x4b: {  	_ =	shalt  }
0x4c: {  	_ =	shalt  }
0x4d: {  	_ =	shalt  }
0x4e: {  	_ =	shalt  }
0x4f: {  	_ =	shalt  }
0x50: {  	_ =	shalt  }
0x51: {  	_ =	shalt  }
0x52: {  	_ =	shalt  }
0x53: {  	_ =	shalt  }
0x54: {  	_ =	shalt  }
0x55: {  	_ =	shalt  }
0x56: {  	_ =	shalt  }
0x57: {  	_ =	shalt  }
0x58: {  	_ =	shalt  }
0x59: {  	_ =	shalt  }
0x5a: {  	_ =	shalt  }
0x5b: {  	_ =	shalt  }
0x5c: {  	_ =	shalt  }
0x5d: {  	_ =	shalt  }
0x5e: {  	_ =	shalt  }
0x5f: {  	_ =	shalt  }
0x60: {  	_ =	shalt  }
0x61: {  	_ =	shalt  }
0x62: {  	_ =	shalt  }
0x63: {  	_ =	shalt  }
0x64: {  	_ =	shalt  }
0x65: {  	_ =	shalt  }
0x66: {  	_ =	shalt  }
0x67: {  	_ =	shalt  }
0x68: {  	_ =	shalt  }
0x69: {  	_ =	shalt  }
0x6a: {  	_ =	shalt  }
0x6b: {  	_ =	shalt  }
0x6c: {  	_ =	shalt  }
0x6d: {  	_ =	shalt  }
0x6e: {  	_ =	shalt  }
0x6f: {  	_ =	shalt  }
0x70: {  	_ =	shalt  }
0x71: {  	_ =	shalt  }
0x72: {  	_ =	shalt  }
0x73: {  	_ =	shalt  }
0x74: {  	_ =	shalt  }
0x75: {  	_ =	shalt  }
0x76: {  	_ =	shalt  }
0x77: {  	_ =	shalt  }
0x78: {  	_ =	shalt  }
0x79: {  	_ =	shalt  }
0x7a: {  	_ =	shalt  }
0x7b: {  	_ =	shalt  }
0x7c: {  	_ =	shalt  }
0x7d: {  	_ =	shalt  }
0x7e: {  	_ =	shalt  }
0x7f: {  	_ =	shalt  }
0x80: {  	_ =	shalt  }
0x81: {  	_ =	shalt  }
0x82: {  	_ =	shalt  }
0x83: {  	_ =	shalt  }
0x84: {  	_ =	shalt  }
0x85: {  	_ =	shalt  }
0x86: {  	_ =	shalt  }
0x87: {  	_ =	shalt  }
.Lfunc_end0:
.L_simem_size_0:
called_computation_lowered:
.L_overlay_start_0:
0x88: {  	s2 =	sld [smem:$0x3FD9]  }
0x89: {  	s3 =	sld [smem:$0x3FFE];
	_ =	sdelay $0x1  }
0x8a: {  	s1 =	srdreg.scid  }
0x8b: {  	s0 =	sand.u32 $0x1, s1  }
0x8c: {  	s15 =	sshll.u32 s0, $0xA;
	s2 =	sadd.s32 s3, s2  }
0x8d: {  	s2 =	sadd.s32 s2, s15  }
0x8e: {  	[smem:$0x3FC2] =	sst s2  }
0x8f: {  	_ = 	snop  }
0x90: {  	s2 =	sld [smem:$0x3FD0];
	_ =	sdelay $0x2  }
0x91: {  	s16 =	simm.s32 $0xA;
	s4 =	simm.s32 $0x10  }
0x92: {  	[smem:s4], [sflag:s16] =	dma.local [hbm:s2], $0x1  }
0x93: {  	_ =	swait.eq [sflag:s16], $0x1  }
0x94: {  	[sflag:s16] =	ssyncset.done $0x0  }
0x95: {  	s17 =	sld [smem:$0x10];
	[sflag:s16] =	ssyncadd.s32 $0xFFFFFFFF  }
0x96: {  	s18 =	sld [smem:$0x11];
	(tm) =	ssettm $0x1  }
0x97: {  	s19 =	sld [smem:$0x3FFB];
	_ =	sdelay $0x3  }
0x98: {  	_ =	strace s19  }
0x99: {  	s4 =	sld [smem:$0x3FFC];
	_ =	sdelay $0x3  }
0x9a: {  	_ =	strace s4  }
0x9b: {  	s4 =	sld [smem:$0x3FFD];
	_ =	sdelay $0x3  }
0x9c: {  	_ =	strace s4  }
0x9d: {  	_ =	strace $0x8FFFFFFF  }
0x9e: {  	s20 =	sld [smem:$0x3FDB];
	_ =	sdelay $0x1  }
0x9f: {  	s5 =	simm.s32 $_scs_section_size  }
0xa0: {  	s6 =	simm.s32 $_size__tile_overlayer_lowered;
	s7 =	simm.s32 $_tile_overlayer_lowered  }
0xa1: {  	s23 =	simm.s32 $0x1BFF;
	s22 =	sshll.u32 s7, $0x1;
	s4 =	sadd.s32 s5, s20  }
0xa2: {  	s8 =	simm.s32 $0x0;
	s21 =	sshll.u32 s6, $0x1;
	s6 =	sadd.s32 s22, s4  }
0xa3: {  	[timem:s8], [sflag:s23] =	dma.local [hbm:s6], s21  }
0xa4: {  	_ =	swait.ge [sflag:s23], s21  }
0xa5: {  	s5 =	ssub.s32 $0x0, s21;
	[sflag:s23] =	ssyncset.done $0x0  }
0xa6: {  	[sflag:s23] =	ssyncadd.s32 s5;
	_ =	sdelay $0x1  }
0xa7: {  	s24 =	simm.s32 $0x1B8B  }
0xa8: {  	_ =	swait.ge [sflag:s24], $0x1  }
0xa9: {  	[sflag:s24] =	ssyncset.done $0x0  }
0xaa: {  	s25 =	simm.s32 $0x1B8E;
	[sflag:s24] =	ssyncadd.s32 $0xFFFFFFFF  }
0xab: {  	s26 =	simm.s32 $execute0_lowered;
	[smem:$0x3FD2] =	sst s25  }
0xac: {  	s5 =	sshll.u32 s26, $0x1;
	_ =	strace $0x80000046;
	[dreg:$0x1] =	wrdreg $0xFFFFFFFF  }
0xad: {  	s28 =	simm.s32 $_size_execute0_lowered;
	s4 =	sadd.s32 s4, s5;
	[dreg:$0x0] =	wrdreg $0x0  }
0xae: {  	s5 =	sshll.u32 s28, $0x1;
	[dreg:$0x2] =	wrdreg s4  }
0xaf: {  	[dreg:$0x3] =	wrdreg s5  }
0xb0: {  	[dreg:$0x4] =	wrdreg $0xC0  }
0xb1: {  	_ =	task [dreg:s8], $0x5FFFF  }
0xb2: {  	[dreg:$0x1] =	wrdreg $0xFFFFFFFF  }
0xb3: {  	[dreg:$0x0] =	wrdreg $0x60  }
0xb4: {  	[dreg:$0x2] =	wrdreg s18  }
0xb5: {  	[dreg:$0x3] =	wrdreg s17  }
0xb6: {  	[dreg:$0x4] =	wrdreg $0x0  }
0xb7: {  	[dreg:$0x5] =	wrdreg $0x9  }
0xb8: {  	_ =	task.clear_ibuf [dreg:s8], $0x6FFFF;
	_ =	strace $0x90000046  }
0xb9: {  	s29 =	simm.s32 $0x9;
	_ =	strace $0x80000048  }
0xba: {  	_ =	swait.ge [sflag:s29], $0x1  }
0xbb: {  	[sflag:s29] =	ssyncadd.s32 $0xFFFFFFFF  }
0xbc: {  	_ =	strace $0x90000048  }
0xbd: {  	_ =	sfence  }
0xbe: {  	s30 =	sld [smem:$0x0];
	_ =	sdelay $0x2  }
0xbf: {  	s31 =	sshll.u32 s1, $0xD;
	s1 =	sshrl.u32 s1, $0x2  }
0xc0: {  	s3 =	sand.u32 $0x4000, s31;
	s1 =	sadd.s32 s1, s30  }
0xc1: {  	s0 =	sor.u32 s3, s0;
	s1 =	sshll.u32 s1, $0x11  }
0xc2: {  	s0 =	sor.u32 s1, s0  }
0xc3: {  	s0 =	sadd.s32 $0x8F2B, s0  }
0xc4: {  	[sflag:s0] =	ssyncadd.remote.s32 $0x1  }
0xc5: {  	_ =	sfence.sel $0xFFFF  }
0xc6: {  	[dreg:$0x0] =	wrdreg $0xFFFFFFFF;
	(pc) =	sbr.abs _section_cstart, $3  }
0xc7: {  	[dreg:$0x1] =	wrdreg $0xFFFFFFFF  }
0xc8: {  	_ =	task.clear_ibuf [dreg:s8], $0x2FFFF;
	_ =	strace $0x9FFFFFFF  }
0xc9: {  	(tm) =	ssettm $0x7FFFFFFF  }
tec
execute0_lowered:
.L_overlay_start_1:
0x0: {  	(tag) =	ssettag $0x1  }
0x1: {  	s5 =	rddreg [dreg:$0x0]  }
0x2: {  	s6 =	rddreg [dreg:$0x1]  }
0x3: {  	s2 =	rddreg [dreg:$0x2]  }
0x4: {  	s0 =	rddreg [dreg:$0x3]  }
0x5: {  	s4 =	srdreg.scid;
	s1 =	stileid.u32  }
0x6: {  	s3 =	simm.s32 $0x0;
	s12 =	simm.s32 $0x2D00;
	s15 =	simm.s32 $0x0  }
0x7: {  	s4 =	sand.u32 $0x1, s4;
	s7 =	smul.u32 $0x280, s1;
	[smem:$0x7FF] =	sst s3  }
0x8: {  	s8 =	sshll.u32 s1, $0x1;
	s13 =	sshll.u32 s1, $0x6;
	s9 =	smul.u32 $0x2800, s4  }
0x9: {  	_ =	strace $0x80000047;
	s10 =	ssub.s32 $0x2, s4;
	s4 =	sor.u32 s4, s8  }
0xa: {  	s13 =	sor.u32 $0x1C01, s13;
	s30 =	sshrl.u32 s10, $0x1;
	s11 =	smul.u32 $0x500, s4  }
0xb: {  	s4 =	sadd.s32 s7, s2;
	s9 =	sadd.s32 s7, s9;
	s8 =	ssub.s32 s10, s30  }
0xc: {  	s10 =	simm.s32 $0x280;
	s14 =	sshrl.u32 s4, $0x3;
	s31 =	sshrl.u32 s9, $0x3  }
0xd: {  	s5 =	sadd.s32 s5, s11;
	s7 =	smax.u32 s8, $0x1;
	s8 =	simm.s32 $0x2A80  }
0xe: {  	v0 =	vimm.f32 $0.0e+00;
	v1 =	vimm.f32 $1.000000000e+00;
	s9 =	simm.s32 $0x1;
	s11 =	simm.s32 $0x80;
	s6 =	sadd.s32 s6, s31  }
.LBB2_1:
0xf: {  	[tilespmem:$0x2A80] =	vst v0  }
0x10: {  	[tilespmem:$0x2A90] =	vst v0  }
0x11: {  	[tilespmem:$0x2AA0] =	vst v0  }
0x12: {  	[tilespmem:$0x2AB0] =	vst v0  }
0x13: {  	[tilespmem:$0x2AC0] =	vst v0  }
0x14: {  	[tilespmem:$0x2AD0] =	vst v0  }
0x15: {  	[tilespmem:$0x2AE0] =	vst v0  }
0x16: {  	[tilespmem:$0x2AF0] =	vst v0  }
0x17: {  	[tilespmem:$0x2B00] =	vst v0  }
0x18: {  	[tilespmem:$0x2B10] =	vst v0  }
0x19: {  	[tilespmem:$0x2B20] =	vst v0  }
0x1a: {  	[tilespmem:$0x2B30] =	vst v0  }
0x1b: {  	[tilespmem:$0x2B40] =	vst v0  }
0x1c: {  	[tilespmem:$0x2B50] =	vst v0  }
0x1d: {  	[tilespmem:$0x2B60] =	vst v0  }
0x1e: {  	[tilespmem:$0x2B70] =	vst v0  }
0x1f: {  	[tilespmem:$0x2B80] =	vst v0  }
0x20: {  	[tilespmem:$0x2B90] =	vst v0  }
0x21: {  	[tilespmem:$0x2BA0] =	vst v0  }
0x22: {  	[tilespmem:$0x2BB0] =	vst v0  }
0x23: {  	[tilespmem:$0x2BC0] =	vst v0  }
0x24: {  	[tilespmem:$0x2BD0] =	vst v0  }
0x25: {  	[tilespmem:$0x2BE0] =	vst v0  }
0x26: {  	[tilespmem:$0x2BF0] =	vst v0  }
0x27: {  	[tilespmem:$0x2C00] =	vst v0  }
0x28: {  	[tilespmem:$0x2C10] =	vst v0  }
0x29: {  	[tilespmem:$0x2C20] =	vst v0  }
0x2a: {  	[tilespmem:$0x2C30] =	vst v0  }
0x2b: {  	[tilespmem:$0x2C40] =	vst v0  }
0x2c: {  	[tilespmem:$0x2C50] =	vst v0  }
0x2d: {  	[tilespmem:$0x2C60] =	vst v0  }
0x2e: {  	[tilespmem:$0x2C70] =	vst v0  }
0x2f: {  	[tilespmem:$0x2C80] =	vst v0  }
0x30: {  	[tilespmem:$0x2C90] =	vst v0  }
0x31: {  	[tilespmem:$0x2CA0] =	vst v0  }
0x32: {  	[tilespmem:$0x2CB0] =	vst v0  }
0x33: {  	[tilespmem:$0x2CC0] =	vst v0  }
0x34: {  	[tilespmem:$0x2CD0] =	vst v0  }
0x35: {  	[tilespmem:$0x2CE0] =	vst v0  }
0x36: {  	[tilespmem:$0x2CF0] =	vst v0  }
0x37: {  	[tilespmem:$0x2D00] =	vst v1  }
0x38: {  	[tilespmem:$0x2D10] =	vst v1  }
0x39: {  	[tilespmem:$0x2D20] =	vst v1  }
0x3a: {  	[tilespmem:$0x2D30] =	vst v1  }
0x3b: {  	[tilespmem:$0x2D40] =	vst v1  }
0x3c: {  	[tilespmem:$0x2D50] =	vst v1  }
0x3d: {  	[tilespmem:$0x2D60] =	vst v1  }
0x3e: {  	[tilespmem:$0x2D70] =	vst v1  }
0x3f: {  	[spmem:s4] =	stream.linear.scatter [tilespmem:s8], [sflag:$0x1], $0x280, $0x38;
	[tilespmem:$0x2D80] =	vst v63  }
0x40: {  	_ =	swait.ge [sflag:s9], $0x280  }
0x41: {  	[sflag:s9] =	ssyncset.done $0x0  }
0x42: {  	[sflag:s9] =	ssyncadd.s32 $0xFFFFFD80  }
0x43: {  	[tilespmem:s10], [sflag:$0x1] =	stream.linear.gather [hbm4b:s5+s3], $0x2800, $0x38;
	[tilespmem:$0x2D80] =	vst v63  }
0x44: {  	_ =	swait.ge [sflag:s9], $0x2800  }
0x45: {  	[sflag:s9] =	ssyncset.done $0x0  }
0x46: {  	[sflag:s9] =	ssyncadd.s32 $0xFFFFD800  }
0x47: {  	s16 =	simm.s32 $0x280;
	[bflag:$0x0] =	sbarrier.arrive $0xFFFF  }
0x48: {  	[spmem:s2] =	stream.indirect.scatter.add.f32 [tilespmem:s12], [sflag:$0x1], $0x1, s16, s11, $0xb8;
	[tilespmem:$0x2D80] =	vst v63  }
0x49: {  	s16 =	simm.s32 $0x200;
	_ =	swait.ge [sflag:s9], $0x80  }
.LBB2_2:
0x4a: {  	s17 =	sshra.s32 s16, $0x2;
	[sflag:s9] =	ssyncset.done $0x0;
	p0 =	sne.s32 s16, $0x9E00  }
.Ltmp0:
0x4b: {  	s17 =	sadd.s32 $0x280, s17;
	[sflag:s9] =	ssyncadd.s32 $0xFFFFFF80;
	(pc) =	sbr.rel @p0 .LBB2_2-.Ltmp0, $3  }
0x4c: {  	[spmem:s2] =	stream.indirect.scatter.add.f32 [tilespmem:s12], [sflag:$0x1], $0x1, s17, s11, $0xb8;
	[tilespmem:$0x2D80] =	vst v63  }
0x4d: {  	s16 =	sadd.s32 $0x200, s16;
	_ =	sdelay $0x1  }
0x4e: {  	_ =	swait.ge [sflag:s9], $0x80  }
0x4f: {  	[sflag:s9] =	ssyncset.done $0x0;
	s15 =	sadd.s32 $0x1, s15  }
0x50: {  	[sflag:s9] =	ssyncadd.s32 $0xFFFFFF80;
	p0 =	sne.s32 s15, s7  }
.Ltmp1:
0x51: {  	[bflag:$0x0] =	sbarrier.arrive $0xFFFF;
	(pc) =	sbr.rel @p0 .LBB2_1-.Ltmp1, $4  }
0x52: {  	[hbm:s6], [sflag:s13] =	dma.local [spmem:s14], $0x50  }
0x53: {  	_ =	swait.ge [sflag:s9], $0x50  }
0x54: {  	[sflag:s9] =	ssyncset.done $0x0  }
0x55: {  	[sflag:s9] =	ssyncadd.s32 $0xFFFFFFB0  }
0x56: {  	_ =	sfence.sel $0x180000  }
0x57: {  	[bflag:$0x0] =	sbarrier.arrive $0xFFFF  }
0x58: {  	p0 =	sne.s32 s1, $0x0;
	_ =	strace $0x90000047  }
0x59: {  	s0 =	sadd.s32 @!p0 $0x100000, s0;
	[bflag:$0x2] =	sbarrier.arrive $0xFFFF  }
0x5a: {  	[sflag:s0] =	ssyncadd.tile.s32 @!p0 $0x1;
	_ =	shalt  }
.Lfunc_end2:
_tile_overlayer_lowered:
.L_overlay_start_2:
0x5b: {  	(tag) =	ssettag $0x2  }
0x5c: {  	s0 =	rddreg [dreg:$0x0];
	s2 =	stileid.u32  }
0x5d: {  	s1 =	rddreg [dreg:$0x1];
	p0 =	sne.s32 s2, $0x0  }
0x5e: {  	s3 =	rddreg [dreg:$0x2];
	[bflag:$0x3] =	sbarrier.arrive $0xFFFF;
	s2 =	simm.s32 @!p0 $0x1C01  }
0x5f: {  	[timem:s3], [sflag:s2] =	dma.local @!p0 [hbm:s0], s1  }
0x60: {  	s0 =	simm.s32 @!p0 $0x1  }
0x61: {  	_ =	swait.ge @!p0 [sflag:s0], s1  }
0x62: {  	s1 =	ssub.s32 @!p0 $0x0, s1;
	[sflag:s0] =	ssyncset.done @!p0 $0x0  }
0x63: {  	[sflag:s0] =	ssyncadd.s32 @!p0 s1  }
0x64: {  	[bflag:$0x3] =	sbarrier.arrive $0xFFFF  }
0x65: {  	_ =	shalt  }

</sc_bundles>
